<compile_context>
chip_gen: v7x
topology: tpu7x:2x2x1
jax: 0.10.2.dev20260603
libtpu: 0.0.44.dev20260713+nightly
codegen_flags: <defaults>
</compile_context>

<pallas_src>
import functools

import jax
import jax.numpy as jnp
from jax import lax
from jax.experimental import pallas as pl
from jax.experimental.pallas import tpu as pltpu
from jax.experimental.pallas import tpu_sc as plsc

_NC = 2
_NS = 16
_NW = _NC * _NS

_EPC = 4
_NB = 8


def _comb_body(lt_ref, pt_ref, w_ref, b_ref, comb_ref):
    e = pt_ref[...][:, None, :] + lt_ref[...][None, :, :]
    mu = jnp.mean(e, axis=-1, keepdims=True)
    var = jnp.mean((e - mu) ** 2, axis=-1, keepdims=True)
    normed = (e - mu) / jnp.sqrt(var + 1e-5)
    comb_ref[...] = normed * w_ref[...][None, :, :] + b_ref[...][None, :, :]


def _idx_body(x_ref, idx_ref):
    s = lax.broadcasted_iota(jnp.int32, x_ref.shape, 1)
    idx_ref[...] = x_ref[...] + s * 98


def _make_gather(batch, seq, d, n_chunks, elems_per_w):
    ch = _EPC * seq
    mesh = plsc.VectorSubcoreMesh(core_axis_name="c", subcore_axis_name="s")

    @functools.partial(
        pl.kernel,
        mesh=mesh,
        compiler_params=pltpu.CompilerParams(use_tc_tiling_on_sc=True),
        out_type=jax.ShapeDtypeStruct((batch, seq, d), jnp.float32),
        scratch_types=[
            pltpu.VMEM((n_chunks, ch), jnp.int32),
            *[pltpu.VMEM((ch, d), jnp.float32) for _ in range(_NB)],
            *[pltpu.SemaphoreType.DMA for _ in range(2 * _NB)],
        ],
    )
    def gather_kernel(comb_hbm, idx_hbm, out_hbm, idx_v, *rest):
        bufs = rest[:_NB]
        gsems = rest[_NB:2 * _NB]
        ssems = rest[2 * _NB:]
        wid = lax.axis_index("s") * _NC + lax.axis_index("c")
        ebase = wid * elems_per_w
        pltpu.sync_copy(idx_hbm.at[wid], idx_v)

        def scatter_descs(b, c):
            return [
                pltpu.make_async_copy(
                    bufs[b].at[pl.ds(e * seq, seq)],
                    out_hbm.at[ebase + c * _EPC + e],
                    ssems[b],
                )
                for e in range(_EPC)
            ]

        def body(j, carry):
            gds = []
            for b in range(_NB):
                c = j * _NB + b

                @pl.when(j > 0)
                def _drain(b=b, c=c):
                    for dsc in scatter_descs(b, c):
                        dsc.wait()

                dcp = pltpu.make_async_copy(
                    comb_hbm.at[idx_v.at[c]], bufs[b], gsems[b]
                )
                dcp.start()
                gds.append(dcp)
            for b in range(_NB):
                c = j * _NB + b
                gds[b].wait()
                for dsc in scatter_descs(b, c):
                    dsc.start()
            return carry

        lax.fori_loop(0, n_chunks // _NB, body, 0)
        for b in range(_NB):
            for dsc in scatter_descs(b, 0):
                dsc.wait()

    return gather_kernel


def kernel(x, letter_table, pos_table, ln_w, ln_b):
    batch, seq = x.shape
    nchar, d = letter_table.shape
    elems_per_w = batch // _NW
    n_chunks = elems_per_w // _EPC

    comb = pl.pallas_call(
        _comb_body,
        out_shape=jax.ShapeDtypeStruct((seq, nchar, d), jnp.float32),
    )(
        letter_table,
        pos_table[:seq],
        ln_w.reshape(1, d),
        ln_b.reshape(1, d),
    )

    xb = 1024
    idx2d = pl.pallas_call(
        _idx_body,
        grid=(batch // xb,),
        in_specs=[pl.BlockSpec((xb, seq), lambda i: (i, 0))],
        out_specs=pl.BlockSpec((xb, seq), lambda i: (i, 0)),
        out_shape=jax.ShapeDtypeStruct((batch, seq), jnp.int32),
    )(x)

    comb2 = comb.reshape(seq * nchar, d)
    idx3 = idx2d.reshape(_NW, n_chunks, _EPC * seq)
    return _make_gather(batch, seq, d, n_chunks, elems_per_w)(comb2, idx3)

# --- scband reference (transcript-rebuilt; emitter-appended) ---
"""Pipeline reference for scband-embedding-35751307772044 (READ-ONLY COPY).

The authoritative reference and input builder live on the scoring server;
editing this copy changes nothing except your own understanding.
"""

import jax, jax.numpy as jnp
import numpy as np

D_MODEL = 128
NUM_CHAR = 98
MAXLEN = 25
BATCH = 16384
SEQ = 20

def _pos_table():
    E = D_MODEL
    pe = np.array([[pos / np.power(10000.0, (i - i % 2) / E) for i in range(E)] for pos in range(MAXLEN)], dtype=np.float32)
    pe[:, 0::2] = np.sin(pe[:, 0::2])
    pe[:, 1::2] = np.cos(pe[:, 1::2])
    return jnp.asarray(pe)

def setup_inputs(seed: int = 0):
    key = jax.random.key(seed)
    k1, k2 = jax.random.split(key)
    x = jax.random.randint(k1, (BATCH, SEQ), 0, NUM_CHAR, dtype=jnp.int32)
    letter_table = jax.random.normal(k2, (NUM_CHAR, D_MODEL), dtype=jnp.float32)
    pos_table = _pos_table()
    ln_w = jnp.ones((D_MODEL,), dtype=jnp.float32)
    ln_b = jnp.zeros((D_MODEL,), dtype=jnp.float32)
    return {"x": x, "letter_table": letter_table, "pos_table": pos_table, "ln_w": ln_w, "ln_b": ln_b}

def reference(x, letter_table, pos_table, ln_w, ln_b):
    seq_len = x.shape[1]
    pos_emb = pos_table[:seq_len]                      # [SEQ, D]
    e = jnp.take(letter_table, x, axis=0) + pos_emb[None, :, :]  # [B, SEQ, D]
    mu = jnp.mean(e, axis=-1, keepdims=True)
    var = jnp.mean((e - mu) ** 2, axis=-1, keepdims=True)
    normed = (e - mu) / jnp.sqrt(var + 1e-5)
    # dropout is identity in eval mode
    return normed * ln_w + ln_b

if __name__ == "__main__":
    import jax
    _d = setup_inputs()
    print(jax.jit(kernel)(*tuple(_d.values())))

</pallas_src>

<mosaic_0001>
#map = affine_map<(d0, d1) -> (0, 0)>
#map1 = affine_map<(d0, d1) -> (0, 0, 0)>
module attributes {stable_mosaic.version = 14 : i64} {
  func.func @gather_kernel(%arg0: i32, %arg1: i32, %arg2: memref<1960x128xf32, #tpu.memory_space<hbm>>, %arg3: memref<32x128x80xi32, #tpu.memory_space<hbm>>, %arg4: memref<16384x20x128xf32, #tpu.memory_space<hbm>>, %arg5: memref<128x80xi32, #tpu.memory_space<vmem>>, %arg6: memref<80x128xf32, #tpu.memory_space<vmem>>, %arg7: memref<80x128xf32, #tpu.memory_space<vmem>>, %arg8: memref<80x128xf32, #tpu.memory_space<vmem>>, %arg9: memref<80x128xf32, #tpu.memory_space<vmem>>, %arg10: memref<80x128xf32, #tpu.memory_space<vmem>>, %arg11: memref<80x128xf32, #tpu.memory_space<vmem>>, %arg12: memref<80x128xf32, #tpu.memory_space<vmem>>, %arg13: memref<80x128xf32, #tpu.memory_space<vmem>>, %arg14: memref<!tpu.dma_semaphore, #tpu.memory_space<semaphore_mem>>, %arg15: memref<!tpu.dma_semaphore, #tpu.memory_space<semaphore_mem>>, %arg16: memref<!tpu.dma_semaphore, #tpu.memory_space<semaphore_mem>>, %arg17: memref<!tpu.dma_semaphore, #tpu.memory_space<semaphore_mem>>, %arg18: memref<!tpu.dma_semaphore, #tpu.memory_space<semaphore_mem>>, %arg19: memref<!tpu.dma_semaphore, #tpu.memory_space<semaphore_mem>>, %arg20: memref<!tpu.dma_semaphore, #tpu.memory_space<semaphore_mem>>, %arg21: memref<!tpu.dma_semaphore, #tpu.memory_space<semaphore_mem>>, %arg22: memref<!tpu.dma_semaphore, #tpu.memory_space<semaphore_mem>>, %arg23: memref<!tpu.dma_semaphore, #tpu.memory_space<semaphore_mem>>, %arg24: memref<!tpu.dma_semaphore, #tpu.memory_space<semaphore_mem>>, %arg25: memref<!tpu.dma_semaphore, #tpu.memory_space<semaphore_mem>>, %arg26: memref<!tpu.dma_semaphore, #tpu.memory_space<semaphore_mem>>, %arg27: memref<!tpu.dma_semaphore, #tpu.memory_space<semaphore_mem>>, %arg28: memref<!tpu.dma_semaphore, #tpu.memory_space<semaphore_mem>>, %arg29: memref<!tpu.dma_semaphore, #tpu.memory_space<semaphore_mem>>) attributes {dimension_semantics = [#tpu.dimension_semantics<core_parallel>, #tpu.dimension_semantics<subcore_parallel>], iteration_bounds = array<i64: 2, 16>, scalar_prefetch = 0 : i64, scratch_operands = 25 : i64, tpu.core_type = #tpu.core_type<sc_vector_subcore>, window_params = [{transform_indices = #map}, {transform_indices = #map1}, {transform_indices = #map1}]} {
    %mul3A = arith.constant 2 : i32
    %mul3A_0 = arith.muli %arg1, %mul3A : i32
    %add3A = arith.addi %mul3A_0, %arg0 : i32
    %mul3A_1 = arith.constant 512 : i32
    %mul3A_2 = arith.muli %add3A, %mul3A_1 : i32
    "tpu.region"() ({
      %run_scoped3A = tpu.sem_alloc : memref<!tpu.dma_semaphore, #tpu.memory_space<semaphore_mem>>
      %dma_start3A = arith.constant 0 : i32
      %dma_start3A_583 = arith.constant 0 : i32
      %dma_start3A_584 = tpu.memref_slice %arg3[%add3A, %dma_start3A, %dma_start3A_583] : memref<32x128x80xi32, #tpu.memory_space<hbm>> -> memref<1x128x80xi32, #tpu.memory_space<hbm>>
      %dma_start3A_585 = tpu.memref_squeeze %dma_start3A_584 : memref<1x128x80xi32, #tpu.memory_space<hbm>> -> memref<128x80xi32, #tpu.memory_space<hbm>>
      %dma_start3A_586 = arith.constant 0 : i32
      %dma_start3A_587 = arith.constant 0 : i32
      %dma_start3A_588 = tpu.memref_slice %arg3[%add3A, %dma_start3A_586, %dma_start3A_587] : memref<32x128x80xi32, #tpu.memory_space<hbm>> -> memref<1x128x80xi32, #tpu.memory_space<hbm>>
      %dma_start3A_589 = tpu.memref_squeeze %dma_start3A_588 : memref<1x128x80xi32, #tpu.memory_space<hbm>> -> memref<128x80xi32, #tpu.memory_space<hbm>>
      tpu.enqueue_dma source(%dma_start3A_589 : memref<128x80xi32, #tpu.memory_space<hbm>>) target(%arg5 : memref<128x80xi32, #tpu.memory_space<vmem>>) target_semaphore(%run_scoped3A : memref<!tpu.dma_semaphore, #tpu.memory_space<semaphore_mem>>)
      %dma_wait3A_590 = arith.constant 0 : i32
      %dma_wait3A_591 = arith.constant 0 : i32
      %dma_wait3A_592 = tpu.memref_slice %arg3[%add3A, %dma_wait3A_590, %dma_wait3A_591] : memref<32x128x80xi32, #tpu.memory_space<hbm>> -> memref<1x128x80xi32, #tpu.memory_space<hbm>>
      %dma_wait3A_593 = tpu.memref_squeeze %dma_wait3A_592 : memref<1x128x80xi32, #tpu.memory_space<hbm>> -> memref<128x80xi32, #tpu.memory_space<hbm>>
      %dma_wait3A_594 = arith.constant 0 : i32
      %dma_wait3A_595 = arith.constant 0 : i32
      %dma_wait3A_596 = tpu.memref_slice %arg3[%add3A, %dma_wait3A_594, %dma_wait3A_595] : memref<32x128x80xi32, #tpu.memory_space<hbm>> -> memref<1x128x80xi32, #tpu.memory_space<hbm>>
      %dma_wait3A_597 = tpu.memref_squeeze %dma_wait3A_596 : memref<1x128x80xi32, #tpu.memory_space<hbm>> -> memref<128x80xi32, #tpu.memory_space<hbm>>
      tpu.wait_dma2 semaphore(%run_scoped3A : memref<!tpu.dma_semaphore, #tpu.memory_space<semaphore_mem>>) src(%dma_wait3A_597 : memref<128x80xi32, #tpu.memory_space<hbm>>) dst(%arg5 : memref<128x80xi32, #tpu.memory_space<vmem>>)
      tpu.yield
    }) : () -> ()
    %scan3A = arith.constant 0 : i32
    %scan3A_3 = arith.constant 0 : i32
    %scan3A_4 = arith.constant 16 : i32
    %scan3A_5 = arith.addi %scan3A_3, %scan3A_4 : i32
    %scan3A_6 = arith.constant 1 : i32
    scf.for %scan3A_583 = %scan3A_3 to %scan3A_5 step %scan3A_6  : i32 {
      %mul3A_584 = arith.constant 8 : i32
      %mul3A_585 = arith.muli %scan3A_583, %mul3A_584 : i32
      %add3A_586 = arith.constant 0 : i32
      %add3A_587 = arith.addi %mul3A_585, %add3A_586 : i32
      %gt3A = arith.constant 0 : i32
      %gt3A_588 = arith.cmpi sgt, %scan3A_583, %gt3A : i32
      %convert_element_type3A = arith.extui %gt3A_588 : i1 to i32
      %cond3A = arith.constant 0 : i32
      %cond3A_589 = arith.cmpi ne, %convert_element_type3A, %cond3A : i32
      scf.if %cond3A_589 {
        %mul3A_1388 = arith.constant 4 : i32
        %mul3A_1389 = arith.muli %add3A_587, %mul3A_1388 : i32
        %add3A_1390 = arith.addi %mul3A_2, %mul3A_1389 : i32
        %add3A_1391 = arith.constant 0 : i32
        %add3A_1392 = arith.addi %add3A_1390, %add3A_1391 : i32
        %mul3A_1393 = arith.constant 4 : i32
        %mul3A_1394 = arith.muli %add3A_587, %mul3A_1393 : i32
        %add3A_1395 = arith.addi %mul3A_2, %mul3A_1394 : i32
        %add3A_1396 = arith.constant 1 : i32
        %add3A_1397 = arith.addi %add3A_1395, %add3A_1396 : i32
        %mul3A_1398 = arith.constant 4 : i32
        %mul3A_1399 = arith.muli %add3A_587, %mul3A_1398 : i32
        %add3A_1400 = arith.addi %mul3A_2, %mul3A_1399 : i32
        %add3A_1401 = arith.constant 2 : i32
        %add3A_1402 = arith.addi %add3A_1400, %add3A_1401 : i32
        %mul3A_1403 = arith.constant 4 : i32
        %mul3A_1404 = arith.muli %add3A_587, %mul3A_1403 : i32
        %add3A_1405 = arith.addi %mul3A_2, %mul3A_1404 : i32
        %add3A_1406 = arith.constant 3 : i32
        %add3A_1407 = arith.addi %add3A_1405, %add3A_1406 : i32
        %dma_wait3A_1408 = arith.constant 0 : i32
        %dma_wait3A_1409 = arith.constant 0 : i32
        %dma_wait3A_1410 = tpu.memref_slice %arg6[%dma_wait3A_1408, %dma_wait3A_1409] : memref<80x128xf32, #tpu.memory_space<vmem>> -> memref<20x128xf32, #tpu.memory_space<vmem>>
        %dma_wait3A_1411 = arith.constant 0 : i32
        %dma_wait3A_1412 = arith.constant 0 : i32
        %dma_wait3A_1413 = tpu.memref_slice %arg4[%add3A_1392, %dma_wait3A_1411, %dma_wait3A_1412] : memref<16384x20x128xf32, #tpu.memory_space<hbm>> -> memref<1x20x128xf32, #tpu.memory_space<hbm>>
        %dma_wait3A_1414 = tpu.memref_squeeze %dma_wait3A_1413 : memref<1x20x128xf32, #tpu.memory_space<hbm>> -> memref<20x128xf32, #tpu.memory_space<hbm>>
        %dma_wait3A_1415 = arith.constant 0 : i32
        %dma_wait3A_1416 = arith.constant 0 : i32
        %dma_wait3A_1417 = tpu.memref_slice %arg4[%add3A_1392, %dma_wait3A_1415, %dma_wait3A_1416] : memref<16384x20x128xf32, #tpu.memory_space<hbm>> -> memref<1x20x128xf32, #tpu.memory_space<hbm>>
        %dma_wait3A_1418 = tpu.memref_squeeze %dma_wait3A_1417 : memref<1x20x128xf32, #tpu.memory_space<hbm>> -> memref<20x128xf32, #tpu.memory_space<hbm>>
        %dma_wait3A_1419 = arith.constant 0 : i32
        %dma_wait3A_1420 = arith.constant 0 : i32
        %dma_wait3A_1421 = tpu.memref_slice %arg6[%dma_wait3A_1419, %dma_wait3A_1420] : memref<80x128xf32, #tpu.memory_space<vmem>> -> memref<20x128xf32, #tpu.memory_space<vmem>>
        tpu.wait_dma2 semaphore(%arg22 : memref<!tpu.dma_semaphore, #tpu.memory_space<semaphore_mem>>) src(%dma_wait3A_1421 : memref<20x128xf32, #tpu.memory_space<vmem>>) dst(%dma_wait3A_1418 : memref<20x128xf32, #tpu.memory_space<hbm>>)
        %dma_wait3A_1422 = arith.constant 20 : i32
        %dma_wait3A_1423 = arith.constant 0 : i32
        %dma_wait3A_1424 = tpu.memref_slice %arg6[%dma_wait3A_1422, %dma_wait3A_1423] : memref<80x128xf32, #tpu.memory_space<vmem>> -> memref<20x128xf32, #tpu.memory_space<vmem>>
        %dma_wait3A_1425 = arith.constant 0 : i32
        %dma_wait3A_1426 = arith.constant 0 : i32
        %dma_wait3A_1427 = tpu.memref_slice %arg4[%add3A_1397, %dma_wait3A_1425, %dma_wait3A_1426] : memref<16384x20x128xf32, #tpu.memory_space<hbm>> -> memref<1x20x128xf32, #tpu.memory_space<hbm>>
        %dma_wait3A_1428 = tpu.memref_squeeze %dma_wait3A_1427 : memref<1x20x128xf32, #tpu.memory_space<hbm>> -> memref<20x128xf32, #tpu.memory_space<hbm>>
        %dma_wait3A_1429 = arith.constant 0 : i32
        %dma_wait3A_1430 = arith.constant 0 : i32
        %dma_wait3A_1431 = tpu.memref_slice %arg4[%add3A_1397, %dma_wait3A_1429, %dma_wait3A_1430] : memref<16384x20x128xf32, #tpu.memory_space<hbm>> -> memref<1x20x128xf32, #tpu.memory_space<hbm>>
        %dma_wait3A_1432 = tpu.memref_squeeze %dma_wait3A_1431 : memref<1x20x128xf32, #tpu.memory_space<hbm>> -> memref<20x128xf32, #tpu.memory_space<hbm>>
        %dma_wait3A_1433 = arith.constant 20 : i32
        %dma_wait3A_1434 = arith.constant 0 : i32
        %dma_wait3A_1435 = tpu.memref_slice %arg6[%dma_wait3A_1433, %dma_wait3A_1434] : memref<80x128xf32, #tpu.memory_space<vmem>> -> memref<20x128xf32, #tpu.memory_space<vmem>>
        tpu.wait_dma2 semaphore(%arg22 : memref<!tpu.dma_semaphore, #tpu.memory_space<semaphore_mem>>) src(%dma_wait3A_1435 : memref<20x128xf32, #tpu.memory_space<vmem>>) dst(%dma_wait3A_1432 : memref<20x128xf32, #tpu.memory_space<hbm>>)
        %dma_wait3A_1436 = arith.constant 40 : i32
        %dma_wait3A_1437 = arith.constant 0 : i32
        %dma_wait3A_1438 = tpu.memref_slice %arg6[%dma_wait3A_1436, %dma_wait3A_1437] : memref<80x128xf32, #tpu.memory_space<vmem>> -> memref<20x128xf32, #tpu.memory_space<vmem>>
        %dma_wait3A_1439 = arith.constant 0 : i32
        %dma_wait3A_1440 = arith.constant 0 : i32
        %dma_wait3A_1441 = tpu.memref_slice %arg4[%add3A_1402, %dma_wait3A_1439, %dma_wait3A_1440] : memref<16384x20x128xf32, #tpu.memory_space<hbm>> -> memref<1x20x128xf32, #tpu.memory_space<hbm>>
        %dma_wait3A_1442 = tpu.memref_squeeze %dma_wait3A_1441 : memref<1x20x128xf32, #tpu.memory_space<hbm>> -> memref<20x128xf32, #tpu.memory_space<hbm>>
        %dma_wait3A_1443 = arith.constant 0 : i32
        %dma_wait3A_1444 = arith.constant 0 : i32
        %dma_wait3A_1445 = tpu.memref_slice %arg4[%add3A_1402, %dma_wait3A_1443, %dma_wait3A_1444] : memref<16384x20x128xf32, #tpu.memory_space<hbm>> -> memref<1x20x128xf32, #tpu.memory_space<hbm>>
        %dma_wait3A_1446 = tpu.memref_squeeze %dma_wait3A_1445 : memref<1x20x128xf32, #tpu.memory_space<hbm>> -> memref<20x128xf32, #tpu.memory_space<hbm>>
        %dma_wait3A_1447 = arith.constant 40 : i32
        %dma_wait3A_1448 = arith.constant 0 : i32
        %dma_wait3A_1449 = tpu.memref_slice %arg6[%dma_wait3A_1447, %dma_wait3A_1448] : memref<80x128xf32, #tpu.memory_space<vmem>> -> memref<20x128xf32, #tpu.memory_space<vmem>>
        tpu.wait_dma2 semaphore(%arg22 : memref<!tpu.dma_semaphore, #tpu.memory_space<semaphore_mem>>) src(%dma_wait3A_1449 : memref<20x128xf32, #tpu.memory_space<vmem>>) dst(%dma_wait3A_1446 : memref<20x128xf32, #tpu.memory_space<hbm>>)
        %dma_wait3A_1450 = arith.constant 60 : i32
        %dma_wait3A_1451 = arith.constant 0 : i32
        %dma_wait3A_1452 = tpu.memref_slice %arg6[%dma_wait3A_1450, %dma_wait3A_1451] : memref<80x128xf32, #tpu.memory_space<vmem>> -> memref<20x128xf32, #tpu.memory_space<vmem>>
        %dma_wait3A_1453 = arith.constant 0 : i32
        %dma_wait3A_1454 = arith.constant 0 : i32
        %dma_wait3A_1455 = tpu.memref_slice %arg4[%add3A_1407, %dma_wait3A_1453, %dma_wait3A_1454] : memref<16384x20x128xf32, #tpu.memory_space<hbm>> -> memref<1x20x128xf32, #tpu.memory_space<hbm>>
        %dma_wait3A_1456 = tpu.memref_squeeze %dma_wait3A_1455 : memref<1x20x128xf32, #tpu.memory_space<hbm>> -> memref<20x128xf32, #tpu.memory_space<hbm>>
        %dma_wait3A_1457 = arith.constant 0 : i32
        %dma_wait3A_1458 = arith.constant 0 : i32
        %dma_wait3A_1459 = tpu.memref_slice %arg4[%add3A_1407, %dma_wait3A_1457, %dma_wait3A_1458] : memref<16384x20x128xf32, #tpu.memory_space<hbm>> -> memref<1x20x128xf32, #tpu.memory_space<hbm>>
        %dma_wait3A_1460 = tpu.memref_squeeze %dma_wait3A_1459 : memref<1x20x128xf32, #tpu.memory_space<hbm>> -> memref<20x128xf32, #tpu.memory_space<hbm>>
        %dma_wait3A_1461 = arith.constant 60 : i32
        %dma_wait3A_1462 = arith.constant 0 : i32
        %dma_wait3A_1463 = tpu.memref_slice %arg6[%dma_wait3A_1461, %dma_wait3A_1462] : memref<80x128xf32, #tpu.memory_space<vmem>> -> memref<20x128xf32, #tpu.memory_space<vmem>>
        tpu.wait_dma2 semaphore(%arg22 : memref<!tpu.dma_semaphore, #tpu.memory_space<semaphore_mem>>) src(%dma_wait3A_1463 : memref<20x128xf32, #tpu.memory_space<vmem>>) dst(%dma_wait3A_1460 : memref<20x128xf32, #tpu.memory_space<hbm>>)
      } else {
      }
      %dma_start3A = arith.constant 0 : i32
      %dma_start3A_590 = tpu.memref_slice %arg5[%add3A_587, %dma_start3A] : memref<128x80xi32, #tpu.memory_space<vmem>> -> memref<1x80xi32, #tpu.memory_space<vmem>>
      %dma_start3A_591 = tpu.memref_squeeze %dma_start3A_590 : memref<1x80xi32, #tpu.memory_space<vmem>> -> memref<80xi32, #tpu.memory_space<vmem>>
      %dma_start3A_592 = arith.constant 0 : i32
      %dma_start3A_593 = arith.constant 0 : i32
      %dma_start3A_594 = tpu.memref_slice %arg2[%dma_start3A_592, %dma_start3A_593] : memref<1960x128xf32, #tpu.memory_space<hbm>> -> memref<1960x128xf32, #tpu.memory_space<hbm>>
      tpu.enqueue_indirect_dma source(%dma_start3A_594 : memref<1960x128xf32, #tpu.memory_space<hbm>>) target(%arg6 : memref<80x128xf32, #tpu.memory_space<vmem>>) offsets(%dma_start3A_591 : memref<80xi32, #tpu.memory_space<vmem>>) semaphore(%arg14 : memref<!tpu.dma_semaphore, #tpu.memory_space<semaphore_mem>>)
      %mul3A_595 = arith.constant 8 : i32
      %mul3A_596 = arith.muli %scan3A_583, %mul3A_595 : i32
      %add3A_597 = arith.constant 1 : i32
      %add3A_598 = arith.addi %mul3A_596, %add3A_597 : i32
      %gt3A_599 = arith.constant 0 : i32
      %gt3A_600 = arith.cmpi sgt, %scan3A_583, %gt3A_599 : i32
      %convert_element_type3A_601 = arith.extui %gt3A_600 : i1 to i32
      %cond3A_602 = arith.constant 0 : i32
      %cond3A_603 = arith.cmpi ne, %convert_element_type3A_601, %cond3A_602 : i32
      scf.if %cond3A_603 {
        %mul3A_1388 = arith.constant 4 : i32
        %mul3A_1389 = arith.muli %add3A_598, %mul3A_1388 : i32
        %add3A_1390 = arith.addi %mul3A_2, %mul3A_1389 : i32
        %add3A_1391 = arith.constant 0 : i32
        %add3A_1392 = arith.addi %add3A_1390, %add3A_1391 : i32
        %mul3A_1393 = arith.constant 4 : i32
        %mul3A_1394 = arith.muli %add3A_598, %mul3A_1393 : i32
        %add3A_1395 = arith.addi %mul3A_2, %mul3A_1394 : i32
        %add3A_1396 = arith.constant 1 : i32
        %add3A_1397 = arith.addi %add3A_1395, %add3A_1396 : i32
        %mul3A_1398 = arith.constant 4 : i32
        %mul3A_1399 = arith.muli %add3A_598, %mul3A_1398 : i32
        %add3A_1400 = arith.addi %mul3A_2, %mul3A_1399 : i32
        %add3A_1401 = arith.constant 2 : i32
        %add3A_1402 = arith.addi %add3A_1400, %add3A_1401 : i32
        %mul3A_1403 = arith.constant 4 : i32
        %mul3A_1404 = arith.muli %add3A_598, %mul3A_1403 : i32
        %add3A_1405 = arith.addi %mul3A_2, %mul3A_1404 : i32
        %add3A_1406 = arith.constant 3 : i32
        %add3A_1407 = arith.addi %add3A_1405, %add3A_1406 : i32
        %dma_wait3A_1408 = arith.constant 0 : i32
        %dma_wait3A_1409 = arith.constant 0 : i32
        %dma_wait3A_1410 = tpu.memref_slice %arg7[%dma_wait3A_1408, %dma_wait3A_1409] : memref<80x128xf32, #tpu.memory_space<vmem>> -> memref<20x128xf32, #tpu.memory_space<vmem>>
        %dma_wait3A_1411 = arith.constant 0 : i32
        %dma_wait3A_1412 = arith.constant 0 : i32
        %dma_wait3A_1413 = tpu.memref_slice %arg4[%add3A_1392, %dma_wait3A_1411, %dma_wait3A_1412] : memref<16384x20x128xf32, #tpu.memory_space<hbm>> -> memref<1x20x128xf32, #tpu.memory_space<hbm>>
        %dma_wait3A_1414 = tpu.memref_squeeze %dma_wait3A_1413 : memref<1x20x128xf32, #tpu.memory_space<hbm>> -> memref<20x128xf32, #tpu.memory_space<hbm>>
        %dma_wait3A_1415 = arith.constant 0 : i32
        %dma_wait3A_1416 = arith.constant 0 : i32
        %dma_wait3A_1417 = tpu.memref_slice %arg4[%add3A_1392, %dma_wait3A_1415, %dma_wait3A_1416] : memref<16384x20x128xf32, #tpu.memory_space<hbm>> -> memref<1x20x128xf32, #tpu.memory_space<hbm>>
        %dma_wait3A_1418 = tpu.memref_squeeze %dma_wait3A_1417 : memref<1x20x128xf32, #tpu.memory_space<hbm>> -> memref<20x128xf32, #tpu.memory_space<hbm>>
        %dma_wait3A_1419 = arith.constant 0 : i32
        %dma_wait3A_1420 = arith.constant 0 : i32
        %dma_wait3A_1421 = tpu.memref_slice %arg7[%dma_wait3A_1419, %dma_wait3A_1420] : memref<80x128xf32, #tpu.memory_space<vmem>> -> memref<20x128xf32, #tpu.memory_space<vmem>>
        tpu.wait_dma2 semaphore(%arg23 : memref<!tpu.dma_semaphore, #tpu.memory_space<semaphore_mem>>) src(%dma_wait3A_1421 : memref<20x128xf32, #tpu.memory_space<vmem>>) dst(%dma_wait3A_1418 : memref<20x128xf32, #tpu.memory_space<hbm>>)
        %dma_wait3A_1422 = arith.constant 20 : i32
        %dma_wait3A_1423 = arith.constant 0 : i32
        %dma_wait3A_1424 = tpu.memref_slice %arg7[%dma_wait3A_1422, %dma_wait3A_1423] : memref<80x128xf32, #tpu.memory_space<vmem>> -> memref<20x128xf32, #tpu.memory_space<vmem>>
        %dma_wait3A_1425 = arith.constant 0 : i32
        %dma_wait3A_1426 = arith.constant 0 : i32
        %dma_wait3A_1427 = tpu.memref_slice %arg4[%add3A_1397, %dma_wait3A_1425, %dma_wait3A_1426] : memref<16384x20x128xf32, #tpu.memory_space<hbm>> -> memref<1x20x128xf32, #tpu.memory_space<hbm>>
        %dma_wait3A_1428 = tpu.memref_squeeze %dma_wait3A_1427 : memref<1x20x128xf32, #tpu.memory_space<hbm>> -> memref<20x128xf32, #tpu.memory_space<hbm>>
        %dma_wait3A_1429 = arith.constant 0 : i32
        %dma_wait3A_1430 = arith.constant 0 : i32
        %dma_wait3A_1431 = tpu.memref_slice %arg4[%add3A_1397, %dma_wait3A_1429, %dma_wait3A_1430] : memref<16384x20x128xf32, #tpu.memory_space<hbm>> -> memref<1x20x128xf32, #tpu.memory_space<hbm>>
        %dma_wait3A_1432 = tpu.memref_squeeze %dma_wait3A_1431 : memref<1x20x128xf32, #tpu.memory_space<hbm>> -> memref<20x128xf32, #tpu.memory_space<hbm>>
        %dma_wait3A_1433 = arith.constant 20 : i32
        %dma_wait3A_1434 = arith.constant 0 : i32
        %dma_wait3A_1435 = tpu.memref_slice %arg7[%dma_wait3A_1433, %dma_wait3A_1434] : memref<80x128xf32, #tpu.memory_space<vmem>> -> memref<20x128xf32, #tpu.memory_space<vmem>>
        tpu.wait_dma2 semaphore(%arg23 : memref<!tpu.dma_semaphore, #tpu.memory_space<semaphore_mem>>) src(%dma_wait3A_1435 : memref<20x128xf32, #tpu.memory_space<vmem>>) dst(%dma_wait3A_1432 : memref<20x128xf32, #tpu.memory_space<hbm>>)
        %dma_wait3A_1436 = arith.constant 40 : i32
        %dma_wait3A_1437 = arith.constant 0 : i32
        %dma_wait3A_1438 = tpu.memref_slice %arg7[%dma_wait3A_1436, %dma_wait3A_1437] : memref<80x128xf32, #tpu.memory_space<vmem>> -> memref<20x128xf32, #tpu.memory_space<vmem>>
        %dma_wait3A_1439 = arith.constant 0 : i32
        %dma_wait3A_1440 = arith.constant 0 : i32
        %dma_wait3A_1441 = tpu.memref_slice %arg4[%add3A_1402, %dma_wait3A_1439, %dma_wait3A_1440] : memref<16384x20x128xf32, #tpu.memory_space<hbm>> -> memref<1x20x128xf32, #tpu.memory_space<hbm>>
        %dma_wait3A_1442 = tpu.memref_squeeze %dma_wait3A_1441 : memref<1x20x128xf32, #tpu.memory_space<hbm>> -> memref<20x128xf32, #tpu.memory_space<hbm>>
        %dma_wait3A_1443 = arith.constant 0 : i32
        %dma_wait3A_1444 = arith.constant 0 : i32
        %dma_wait3A_1445 = tpu.memref_slice %arg4[%add3A_1402, %dma_wait3A_1443, %dma_wait3A_1444] : memref<16384x20x128xf32, #tpu.memory_space<hbm>> -> memref<1x20x128xf32, #tpu.memory_space<hbm>>
        %dma_wait3A_1446 = tpu.memref_squeeze %dma_wait3A_1445 : memref<1x20x128xf32, #tpu.memory_space<hbm>> -> memref<20x128xf32, #tpu.memory_space<hbm>>
        %dma_wait3A_1447 = arith.constant 40 : i32
        %dma_wait3A_1448 = arith.constant 0 : i32
        %dma_wait3A_1449 = tpu.memref_slice %arg7[%dma_wait3A_1447, %dma_wait3A_1448] : memref<80x128xf32, #tpu.memory_space<vmem>> -> memref<20x128xf32, #tpu.memory_space<vmem>>
        tpu.wait_dma2 semaphore(%arg23 : memref<!tpu.dma_semaphore, #tpu.memory_space<semaphore_mem>>) src(%dma_wait3A_1449 : memref<20x128xf32, #tpu.memory_space<vmem>>) dst(%dma_wait3A_1446 : memref<20x128xf32, #tpu.memory_space<hbm>>)
        %dma_wait3A_1450 = arith.constant 60 : i32
        %dma_wait3A_1451 = arith.constant 0 : i32
        %dma_wait3A_1452 = tpu.memref_slice %arg7[%dma_wait3A_1450, %dma_wait3A_1451] : memref<80x128xf32, #tpu.memory_space<vmem>> -> memref<20x128xf32, #tpu.memory_space<vmem>>
        %dma_wait3A_1453 = arith.constant 0 : i32
        %dma_wait3A_1454 = arith.constant 0 : i32
        %dma_wait3A_1455 = tpu.memref_slice %arg4[%add3A_1407, %dma_wait3A_1453, %dma_wait3A_1454] : memref<16384x20x128xf32, #tpu.memory_space<hbm>> -> memref<1x20x128xf32, #tpu.memory_space<hbm>>
        %dma_wait3A_1456 = tpu.memref_squeeze %dma_wait3A_1455 : memref<1x20x128xf32, #tpu.memory_space<hbm>> -> memref<20x128xf32, #tpu.memory_space<hbm>>
        %dma_wait3A_1457 = arith.constant 0 : i32
        %dma_wait3A_1458 = arith.constant 0 : i32
        %dma_wait3A_1459 = tpu.memref_slice %arg4[%add3A_1407, %dma_wait3A_1457, %dma_wait3A_1458] : memref<16384x20x128xf32, #tpu.memory_space<hbm>> -> memref<1x20x128xf32, #tpu.memory_space<hbm>>
        %dma_wait3A_1460 = tpu.memref_squeeze %dma_wait3A_1459 : memref<1x20x128xf32, #tpu.memory_space<hbm>> -> memref<20x128xf32, #tpu.memory_space<hbm>>
        %dma_wait3A_1461 = arith.constant 60 : i32
        %dma_wait3A_1462 = arith.constant 0 : i32
        %dma_wait3A_1463 = tpu.memref_slice %arg7[%dma_wait3A_1461, %dma_wait3A_1462] : memref<80x128xf32, #tpu.memory_space<vmem>> -> memref<20x128xf32, #tpu.memory_space<vmem>>
        tpu.wait_dma2 semaphore(%arg23 : memref<!tpu.dma_semaphore, #tpu.memory_space<semaphore_mem>>) src(%dma_wait3A_1463 : memref<20x128xf32, #tpu.memory_space<vmem>>) dst(%dma_wait3A_1460 : memref<20x128xf32, #tpu.memory_space<hbm>>)
      } else {
      }
      %dma_start3A_604 = arith.constant 0 : i32
      %dma_start3A_605 = tpu.memref_slice %arg5[%add3A_598, %dma_start3A_604] : memref<128x80xi32, #tpu.memory_space<vmem>> -> memref<1x80xi32, #tpu.memory_space<vmem>>
      %dma_start3A_606 = tpu.memref_squeeze %dma_start3A_605 : memref<1x80xi32, #tpu.memory_space<vmem>> -> memref<80xi32, #tpu.memory_space<vmem>>
      %dma_start3A_607 = arith.constant 0 : i32
      %dma_start3A_608 = arith.constant 0 : i32
      %dma_start3A_609 = tpu.memref_slice %arg2[%dma_start3A_607, %dma_start3A_608] : memref<1960x128xf32, #tpu.memory_space<hbm>> -> memref<1960x128xf32, #tpu.memory_space<hbm>>
      tpu.enqueue_indirect_dma source(%dma_start3A_609 : memref<1960x128xf32, #tpu.memory_space<hbm>>) target(%arg7 : memref<80x128xf32, #tpu.memory_space<vmem>>) offsets(%dma_start3A_606 : memref<80xi32, #tpu.memory_space<vmem>>) semaphore(%arg15 : memref<!tpu.dma_semaphore, #tpu.memory_space<semaphore_mem>>)
      %mul3A_610 = arith.constant 8 : i32
      %mul3A_611 = arith.muli %scan3A_583, %mul3A_610 : i32
      %add3A_612 = arith.constant 2 : i32
      %add3A_613 = arith.addi %mul3A_611, %add3A_612 : i32
      %gt3A_614 = arith.constant 0 : i32
      %gt3A_615 = arith.cmpi sgt, %scan3A_583, %gt3A_614 : i32
      %convert_element_type3A_616 = arith.extui %gt3A_615 : i1 to i32
      %cond3A_617 = arith.constant 0 : i32
      %cond3A_618 = arith.cmpi ne, %convert_element_type3A_616, %cond3A_617 : i32
      scf.if %cond3A_618 {
        %mul3A_1388 = arith.constant 4 : i32
        %mul3A_1389 = arith.muli %add3A_613, %mul3A_1388 : i32
        %add3A_1390 = arith.addi %mul3A_2, %mul3A_1389 : i32
        %add3A_1391 = arith.constant 0 : i32
        %add3A_1392 = arith.addi %add3A_1390, %add3A_1391 : i32
        %mul3A_1393 = arith.constant 4 : i32
        %mul3A_1394 = arith.muli %add3A_613, %mul3A_1393 : i32
        %add3A_1395 = arith.addi %mul3A_2, %mul3A_1394 : i32
        %add3A_1396 = arith.constant 1 : i32
        %add3A_1397 = arith.addi %add3A_1395, %add3A_1396 : i32
        %mul3A_1398 = arith.constant 4 : i32
        %mul3A_1399 = arith.muli %add3A_613, %mul3A_1398 : i32
        %add3A_1400 = arith.addi %mul3A_2, %mul3A_1399 : i32
        %add3A_1401 = arith.constant 2 : i32
        %add3A_1402 = arith.addi %add3A_1400, %add3A_1401 : i32
        %mul3A_1403 = arith.constant 4 : i32
        %mul3A_1404 = arith.muli %add3A_613, %mul3A_1403 : i32
        %add3A_1405 = arith.addi %mul3A_2, %mul3A_1404 : i32
        %add3A_1406 = arith.constant 3 : i32
        %add3A_1407 = arith.addi %add3A_1405, %add3A_1406 : i32
        %dma_wait3A_1408 = arith.constant 0 : i32
        %dma_wait3A_1409 = arith.constant 0 : i32
        %dma_wait3A_1410 = tpu.memref_slice %arg8[%dma_wait3A_1408, %dma_wait3A_1409] : memref<80x128xf32, #tpu.memory_space<vmem>> -> memref<20x128xf32, #tpu.memory_space<vmem>>
        %dma_wait3A_1411 = arith.constant 0 : i32
        %dma_wait3A_1412 = arith.constant 0 : i32
        %dma_wait3A_1413 = tpu.memref_slice %arg4[%add3A_1392, %dma_wait3A_1411, %dma_wait3A_1412] : memref<16384x20x128xf32, #tpu.memory_space<hbm>> -> memref<1x20x128xf32, #tpu.memory_space<hbm>>
        %dma_wait3A_1414 = tpu.memref_squeeze %dma_wait3A_1413 : memref<1x20x128xf32, #tpu.memory_space<hbm>> -> memref<20x128xf32, #tpu.memory_space<hbm>>
        %dma_wait3A_1415 = arith.constant 0 : i32
        %dma_wait3A_1416 = arith.constant 0 : i32
        %dma_wait3A_1417 = tpu.memref_slice %arg4[%add3A_1392, %dma_wait3A_1415, %dma_wait3A_1416] : memref<16384x20x128xf32, #tpu.memory_space<hbm>> -> memref<1x20x128xf32, #tpu.memory_space<hbm>>
        %dma_wait3A_1418 = tpu.memref_squeeze %dma_wait3A_1417 : memref<1x20x128xf32, #tpu.memory_space<hbm>> -> memref<20x128xf32, #tpu.memory_space<hbm>>
        %dma_wait3A_1419 = arith.constant 0 : i32
        %dma_wait3A_1420 = arith.constant 0 : i32
        %dma_wait3A_1421 = tpu.memref_slice %arg8[%dma_wait3A_1419, %dma_wait3A_1420] : memref<80x128xf32, #tpu.memory_space<vmem>> -> memref<20x128xf32, #tpu.memory_space<vmem>>
        tpu.wait_dma2 semaphore(%arg24 : memref<!tpu.dma_semaphore, #tpu.memory_space<semaphore_mem>>) src(%dma_wait3A_1421 : memref<20x128xf32, #tpu.memory_space<vmem>>) dst(%dma_wait3A_1418 : memref<20x128xf32, #tpu.memory_space<hbm>>)
        %dma_wait3A_1422 = arith.constant 20 : i32
        %dma_wait3A_1423 = arith.constant 0 : i32
        %dma_wait3A_1424 = tpu.memref_slice %arg8[%dma_wait3A_1422, %dma_wait3A_1423] : memref<80x128xf32, #tpu.memory_space<vmem>> -> memref<20x128xf32, #tpu.memory_space<vmem>>
        %dma_wait3A_1425 = arith.constant 0 : i32
        %dma_wait3A_1426 = arith.constant 0 : i32
        %dma_wait3A_1427 = tpu.memref_slice %arg4[%add3A_1397, %dma_wait3A_1425, %dma_wait3A_1426] : memref<16384x20x128xf32, #tpu.memory_space<hbm>> -> memref<1x20x128xf32, #tpu.memory_space<hbm>>
        %dma_wait3A_1428 = tpu.memref_squeeze %dma_wait3A_1427 : memref<1x20x128xf32, #tpu.memory_space<hbm>> -> memref<20x128xf32, #tpu.memory_space<hbm>>
        %dma_wait3A_1429 = arith.constant 0 : i32
        %dma_wait3A_1430 = arith.constant 0 : i32
        %dma_wait3A_1431 = tpu.memref_slice %arg4[%add3A_1397, %dma_wait3A_1429, %dma_wait3A_1430] : memref<16384x20x128xf32, #tpu.memory_space<hbm>> -> memref<1x20x128xf32, #tpu.memory_space<hbm>>
        %dma_wait3A_1432 = tpu.memref_squeeze %dma_wait3A_1431 : memref<1x20x128xf32, #tpu.memory_space<hbm>> -> memref<20x128xf32, #tpu.memory_space<hbm>>
        %dma_wait3A_1433 = arith.constant 20 : i32
        %dma_wait3A_1434 = arith.constant 0 : i32
        %dma_wait3A_1435 = tpu.memref_slice %arg8[%dma_wait3A_1433, %dma_wait3A_1434] : memref<80x128xf32, #tpu.memory_space<vmem>> -> memref<20x128xf32, #tpu.memory_space<vmem>>
        tpu.wait_dma2 semaphore(%arg24 : memref<!tpu.dma_semaphore, #tpu.memory_space<semaphore_mem>>) src(%dma_wait3A_1435 : memref<20x128xf32, #tpu.memory_space<vmem>>) dst(%dma_wait3A_1432 : memref<20x128xf32, #tpu.memory_space<hbm>>)
        %dma_wait3A_1436 = arith.constant 40 : i32
        %dma_wait3A_1437 = arith.constant 0 : i32
        %dma_wait3A_1438 = tpu.memref_slice %arg8[%dma_wait3A_1436, %dma_wait3A_1437] : memref<80x128xf32, #tpu.memory_space<vmem>> -> memref<20x128xf32, #tpu.memory_space<vmem>>
        %dma_wait3A_1439 = arith.constant 0 : i32
        %dma_wait3A_1440 = arith.constant 0 : i32
        %dma_wait3A_1441 = tpu.memref_slice %arg4[%add3A_1402, %dma_wait3A_1439, %dma_wait3A_1440] : memref<16384x20x128xf32, #tpu.memory_space<hbm>> -> memref<1x20x128xf32, #tpu.memory_space<hbm>>
        %dma_wait3A_1442 = tpu.memref_squeeze %dma_wait3A_1441 : memref<1x20x128xf32, #tpu.memory_space<hbm>> -> memref<20x128xf32, #tpu.memory_space<hbm>>
        %dma_wait3A_1443 = arith.constant 0 : i32
        %dma_wait3A_1444 = arith.constant 0 : i32
        %dma_wait3A_1445 = tpu.memref_slice %arg4[%add3A_1402, %dma_wait3A_1443, %dma_wait3A_1444] : memref<16384x20x128xf32, #tpu.memory_space<hbm>> -> memref<1x20x128xf32, #tpu.memory_space<hbm>>
        %dma_wait3A_1446 = tpu.memref_squeeze %dma_wait3A_1445 : memref<1x20x128xf32, #tpu.memory_space<hbm>> -> memref<20x128xf32, #tpu.memory_space<hbm>>
        %dma_wait3A_1447 = arith.constant 40 : i32
        %dma_wait3A_1448 = arith.constant 0 : i32
        %dma_wait3A_1449 = tpu.memref_slice %arg8[%dma_wait3A_1447, %dma_wait3A_1448] : memref<80x128xf32, #tpu.memory_space<vmem>> -> memref<20x128xf32, #tpu.memory_space<vmem>>
        tpu.wait_dma2 semaphore(%arg24 : memref<!tpu.dma_semaphore, #tpu.memory_space<semaphore_mem>>) src(%dma_wait3A_1449 : memref<20x128xf32, #tpu.memory_space<vmem>>) dst(%dma_wait3A_1446 : memref<20x128xf32, #tpu.memory_space<hbm>>)
        %dma_wait3A_1450 = arith.constant 60 : i32
        %dma_wait3A_1451 = arith.constant 0 : i32
        %dma_wait3A_1452 = tpu.memref_slice %arg8[%dma_wait3A_1450, %dma_wait3A_1451] : memref<80x128xf32, #tpu.memory_space<vmem>> -> memref<20x128xf32, #tpu.memory_space<vmem>>
        %dma_wait3A_1453 = arith.constant 0 : i32
        %dma_wait3A_1454 = arith.constant 0 : i32
        %dma_wait3A_1455 = tpu.memref_slice %arg4[%add3A_1407, %dma_wait3A_1453, %dma_wait3A_1454] : memref<16384x20x128xf32, #tpu.memory_space<hbm>> -> memref<1x20x128xf32, #tpu.memory_space<hbm>>
        %dma_wait3A_1456 = tpu.memref_squeeze %dma_wait3A_1455 : memref<1x20x128xf32, #tpu.memory_space<hbm>> -> memref<20x128xf32, #tpu.memory_space<hbm>>
        %dma_wait3A_1457 = arith.constant 0 : i32
        %dma_wait3A_1458 = arith.constant 0 : i32
        %dma_wait3A_1459 = tpu.memref_slice %arg4[%add3A_1407, %dma_wait3A_1457, %dma_wait3A_1458] : memref<16384x20x128xf32, #tpu.memory_space<hbm>> -> memref<1x20x128xf32, #tpu.memory_space<hbm>>
        %dma_wait3A_1460 = tpu.memref_squeeze %dma_wait3A_1459 : memref<1x20x128xf32, #tpu.memory_space<hbm>> -> memref<20x128xf32, #tpu.memory_space<hbm>>
        %dma_wait3A_1461 = arith.constant 60 : i32
        %dma_wait3A_1462 = arith.constant 0 : i32
        %dma_wait3A_1463 = tpu.memref_slice %arg8[%dma_wait3A_1461, %dma_wait3A_1462] : memref<80x128xf32, #tpu.memory_space<vmem>> -> memref<20x128xf32, #tpu.memory_space<vmem>>
        tpu.wait_dma2 semaphore(%arg24 : memref<!tpu.dma_semaphore, #tpu.memory_space<semaphore_mem>>) src(%dma_wait3A_1463 : memref<20x128xf32, #tpu.memory_space<vmem>>) dst(%dma_wait3A_1460 : memref<20x128xf32, #tpu.memory_space<hbm>>)
      } else {
      }
      %dma_start3A_619 = arith.constant 0 : i32
      %dma_start3A_620 = tpu.memref_slice %arg5[%add3A_613, %dma_start3A_619] : memref<128x80xi32, #tpu.memory_space<vmem>> -> memref<1x80xi32, #tpu.memory_space<vmem>>
      %dma_start3A_621 = tpu.memref_squeeze %dma_start3A_620 : memref<1x80xi32, #tpu.memory_space<vmem>> -> memref<80xi32, #tpu.memory_space<vmem>>
      %dma_start3A_622 = arith.constant 0 : i32
      %dma_start3A_623 = arith.constant 0 : i32
      %dma_start3A_624 = tpu.memref_slice %arg2[%dma_start3A_622, %dma_start3A_623] : memref<1960x128xf32, #tpu.memory_space<hbm>> -> memref<1960x128xf32, #tpu.memory_space<hbm>>
      tpu.enqueue_indirect_dma source(%dma_start3A_624 : memref<1960x128xf32, #tpu.memory_space<hbm>>) target(%arg8 : memref<80x128xf32, #tpu.memory_space<vmem>>) offsets(%dma_start3A_621 : memref<80xi32, #tpu.memory_space<vmem>>) semaphore(%arg16 : memref<!tpu.dma_semaphore, #tpu.memory_space<semaphore_mem>>)
      %mul3A_625 = arith.constant 8 : i32
      %mul3A_626 = arith.muli %scan3A_583, %mul3A_625 : i32
      %add3A_627 = arith.constant 3 : i32
      %add3A_628 = arith.addi %mul3A_626, %add3A_627 : i32
      %gt3A_629 = arith.constant 0 : i32
      %gt3A_630 = arith.cmpi sgt, %scan3A_583, %gt3A_629 : i32
      %convert_element_type3A_631 = arith.extui %gt3A_630 : i1 to i32
      %cond3A_632 = arith.constant 0 : i32
      %cond3A_633 = arith.cmpi ne, %convert_element_type3A_631, %cond3A_632 : i32
      scf.if %cond3A_633 {
        %mul3A_1388 = arith.constant 4 : i32
        %mul3A_1389 = arith.muli %add3A_628, %mul3A_1388 : i32
        %add3A_1390 = arith.addi %mul3A_2, %mul3A_1389 : i32
        %add3A_1391 = arith.constant 0 : i32
        %add3A_1392 = arith.addi %add3A_1390, %add3A_1391 : i32
        %mul3A_1393 = arith.constant 4 : i32
        %mul3A_1394 = arith.muli %add3A_628, %mul3A_1393 : i32
        %add3A_1395 = arith.addi %mul3A_2, %mul3A_1394 : i32
        %add3A_1396 = arith.constant 1 : i32
        %add3A_1397 = arith.addi %add3A_1395, %add3A_1396 : i32
        %mul3A_1398 = arith.constant 4 : i32
        %mul3A_1399 = arith.muli %add3A_628, %mul3A_1398 : i32
        %add3A_1400 = arith.addi %mul3A_2, %mul3A_1399 : i32
        %add3A_1401 = arith.constant 2 : i32
        %add3A_1402 = arith.addi %add3A_1400, %add3A_1401 : i32
        %mul3A_1403 = arith.constant 4 : i32
        %mul3A_1404 = arith.muli %add3A_628, %mul3A_1403 : i32
        %add3A_1405 = arith.addi %mul3A_2, %mul3A_1404 : i32
        %add3A_1406 = arith.constant 3 : i32
        %add3A_1407 = arith.addi %add3A_1405, %add3A_1406 : i32
        %dma_wait3A_1408 = arith.constant 0 : i32
        %dma_wait3A_1409 = arith.constant 0 : i32
        %dma_wait3A_1410 = tpu.memref_slice %arg9[%dma_wait3A_1408, %dma_wait3A_1409] : memref<80x128xf32, #tpu.memory_space<vmem>> -> memref<20x128xf32, #tpu.memory_space<vmem>>
        %dma_wait3A_1411 = arith.constant 0 : i32
        %dma_wait3A_1412 = arith.constant 0 : i32
        %dma_wait3A_1413 = tpu.memref_slice %arg4[%add3A_1392, %dma_wait3A_1411, %dma_wait3A_1412] : memref<16384x20x128xf32, #tpu.memory_space<hbm>> -> memref<1x20x128xf32, #tpu.memory_space<hbm>>
        %dma_wait3A_1414 = tpu.memref_squeeze %dma_wait3A_1413 : memref<1x20x128xf32, #tpu.memory_space<hbm>> -> memref<20x128xf32, #tpu.memory_space<hbm>>
        %dma_wait3A_1415 = arith.constant 0 : i32
        %dma_wait3A_1416 = arith.constant 0 : i32
        %dma_wait3A_1417 = tpu.memref_slice %arg4[%add3A_1392, %dma_wait3A_1415, %dma_wait3A_1416] : memref<16384x20x128xf32, #tpu.memory_space<hbm>> -> memref<1x20x128xf32, #tpu.memory_space<hbm>>
        %dma_wait3A_1418 = tpu.memref_squeeze %dma_wait3A_1417 : memref<1x20x128xf32, #tpu.memory_space<hbm>> -> memref<20x128xf32, #tpu.memory_space<hbm>>
        %dma_wait3A_1419 = arith.constant 0 : i32
        %dma_wait3A_1420 = arith.constant 0 : i32
        %dma_wait3A_1421 = tpu.memref_slice %arg9[%dma_wait3A_1419, %dma_wait3A_1420] : memref<80x128xf32, #tpu.memory_space<vmem>> -> memref<20x128xf32, #tpu.memory_space<vmem>>
        tpu.wait_dma2 semaphore(%arg25 : memref<!tpu.dma_semaphore, #tpu.memory_space<semaphore_mem>>) src(%dma_wait3A_1421 : memref<20x128xf32, #tpu.memory_space<vmem>>) dst(%dma_wait3A_1418 : memref<20x128xf32, #tpu.memory_space<hbm>>)
        %dma_wait3A_1422 = arith.constant 20 : i32
        %dma_wait3A_1423 = arith.constant 0 : i32
        %dma_wait3A_1424 = tpu.memref_slice %arg9[%dma_wait3A_1422, %dma_wait3A_1423] : memref<80x128xf32, #tpu.memory_space<vmem>> -> memref<20x128xf32, #tpu.memory_space<vmem>>
        %dma_wait3A_1425 = arith.constant 0 : i32
        %dma_wait3A_1426 = arith.constant 0 : i32
        %dma_wait3A_1427 = tpu.memref_slice %arg4[%add3A_1397, %dma_wait3A_1425, %dma_wait3A_1426] : memref<16384x20x128xf32, #tpu.memory_space<hbm>> -> memref<1x20x128xf32, #tpu.memory_space<hbm>>
        %dma_wait3A_1428 = tpu.memref_squeeze %dma_wait3A_1427 : memref<1x20x128xf32, #tpu.memory_space<hbm>> -> memref<20x128xf32, #tpu.memory_space<hbm>>
        %dma_wait3A_1429 = arith.constant 0 : i32
        %dma_wait3A_1430 = arith.constant 0 : i32
        %dma_wait3A_1431 = tpu.memref_slice %arg4[%add3A_1397, %dma_wait3A_1429, %dma_wait3A_1430] : memref<16384x20x128xf32, #tpu.memory_space<hbm>> -> memref<1x20x128xf32, #tpu.memory_space<hbm>>
        %dma_wait3A_1432 = tpu.memref_squeeze %dma_wait3A_1431 : memref<1x20x128xf32, #tpu.memory_space<hbm>> -> memref<20x128xf32, #tpu.memory_space<hbm>>
        %dma_wait3A_1433 = arith.constant 20 : i32
        %dma_wait3A_1434 = arith.constant 0 : i32
        %dma_wait3A_1435 = tpu.memref_slice %arg9[%dma_wait3A_1433, %dma_wait3A_1434] : memref<80x128xf32, #tpu.memory_space<vmem>> -> memref<20x128xf32, #tpu.memory_space<vmem>>
        tpu.wait_dma2 semaphore(%arg25 : memref<!tpu.dma_semaphore, #tpu.memory_space<semaphore_mem>>) src(%dma_wait3A_1435 : memref<20x128xf32, #tpu.memory_space<vmem>>) dst(%dma_wait3A_1432 : memref<20x128xf32, #tpu.memory_space<hbm>>)
        %dma_wait3A_1436 = arith.constant 40 : i32
        %dma_wait3A_1437 = arith.constant 0 : i32
        %dma_wait3A_1438 = tpu.memref_slice %arg9[%dma_wait3A_1436, %dma_wait3A_1437] : memref<80x128xf32, #tpu.memory_space<vmem>> -> memref<20x128xf32, #tpu.memory_space<vmem>>
        %dma_wait3A_1439 = arith.constant 0 : i32
        %dma_wait3A_1440 = arith.constant 0 : i32
        %dma_wait3A_1441 = tpu.memref_slice %arg4[%add3A_1402, %dma_wait3A_1439, %dma_wait3A_1440] : memref<16384x20x128xf32, #tpu.memory_space<hbm>> -> memref<1x20x128xf32, #tpu.memory_space<hbm>>
        %dma_wait3A_1442 = tpu.memref_squeeze %dma_wait3A_1441 : memref<1x20x128xf32, #tpu.memory_space<hbm>> -> memref<20x128xf32, #tpu.memory_space<hbm>>
        %dma_wait3A_1443 = arith.constant 0 : i32
        %dma_wait3A_1444 = arith.constant 0 : i32
        %dma_wait3A_1445 = tpu.memref_slice %arg4[%add3A_1402, %dma_wait3A_1443, %dma_wait3A_1444] : memref<16384x20x128xf32, #tpu.memory_space<hbm>> -> memref<1x20x128xf32, #tpu.memory_space<hbm>>
        %dma_wait3A_1446 = tpu.memref_squeeze %dma_wait3A_1445 : memref<1x20x128xf32, #tpu.memory_space<hbm>> -> memref<20x128xf32, #tpu.memory_space<hbm>>
        %dma_wait3A_1447 = arith.constant 40 : i32
        %dma_wait3A_1448 = arith.constant 0 : i32
        %dma_wait3A_1449 = tpu.memref_slice %arg9[%dma_wait3A_1447, %dma_wait3A_1448] : memref<80x128xf32, #tpu.memory_space<vmem>> -> memref<20x128xf32, #tpu.memory_space<vmem>>
        tpu.wait_dma2 semaphore(%arg25 : memref<!tpu.dma_semaphore, #tpu.memory_space<semaphore_mem>>) src(%dma_wait3A_1449 : memref<20x128xf32, #tpu.memory_space<vmem>>) dst(%dma_wait3A_1446 : memref<20x128xf32, #tpu.memory_space<hbm>>)
        %dma_wait3A_1450 = arith.constant 60 : i32
        %dma_wait3A_1451 = arith.constant 0 : i32
        %dma_wait3A_1452 = tpu.memref_slice %arg9[%dma_wait3A_1450, %dma_wait3A_1451] : memref<80x128xf32, #tpu.memory_space<vmem>> -> memref<20x128xf32, #tpu.memory_space<vmem>>
        %dma_wait3A_1453 = arith.constant 0 : i32
        %dma_wait3A_1454 = arith.constant 0 : i32
        %dma_wait3A_1455 = tpu.memref_slice %arg4[%add3A_1407, %dma_wait3A_1453, %dma_wait3A_1454] : memref<16384x20x128xf32, #tpu.memory_space<hbm>> -> memref<1x20x128xf32, #tpu.memory_space<hbm>>
        %dma_wait3A_1456 = tpu.memref_squeeze %dma_wait3A_1455 : memref<1x20x128xf32, #tpu.memory_space<hbm>> -> memref<20x128xf32, #tpu.memory_space<hbm>>
        %dma_wait3A_1457 = arith.constant 0 : i32
        %dma_wait3A_1458 = arith.constant 0 : i32
        %dma_wait3A_1459 = tpu.memref_slice %arg4[%add3A_1407, %dma_wait3A_1457, %dma_wait3A_1458] : memref<16384x20x128xf32, #tpu.memory_space<hbm>> -> memref<1x20x128xf32, #tpu.memory_space<hbm>>
        %dma_wait3A_1460 = tpu.memref_squeeze %dma_wait3A_1459 : memref<1x20x128xf32, #tpu.memory_space<hbm>> -> memref<20x128xf32, #tpu.memory_space<hbm>>
        %dma_wait3A_1461 = arith.constant 60 : i32
        %dma_wait3A_1462 = arith.constant 0 : i32
        %dma_wait3A_1463 = tpu.memref_slice %arg9[%dma_wait3A_1461, %dma_wait3A_1462] : memref<80x128xf32, #tpu.memory_space<vmem>> -> memref<20x128xf32, #tpu.memory_space<vmem>>
        tpu.wait_dma2 semaphore(%arg25 : memref<!tpu.dma_semaphore, #tpu.memory_space<semaphore_mem>>) src(%dma_wait3A_1463 : memref<20x128xf32, #tpu.memory_space<vmem>>) dst(%dma_wait3A_1460 : memref<20x128xf32, #tpu.memory_space<hbm>>)
      } else {
      }
      %dma_start3A_634 = arith.constant 0 : i32
      %dma_start3A_635 = tpu.memref_slice %arg5[%add3A_628, %dma_start3A_634] : memref<128x80xi32, #tpu.memory_space<vmem>> -> memref<1x80xi32, #tpu.memory_space<vmem>>
      %dma_start3A_636 = tpu.memref_squeeze %dma_start3A_635 : memref<1x80xi32, #tpu.memory_space<vmem>> -> memref<80xi32, #tpu.memory_space<vmem>>
      %dma_start3A_637 = arith.constant 0 : i32
      %dma_start3A_638 = arith.constant 0 : i32
      %dma_start3A_639 = tpu.memref_slice %arg2[%dma_start3A_637, %dma_start3A_638] : memref<1960x128xf32, #tpu.memory_space<hbm>> -> memref<1960x128xf32, #tpu.memory_space<hbm>>
      tpu.enqueue_indirect_dma source(%dma_start3A_639 : memref<1960x128xf32, #tpu.memory_space<hbm>>) target(%arg9 : memref<80x128xf32, #tpu.memory_space<vmem>>) offsets(%dma_start3A_636 : memref<80xi32, #tpu.memory_space<vmem>>) semaphore(%arg17 : memref<!tpu.dma_semaphore, #tpu.memory_space<semaphore_mem>>)
      %mul3A_640 = arith.constant 8 : i32
      %mul3A_641 = arith.muli %scan3A_583, %mul3A_640 : i32
      %add3A_642 = arith.constant 4 : i32
      %add3A_643 = arith.addi %mul3A_641, %add3A_642 : i32
      %gt3A_644 = arith.constant 0 : i32
      %gt3A_645 = arith.cmpi sgt, %scan3A_583, %gt3A_644 : i32
      %convert_element_type3A_646 = arith.extui %gt3A_645 : i1 to i32
      %cond3A_647 = arith.constant 0 : i32
      %cond3A_648 = arith.cmpi ne, %convert_element_type3A_646, %cond3A_647 : i32
      scf.if %cond3A_648 {
        %mul3A_1388 = arith.constant 4 : i32
        %mul3A_1389 = arith.muli %add3A_643, %mul3A_1388 : i32
        %add3A_1390 = arith.addi %mul3A_2, %mul3A_1389 : i32
        %add3A_1391 = arith.constant 0 : i32
        %add3A_1392 = arith.addi %add3A_1390, %add3A_1391 : i32
        %mul3A_1393 = arith.constant 4 : i32
        %mul3A_1394 = arith.muli %add3A_643, %mul3A_1393 : i32
        %add3A_1395 = arith.addi %mul3A_2, %mul3A_1394 : i32
        %add3A_1396 = arith.constant 1 : i32
        %add3A_1397 = arith.addi %add3A_1395, %add3A_1396 : i32
        %mul3A_1398 = arith.constant 4 : i32
        %mul3A_1399 = arith.muli %add3A_643, %mul3A_1398 : i32
        %add3A_1400 = arith.addi %mul3A_2, %mul3A_1399 : i32
        %add3A_1401 = arith.constant 2 : i32
        %add3A_1402 = arith.addi %add3A_1400, %add3A_1401 : i32
        %mul3A_1403 = arith.constant 4 : i32
        %mul3A_1404 = arith.muli %add3A_643, %mul3A_1403 : i32
        %add3A_1405 = arith.addi %mul3A_2, %mul3A_1404 : i32
        %add3A_1406 = arith.constant 3 : i32
        %add3A_1407 = arith.addi %add3A_1405, %add3A_1406 : i32
        %dma_wait3A_1408 = arith.constant 0 : i32
        %dma_wait3A_1409 = arith.constant 0 : i32
        %dma_wait3A_1410 = tpu.memref_slice %arg10[%dma_wait3A_1408, %dma_wait3A_1409] : memref<80x128xf32, #tpu.memory_space<vmem>> -> memref<20x128xf32, #tpu.memory_space<vmem>>
        %dma_wait3A_1411 = arith.constant 0 : i32
        %dma_wait3A_1412 = arith.constant 0 : i32
        %dma_wait3A_1413 = tpu.memref_slice %arg4[%add3A_1392, %dma_wait3A_1411, %dma_wait3A_1412] : memref<16384x20x128xf32, #tpu.memory_space<hbm>> -> memref<1x20x128xf32, #tpu.memory_space<hbm>>
        %dma_wait3A_1414 = tpu.memref_squeeze %dma_wait3A_1413 : memref<1x20x128xf32, #tpu.memory_space<hbm>> -> memref<20x128xf32, #tpu.memory_space<hbm>>
        %dma_wait3A_1415 = arith.constant 0 : i32
        %dma_wait3A_1416 = arith.constant 0 : i32
        %dma_wait3A_1417 = tpu.memref_slice %arg4[%add3A_1392, %dma_wait3A_1415, %dma_wait3A_1416] : memref<16384x20x128xf32, #tpu.memory_space<hbm>> -> memref<1x20x128xf32, #tpu.memory_space<hbm>>
        %dma_wait3A_1418 = tpu.memref_squeeze %dma_wait3A_1417 : memref<1x20x128xf32, #tpu.memory_space<hbm>> -> memref<20x128xf32, #tpu.memory_space<hbm>>
        %dma_wait3A_1419 = arith.constant 0 : i32
        %dma_wait3A_1420 = arith.constant 0 : i32
        %dma_wait3A_1421 = tpu.memref_slice %arg10[%dma_wait3A_1419, %dma_wait3A_1420] : memref<80x128xf32, #tpu.memory_space<vmem>> -> memref<20x128xf32, #tpu.memory_space<vmem>>
        tpu.wait_dma2 semaphore(%arg26 : memref<!tpu.dma_semaphore, #tpu.memory_space<semaphore_mem>>) src(%dma_wait3A_1421 : memref<20x128xf32, #tpu.memory_space<vmem>>) dst(%dma_wait3A_1418 : memref<20x128xf32, #tpu.memory_space<hbm>>)
        %dma_wait3A_1422 = arith.constant 20 : i32
        %dma_wait3A_1423 = arith.constant 0 : i32
        %dma_wait3A_1424 = tpu.memref_slice %arg10[%dma_wait3A_1422, %dma_wait3A_1423] : memref<80x128xf32, #tpu.memory_space<vmem>> -> memref<20x128xf32, #tpu.memory_space<vmem>>
        %dma_wait3A_1425 = arith.constant 0 : i32
        %dma_wait3A_1426 = arith.constant 0 : i32
        %dma_wait3A_1427 = tpu.memref_slice %arg4[%add3A_1397, %dma_wait3A_1425, %dma_wait3A_1426] : memref<16384x20x128xf32, #tpu.memory_space<hbm>> -> memref<1x20x128xf32, #tpu.memory_space<hbm>>
        %dma_wait3A_1428 = tpu.memref_squeeze %dma_wait3A_1427 : memref<1x20x128xf32, #tpu.memory_space<hbm>> -> memref<20x128xf32, #tpu.memory_space<hbm>>
        %dma_wait3A_1429 = arith.constant 0 : i32
        %dma_wait3A_1430 = arith.constant 0 : i32
        %dma_wait3A_1431 = tpu.memref_slice %arg4[%add3A_1397, %dma_wait3A_1429, %dma_wait3A_1430] : memref<16384x20x128xf32, #tpu.memory_space<hbm>> -> memref<1x20x128xf32, #tpu.memory_space<hbm>>
        %dma_wait3A_1432 = tpu.memref_squeeze %dma_wait3A_1431 : memref<1x20x128xf32, #tpu.memory_space<hbm>> -> memref<20x128xf32, #tpu.memory_space<hbm>>
        %dma_wait3A_1433 = arith.constant 20 : i32
        %dma_wait3A_1434 = arith.constant 0 : i32
        %dma_wait3A_1435 = tpu.memref_slice %arg10[%dma_wait3A_1433, %dma_wait3A_1434] : memref<80x128xf32, #tpu.memory_space<vmem>> -> memref<20x128xf32, #tpu.memory_space<vmem>>
        tpu.wait_dma2 semaphore(%arg26 : memref<!tpu.dma_semaphore, #tpu.memory_space<semaphore_mem>>) src(%dma_wait3A_1435 : memref<20x128xf32, #tpu.memory_space<vmem>>) dst(%dma_wait3A_1432 : memref<20x128xf32, #tpu.memory_space<hbm>>)
        %dma_wait3A_1436 = arith.constant 40 : i32
        %dma_wait3A_1437 = arith.constant 0 : i32
        %dma_wait3A_1438 = tpu.memref_slice %arg10[%dma_wait3A_1436, %dma_wait3A_1437] : memref<80x128xf32, #tpu.memory_space<vmem>> -> memref<20x128xf32, #tpu.memory_space<vmem>>
        %dma_wait3A_1439 = arith.constant 0 : i32
        %dma_wait3A_1440 = arith.constant 0 : i32
        %dma_wait3A_1441 = tpu.memref_slice %arg4[%add3A_1402, %dma_wait3A_1439, %dma_wait3A_1440] : memref<16384x20x128xf32, #tpu.memory_space<hbm>> -> memref<1x20x128xf32, #tpu.memory_space<hbm>>
        %dma_wait3A_1442 = tpu.memref_squeeze %dma_wait3A_1441 : memref<1x20x128xf32, #tpu.memory_space<hbm>> -> memref<20x128xf32, #tpu.memory_space<hbm>>
        %dma_wait3A_1443 = arith.constant 0 : i32
        %dma_wait3A_1444 = arith.constant 0 : i32
        %dma_wait3A_1445 = tpu.memref_slice %arg4[%add3A_1402, %dma_wait3A_1443, %dma_wait3A_1444] : memref<16384x20x128xf32, #tpu.memory_space<hbm>> -> memref<1x20x128xf32, #tpu.memory_space<hbm>>
        %dma_wait3A_1446 = tpu.memref_squeeze %dma_wait3A_1445 : memref<1x20x128xf32, #tpu.memory_space<hbm>> -> memref<20x128xf32, #tpu.memory_space<hbm>>
        %dma_wait3A_1447 = arith.constant 40 : i32
        %dma_wait3A_1448 = arith.constant 0 : i32
        %dma_wait3A_1449 = tpu.memref_slice %arg10[%dma_wait3A_1447, %dma_wait3A_1448] : memref<80x128xf32, #tpu.memory_space<vmem>> -> memref<20x128xf32, #tpu.memory_space<vmem>>
        tpu.wait_dma2 semaphore(%arg26 : memref<!tpu.dma_semaphore, #tpu.memory_space<semaphore_mem>>) src(%dma_wait3A_1449 : memref<20x128xf32, #tpu.memory_space<vmem>>) dst(%dma_wait3A_1446 : memref<20x128xf32, #tpu.memory_space<hbm>>)
        %dma_wait3A_1450 = arith.constant 60 : i32
        %dma_wait3A_1451 = arith.constant 0 : i32
        %dma_wait3A_1452 = tpu.memref_slice %arg10[%dma_wait3A_1450, %dma_wait3A_1451] : memref<80x128xf32, #tpu.memory_space<vmem>> -> memref<20x128xf32, #tpu.memory_space<vmem>>
        %dma_wait3A_1453 = arith.constant 0 : i32
        %dma_wait3A_1454 = arith.constant 0 : i32
        %dma_wait3A_1455 = tpu.memref_slice %arg4[%add3A_1407, %dma_wait3A_1453, %dma_wait3A_1454] : memref<16384x20x128xf32, #tpu.memory_space<hbm>> -> memref<1x20x128xf32, #tpu.memory_space<hbm>>
        %dma_wait3A_1456 = tpu.memref_squeeze %dma_wait3A_1455 : memref<1x20x128xf32, #tpu.memory_space<hbm>> -> memref<20x128xf32, #tpu.memory_space<hbm>>
        %dma_wait3A_1457 = arith.constant 0 : i32
        %dma_wait3A_1458 = arith.constant 0 : i32
        %dma_wait3A_1459 = tpu.memref_slice %arg4[%add3A_1407, %dma_wait3A_1457, %dma_wait3A_1458] : memref<16384x20x128xf32, #tpu.memory_space<hbm>> -> memref<1x20x128xf32, #tpu.memory_space<hbm>>
        %dma_wait3A_1460 = tpu.memref_squeeze %dma_wait3A_1459 : memref<1x20x128xf32, #tpu.memory_space<hbm>> -> memref<20x128xf32, #tpu.memory_space<hbm>>
        %dma_wait3A_1461 = arith.constant 60 : i32
        %dma_wait3A_1462 = arith.constant 0 : i32
        %dma_wait3A_1463 = tpu.memref_slice %arg10[%dma_wait3A_1461, %dma_wait3A_1462] : memref<80x128xf32, #tpu.memory_space<vmem>> -> memref<20x128xf32, #tpu.memory_space<vmem>>
        tpu.wait_dma2 semaphore(%arg26 : memref<!tpu.dma_semaphore, #tpu.memory_space<semaphore_mem>>) src(%dma_wait3A_1463 : memref<20x128xf32, #tpu.memory_space<vmem>>) dst(%dma_wait3A_1460 : memref<20x128xf32, #tpu.memory_space<hbm>>)
      } else {
      }
      %dma_start3A_649 = arith.constant 0 : i32
      %dma_start3A_650 = tpu.memref_slice %arg5[%add3A_643, %dma_start3A_649] : memref<128x80xi32, #tpu.memory_space<vmem>> -> memref<1x80xi32, #tpu.memory_space<vmem>>
      %dma_start3A_651 = tpu.memref_squeeze %dma_start3A_650 : memref<1x80xi32, #tpu.memory_space<vmem>> -> memref<80xi32, #tpu.memory_space<vmem>>
      %dma_start3A_652 = arith.constant 0 : i32
      %dma_start3A_653 = arith.constant 0 : i32
      %dma_start3A_654 = tpu.memref_slice %arg2[%dma_start3A_652, %dma_start3A_653] : memref<1960x128xf32, #tpu.memory_space<hbm>> -> memref<1960x128xf32, #tpu.memory_space<hbm>>
      tpu.enqueue_indirect_dma source(%dma_start3A_654 : memref<1960x128xf32, #tpu.memory_space<hbm>>) target(%arg10 : memref<80x128xf32, #tpu.memory_space<vmem>>) offsets(%dma_start3A_651 : memref<80xi32, #tpu.memory_space<vmem>>) semaphore(%arg18 : memref<!tpu.dma_semaphore, #tpu.memory_space<semaphore_mem>>)
      %mul3A_655 = arith.constant 8 : i32
      %mul3A_656 = arith.muli %scan3A_583, %mul3A_655 : i32
      %add3A_657 = arith.constant 5 : i32
      %add3A_658 = arith.addi %mul3A_656, %add3A_657 : i32
      %gt3A_659 = arith.constant 0 : i32
      %gt3A_660 = arith.cmpi sgt, %scan3A_583, %gt3A_659 : i32
      %convert_element_type3A_661 = arith.extui %gt3A_660 : i1 to i32
      %cond3A_662 = arith.constant 0 : i32
      %cond3A_663 = arith.cmpi ne, %convert_element_type3A_661, %cond3A_662 : i32
      scf.if %cond3A_663 {
        %mul3A_1388 = arith.constant 4 : i32
        %mul3A_1389 = arith.muli %add3A_658, %mul3A_1388 : i32
        %add3A_1390 = arith.addi %mul3A_2, %mul3A_1389 : i32
        %add3A_1391 = arith.constant 0 : i32
        %add3A_1392 = arith.addi %add3A_1390, %add3A_1391 : i32
        %mul3A_1393 = arith.constant 4 : i32
        %mul3A_1394 = arith.muli %add3A_658, %mul3A_1393 : i32
        %add3A_1395 = arith.addi %mul3A_2, %mul3A_1394 : i32
        %add3A_1396 = arith.constant 1 : i32
        %add3A_1397 = arith.addi %add3A_1395, %add3A_1396 : i32
        %mul3A_1398 = arith.constant 4 : i32
        %mul3A_1399 = arith.muli %add3A_658, %mul3A_1398 : i32
        %add3A_1400 = arith.addi %mul3A_2, %mul3A_1399 : i32
        %add3A_1401 = arith.constant 2 : i32
        %add3A_1402 = arith.addi %add3A_1400, %add3A_1401 : i32
        %mul3A_1403 = arith.constant 4 : i32
        %mul3A_1404 = arith.muli %add3A_658, %mul3A_1403 : i32
        %add3A_1405 = arith.addi %mul3A_2, %mul3A_1404 : i32
        %add3A_1406 = arith.constant 3 : i32
        %add3A_1407 = arith.addi %add3A_1405, %add3A_1406 : i32
        %dma_wait3A_1408 = arith.constant 0 : i32
        %dma_wait3A_1409 = arith.constant 0 : i32
        %dma_wait3A_1410 = tpu.memref_slice %arg11[%dma_wait3A_1408, %dma_wait3A_1409] : memref<80x128xf32, #tpu.memory_space<vmem>> -> memref<20x128xf32, #tpu.memory_space<vmem>>
        %dma_wait3A_1411 = arith.constant 0 : i32
        %dma_wait3A_1412 = arith.constant 0 : i32
        %dma_wait3A_1413 = tpu.memref_slice %arg4[%add3A_1392, %dma_wait3A_1411, %dma_wait3A_1412] : memref<16384x20x128xf32, #tpu.memory_space<hbm>> -> memref<1x20x128xf32, #tpu.memory_space<hbm>>
        %dma_wait3A_1414 = tpu.memref_squeeze %dma_wait3A_1413 : memref<1x20x128xf32, #tpu.memory_space<hbm>> -> memref<20x128xf32, #tpu.memory_space<hbm>>
        %dma_wait3A_1415 = arith.constant 0 : i32
        %dma_wait3A_1416 = arith.constant 0 : i32
        %dma_wait3A_1417 = tpu.memref_slice %arg4[%add3A_1392, %dma_wait3A_1415, %dma_wait3A_1416] : memref<16384x20x128xf32, #tpu.memory_space<hbm>> -> memref<1x20x128xf32, #tpu.memory_space<hbm>>
        %dma_wait3A_1418 = tpu.memref_squeeze %dma_wait3A_1417 : memref<1x20x128xf32, #tpu.memory_space<hbm>> -> memref<20x128xf32, #tpu.memory_space<hbm>>
        %dma_wait3A_1419 = arith.constant 0 : i32
        %dma_wait3A_1420 = arith.constant 0 : i32
        %dma_wait3A_1421 = tpu.memref_slice %arg11[%dma_wait3A_1419, %dma_wait3A_1420] : memref<80x128xf32, #tpu.memory_space<vmem>> -> memref<20x128xf32, #tpu.memory_space<vmem>>
        tpu.wait_dma2 semaphore(%arg27 : memref<!tpu.dma_semaphore, #tpu.memory_space<semaphore_mem>>) src(%dma_wait3A_1421 : memref<20x128xf32, #tpu.memory_space<vmem>>) dst(%dma_wait3A_1418 : memref<20x128xf32, #tpu.memory_space<hbm>>)
        %dma_wait3A_1422 = arith.constant 20 : i32
        %dma_wait3A_1423 = arith.constant 0 : i32
        %dma_wait3A_1424 = tpu.memref_slice %arg11[%dma_wait3A_1422, %dma_wait3A_1423] : memref<80x128xf32, #tpu.memory_space<vmem>> -> memref<20x128xf32, #tpu.memory_space<vmem>>
        %dma_wait3A_1425 = arith.constant 0 : i32
        %dma_wait3A_1426 = arith.constant 0 : i32
        %dma_wait3A_1427 = tpu.memref_slice %arg4[%add3A_1397, %dma_wait3A_1425, %dma_wait3A_1426] : memref<16384x20x128xf32, #tpu.memory_space<hbm>> -> memref<1x20x128xf32, #tpu.memory_space<hbm>>
        %dma_wait3A_1428 = tpu.memref_squeeze %dma_wait3A_1427 : memref<1x20x128xf32, #tpu.memory_space<hbm>> -> memref<20x128xf32, #tpu.memory_space<hbm>>
        %dma_wait3A_1429 = arith.constant 0 : i32
        %dma_wait3A_1430 = arith.constant 0 : i32
        %dma_wait3A_1431 = tpu.memref_slice %arg4[%add3A_1397, %dma_wait3A_1429, %dma_wait3A_1430] : memref<16384x20x128xf32, #tpu.memory_space<hbm>> -> memref<1x20x128xf32, #tpu.memory_space<hbm>>
        %dma_wait3A_1432 = tpu.memref_squeeze %dma_wait3A_1431 : memref<1x20x128xf32, #tpu.memory_space<hbm>> -> memref<20x128xf32, #tpu.memory_space<hbm>>
        %dma_wait3A_1433 = arith.constant 20 : i32
        %dma_wait3A_1434 = arith.constant 0 : i32
        %dma_wait3A_1435 = tpu.memref_slice %arg11[%dma_wait3A_1433, %dma_wait3A_1434] : memref<80x128xf32, #tpu.memory_space<vmem>> -> memref<20x128xf32, #tpu.memory_space<vmem>>
        tpu.wait_dma2 semaphore(%arg27 : memref<!tpu.dma_semaphore, #tpu.memory_space<semaphore_mem>>) src(%dma_wait3A_1435 : memref<20x128xf32, #tpu.memory_space<vmem>>) dst(%dma_wait3A_1432 : memref<20x128xf32, #tpu.memory_space<hbm>>)
        %dma_wait3A_1436 = arith.constant 40 : i32
        %dma_wait3A_1437 = arith.constant 0 : i32
        %dma_wait3A_1438 = tpu.memref_slice %arg11[%dma_wait3A_1436, %dma_wait3A_1437] : memref<80x128xf32, #tpu.memory_space<vmem>> -> memref<20x128xf32, #tpu.memory_space<vmem>>
        %dma_wait3A_1439 = arith.constant 0 : i32
        %dma_wait3A_1440 = arith.constant 0 : i32
        %dma_wait3A_1441 = tpu.memref_slice %arg4[%add3A_1402, %dma_wait3A_1439, %dma_wait3A_1440] : memref<16384x20x128xf32, #tpu.memory_space<hbm>> -> memref<1x20x128xf32, #tpu.memory_space<hbm>>
        %dma_wait3A_1442 = tpu.memref_squeeze %dma_wait3A_1441 : memref<1x20x128xf32, #tpu.memory_space<hbm>> -> memref<20x128xf32, #tpu.memory_space<hbm>>
        %dma_wait3A_1443 = arith.constant 0 : i32
        %dma_wait3A_1444 = arith.constant 0 : i32
        %dma_wait3A_1445 = tpu.memref_slice %arg4[%add3A_1402, %dma_wait3A_1443, %dma_wait3A_1444] : memref<16384x20x128xf32, #tpu.memory_space<hbm>> -> memref<1x20x128xf32, #tpu.memory_space<hbm>>
        %dma_wait3A_1446 = tpu.memref_squeeze %dma_wait3A_1445 : memref<1x20x128xf32, #tpu.memory_space<hbm>> -> memref<20x128xf32, #tpu.memory_space<hbm>>
        %dma_wait3A_1447 = arith.constant 40 : i32
        %dma_wait3A_1448 = arith.constant 0 : i32
        %dma_wait3A_1449 = tpu.memref_slice %arg11[%dma_wait3A_1447, %dma_wait3A_1448] : memref<80x128xf32, #tpu.memory_space<vmem>> -> memref<20x128xf32, #tpu.memory_space<vmem>>
        tpu.wait_dma2 semaphore(%arg27 : memref<!tpu.dma_semaphore, #tpu.memory_space<semaphore_mem>>) src(%dma_wait3A_1449 : memref<20x128xf32, #tpu.memory_space<vmem>>) dst(%dma_wait3A_1446 : memref<20x128xf32, #tpu.memory_space<hbm>>)
        %dma_wait3A_1450 = arith.constant 60 : i32
        %dma_wait3A_1451 = arith.constant 0 : i32
        %dma_wait3A_1452 = tpu.memref_slice %arg11[%dma_wait3A_1450, %dma_wait3A_1451] : memref<80x128xf32, #tpu.memory_space<vmem>> -> memref<20x128xf32, #tpu.memory_space<vmem>>
        %dma_wait3A_1453 = arith.constant 0 : i32
        %dma_wait3A_1454 = arith.constant 0 : i32
        %dma_wait3A_1455 = tpu.memref_slice %arg4[%add3A_1407, %dma_wait3A_1453, %dma_wait3A_1454] : memref<16384x20x128xf32, #tpu.memory_space<hbm>> -> memref<1x20x128xf32, #tpu.memory_space<hbm>>
        %dma_wait3A_1456 = tpu.memref_squeeze %dma_wait3A_1455 : memref<1x20x128xf32, #tpu.memory_space<hbm>> -> memref<20x128xf32, #tpu.memory_space<hbm>>
        %dma_wait3A_1457 = arith.constant 0 : i32
        %dma_wait3A_1458 = arith.constant 0 : i32
        %dma_wait3A_1459 = tpu.memref_slice %arg4[%add3A_1407, %dma_wait3A_1457, %dma_wait3A_1458] : memref<16384x20x128xf32, #tpu.memory_space<hbm>> -> memref<1x20x128xf32, #tpu.memory_space<hbm>>
        %dma_wait3A_1460 = tpu.memref_squeeze %dma_wait3A_1459 : memref<1x20x128xf32, #tpu.memory_space<hbm>> -> memref<20x128xf32, #tpu.memory_space<hbm>>
        %dma_wait3A_1461 = arith.constant 60 : i32
        %dma_wait3A_1462 = arith.constant 0 : i32
        %dma_wait3A_1463 = tpu.memref_slice %arg11[%dma_wait3A_1461, %dma_wait3A_1462] : memref<80x128xf32, #tpu.memory_space<vmem>> -> memref<20x128xf32, #tpu.memory_space<vmem>>
        tpu.wait_dma2 semaphore(%arg27 : memref<!tpu.dma_semaphore, #tpu.memory_space<semaphore_mem>>) src(%dma_wait3A_1463 : memref<20x128xf32, #tpu.memory_space<vmem>>) dst(%dma_wait3A_1460 : memref<20x128xf32, #tpu.memory_space<hbm>>)
      } else {
      }
      %dma_start3A_664 = arith.constant 0 : i32
      %dma_start3A_665 = tpu.memref_slice %arg5[%add3A_658, %dma_start3A_664] : memref<128x80xi32, #tpu.memory_space<vmem>> -> memref<1x80xi32, #tpu.memory_space<vmem>>
      %dma_start3A_666 = tpu.memref_squeeze %dma_start3A_665 : memref<1x80xi32, #tpu.memory_space<vmem>> -> memref<80xi32, #tpu.memory_space<vmem>>
      %dma_start3A_667 = arith.constant 0 : i32
      %dma_start3A_668 = arith.constant 0 : i32
      %dma_start3A_669 = tpu.memref_slice %arg2[%dma_start3A_667, %dma_start3A_668] : memref<1960x128xf32, #tpu.memory_space<hbm>> -> memref<1960x128xf32, #tpu.memory_space<hbm>>
      tpu.enqueue_indirect_dma source(%dma_start3A_669 : memref<1960x128xf32, #tpu.memory_space<hbm>>) target(%arg11 : memref<80x128xf32, #tpu.memory_space<vmem>>) offsets(%dma_start3A_666 : memref<80xi32, #tpu.memory_space<vmem>>) semaphore(%arg19 : memref<!tpu.dma_semaphore, #tpu.memory_space<semaphore_mem>>)
      %mul3A_670 = arith.constant 8 : i32
      %mul3A_671 = arith.muli %scan3A_583, %mul3A_670 : i32
      %add3A_672 = arith.constant 6 : i32
      %add3A_673 = arith.addi %mul3A_671, %add3A_672 : i32
      %gt3A_674 = arith.constant 0 : i32
      %gt3A_675 = arith.cmpi sgt, %scan3A_583, %gt3A_674 : i32
      %convert_element_type3A_676 = arith.extui %gt3A_675 : i1 to i32
      %cond3A_677 = arith.constant 0 : i32
      %cond3A_678 = arith.cmpi ne, %convert_element_type3A_676, %cond3A_677 : i32
      scf.if %cond3A_678 {
        %mul3A_1388 = arith.constant 4 : i32
        %mul3A_1389 = arith.muli %add3A_673, %mul3A_1388 : i32
        %add3A_1390 = arith.addi %mul3A_2, %mul3A_1389 : i32
        %add3A_1391 = arith.constant 0 : i32
        %add3A_1392 = arith.addi %add3A_1390, %add3A_1391 : i32
        %mul3A_1393 = arith.constant 4 : i32
        %mul3A_1394 = arith.muli %add3A_673, %mul3A_1393 : i32
        %add3A_1395 = arith.addi %mul3A_2, %mul3A_1394 : i32
        %add3A_1396 = arith.constant 1 : i32
        %add3A_1397 = arith.addi %add3A_1395, %add3A_1396 : i32
        %mul3A_1398 = arith.constant 4 : i32
        %mul3A_1399 = arith.muli %add3A_673, %mul3A_1398 : i32
        %add3A_1400 = arith.addi %mul3A_2, %mul3A_1399 : i32
        %add3A_1401 = arith.constant 2 : i32
        %add3A_1402 = arith.addi %add3A_1400, %add3A_1401 : i32
        %mul3A_1403 = arith.constant 4 : i32
        %mul3A_1404 = arith.muli %add3A_673, %mul3A_1403 : i32
        %add3A_1405 = arith.addi %mul3A_2, %mul3A_1404 : i32
        %add3A_1406 = arith.constant 3 : i32
        %add3A_1407 = arith.addi %add3A_1405, %add3A_1406 : i32
        %dma_wait3A_1408 = arith.constant 0 : i32
        %dma_wait3A_1409 = arith.constant 0 : i32
        %dma_wait3A_1410 = tpu.memref_slice %arg12[%dma_wait3A_1408, %dma_wait3A_1409] : memref<80x128xf32, #tpu.memory_space<vmem>> -> memref<20x128xf32, #tpu.memory_space<vmem>>
        %dma_wait3A_1411 = arith.constant 0 : i32
        %dma_wait3A_1412 = arith.constant 0 : i32
        %dma_wait3A_1413 = tpu.memref_slice %arg4[%add3A_1392, %dma_wait3A_1411, %dma_wait3A_1412] : memref<16384x20x128xf32, #tpu.memory_space<hbm>> -> memref<1x20x128xf32, #tpu.memory_space<hbm>>
        %dma_wait3A_1414 = tpu.memref_squeeze %dma_wait3A_1413 : memref<1x20x128xf32, #tpu.memory_space<hbm>> -> memref<20x128xf32, #tpu.memory_space<hbm>>
        %dma_wait3A_1415 = arith.constant 0 : i32
        %dma_wait3A_1416 = arith.constant 0 : i32
        %dma_wait3A_1417 = tpu.memref_slice %arg4[%add3A_1392, %dma_wait3A_1415, %dma_wait3A_1416] : memref<16384x20x128xf32, #tpu.memory_space<hbm>> -> memref<1x20x128xf32, #tpu.memory_space<hbm>>
        %dma_wait3A_1418 = tpu.memref_squeeze %dma_wait3A_1417 : memref<1x20x128xf32, #tpu.memory_space<hbm>> -> memref<20x128xf32, #tpu.memory_space<hbm>>
        %dma_wait3A_1419 = arith.constant 0 : i32
        %dma_wait3A_1420 = arith.constant 0 : i32
        %dma_wait3A_1421 = tpu.memref_slice %arg12[%dma_wait3A_1419, %dma_wait3A_1420] : memref<80x128xf32, #tpu.memory_space<vmem>> -> memref<20x128xf32, #tpu.memory_space<vmem>>
        tpu.wait_dma2 semaphore(%arg28 : memref<!tpu.dma_semaphore, #tpu.memory_space<semaphore_mem>>) src(%dma_wait3A_1421 : memref<20x128xf32, #tpu.memory_space<vmem>>) dst(%dma_wait3A_1418 : memref<20x128xf32, #tpu.memory_space<hbm>>)
        %dma_wait3A_1422 = arith.constant 20 : i32
        %dma_wait3A_1423 = arith.constant 0 : i32
        %dma_wait3A_1424 = tpu.memref_slice %arg12[%dma_wait3A_1422, %dma_wait3A_1423] : memref<80x128xf32, #tpu.memory_space<vmem>> -> memref<20x128xf32, #tpu.memory_space<vmem>>
        %dma_wait3A_1425 = arith.constant 0 : i32
        %dma_wait3A_1426 = arith.constant 0 : i32
        %dma_wait3A_1427 = tpu.memref_slice %arg4[%add3A_1397, %dma_wait3A_1425, %dma_wait3A_1426] : memref<16384x20x128xf32, #tpu.memory_space<hbm>> -> memref<1x20x128xf32, #tpu.memory_space<hbm>>
        %dma_wait3A_1428 = tpu.memref_squeeze %dma_wait3A_1427 : memref<1x20x128xf32, #tpu.memory_space<hbm>> -> memref<20x128xf32, #tpu.memory_space<hbm>>
        %dma_wait3A_1429 = arith.constant 0 : i32
        %dma_wait3A_1430 = arith.constant 0 : i32
        %dma_wait3A_1431 = tpu.memref_slice %arg4[%add3A_1397, %dma_wait3A_1429, %dma_wait3A_1430] : memref<16384x20x128xf32, #tpu.memory_space<hbm>> -> memref<1x20x128xf32, #tpu.memory_space<hbm>>
        %dma_wait3A_1432 = tpu.memref_squeeze %dma_wait3A_1431 : memref<1x20x128xf32, #tpu.memory_space<hbm>> -> memref<20x128xf32, #tpu.memory_space<hbm>>
        %dma_wait3A_1433 = arith.constant 20 : i32
        %dma_wait3A_1434 = arith.constant 0 : i32
        %dma_wait3A_1435 = tpu.memref_slice %arg12[%dma_wait3A_1433, %dma_wait3A_1434] : memref<80x128xf32, #tpu.memory_space<vmem>> -> memref<20x128xf32, #tpu.memory_space<vmem>>
        tpu.wait_dma2 semaphore(%arg28 : memref<!tpu.dma_semaphore, #tpu.memory_space<semaphore_mem>>) src(%dma_wait3A_1435 : memref<20x128xf32, #tpu.memory_space<vmem>>) dst(%dma_wait3A_1432 : memref<20x128xf32, #tpu.memory_space<hbm>>)
        %dma_wait3A_1436 = arith.constant 40 : i32
        %dma_wait3A_1437 = arith.constant 0 : i32
        %dma_wait3A_1438 = tpu.memref_slice %arg12[%dma_wait3A_1436, %dma_wait3A_1437] : memref<80x128xf32, #tpu.memory_space<vmem>> -> memref<20x128xf32, #tpu.memory_space<vmem>>
        %dma_wait3A_1439 = arith.constant 0 : i32
        %dma_wait3A_1440 = arith.constant 0 : i32
        %dma_wait3A_1441 = tpu.memref_slice %arg4[%add3A_1402, %dma_wait3A_1439, %dma_wait3A_1440] : memref<16384x20x128xf32, #tpu.memory_space<hbm>> -> memref<1x20x128xf32, #tpu.memory_space<hbm>>
        %dma_wait3A_1442 = tpu.memref_squeeze %dma_wait3A_1441 : memref<1x20x128xf32, #tpu.memory_space<hbm>> -> memref<20x128xf32, #tpu.memory_space<hbm>>
        %dma_wait3A_1443 = arith.constant 0 : i32
        %dma_wait3A_1444 = arith.constant 0 : i32
        %dma_wait3A_1445 = tpu.memref_slice %arg4[%add3A_1402, %dma_wait3A_1443, %dma_wait3A_1444] : memref<16384x20x128xf32, #tpu.memory_space<hbm>> -> memref<1x20x128xf32, #tpu.memory_space<hbm>>
        %dma_wait3A_1446 = tpu.memref_squeeze %dma_wait3A_1445 : memref<1x20x128xf32, #tpu.memory_space<hbm>> -> memref<20x128xf32, #tpu.memory_space<hbm>>
        %dma_wait3A_1447 = arith.constant 40 : i32
        %dma_wait3A_1448 = arith.constant 0 : i32
        %dma_wait3A_1449 = tpu.memref_slice %arg12[%dma_wait3A_1447, %dma_wait3A_1448] : memref<80x128xf32, #tpu.memory_space<vmem>> -> memref<20x128xf32, #tpu.memory_space<vmem>>
        tpu.wait_dma2 semaphore(%arg28 : memref<!tpu.dma_semaphore, #tpu.memory_space<semaphore_mem>>) src(%dma_wait3A_1449 : memref<20x128xf32, #tpu.memory_space<vmem>>) dst(%dma_wait3A_1446 : memref<20x128xf32, #tpu.memory_space<hbm>>)
        %dma_wait3A_1450 = arith.constant 60 : i32
        %dma_wait3A_1451 = arith.constant 0 : i32
        %dma_wait3A_1452 = tpu.memref_slice %arg12[%dma_wait3A_1450, %dma_wait3A_1451] : memref<80x128xf32, #tpu.memory_space<vmem>> -> memref<20x128xf32, #tpu.memory_space<vmem>>
        %dma_wait3A_1453 = arith.constant 0 : i32
        %dma_wait3A_1454 = arith.constant 0 : i32
        %dma_wait3A_1455 = tpu.memref_slice %arg4[%add3A_1407, %dma_wait3A_1453, %dma_wait3A_1454] : memref<16384x20x128xf32, #tpu.memory_space<hbm>> -> memref<1x20x128xf32, #tpu.memory_space<hbm>>
        %dma_wait3A_1456 = tpu.memref_squeeze %dma_wait3A_1455 : memref<1x20x128xf32, #tpu.memory_space<hbm>> -> memref<20x128xf32, #tpu.memory_space<hbm>>
        %dma_wait3A_1457 = arith.constant 0 : i32
        %dma_wait3A_1458 = arith.constant 0 : i32
        %dma_wait3A_1459 = tpu.memref_slice %arg4[%add3A_1407, %dma_wait3A_1457, %dma_wait3A_1458] : memref<16384x20x128xf32, #tpu.memory_space<hbm>> -> memref<1x20x128xf32, #tpu.memory_space<hbm>>
        %dma_wait3A_1460 = tpu.memref_squeeze %dma_wait3A_1459 : memref<1x20x128xf32, #tpu.memory_space<hbm>> -> memref<20x128xf32, #tpu.memory_space<hbm>>
        %dma_wait3A_1461 = arith.constant 60 : i32
        %dma_wait3A_1462 = arith.constant 0 : i32
        %dma_wait3A_1463 = tpu.memref_slice %arg12[%dma_wait3A_1461, %dma_wait3A_1462] : memref<80x128xf32, #tpu.memory_space<vmem>> -> memref<20x128xf32, #tpu.memory_space<vmem>>
        tpu.wait_dma2 semaphore(%arg28 : memref<!tpu.dma_semaphore, #tpu.memory_space<semaphore_mem>>) src(%dma_wait3A_1463 : memref<20x128xf32, #tpu.memory_space<vmem>>) dst(%dma_wait3A_1460 : memref<20x128xf32, #tpu.memory_space<hbm>>)
      } else {
      }
      %dma_start3A_679 = arith.constant 0 : i32
      %dma_start3A_680 = tpu.memref_slice %arg5[%add3A_673, %dma_start3A_679] : memref<128x80xi32, #tpu.memory_space<vmem>> -> memref<1x80xi32, #tpu.memory_space<vmem>>
      %dma_start3A_681 = tpu.memref_squeeze %dma_start3A_680 : memref<1x80xi32, #tpu.memory_space<vmem>> -> memref<80xi32, #tpu.memory_space<vmem>>
      %dma_start3A_682 = arith.constant 0 : i32
      %dma_start3A_683 = arith.constant 0 : i32
      %dma_start3A_684 = tpu.memref_slice %arg2[%dma_start3A_682, %dma_start3A_683] : memref<1960x128xf32, #tpu.memory_space<hbm>> -> memref<1960x128xf32, #tpu.memory_space<hbm>>
      tpu.enqueue_indirect_dma source(%dma_start3A_684 : memref<1960x128xf32, #tpu.memory_space<hbm>>) target(%arg12 : memref<80x128xf32, #tpu.memory_space<vmem>>) offsets(%dma_start3A_681 : memref<80xi32, #tpu.memory_space<vmem>>) semaphore(%arg20 : memref<!tpu.dma_semaphore, #tpu.memory_space<semaphore_mem>>)
      %mul3A_685 = arith.constant 8 : i32
      %mul3A_686 = arith.muli %scan3A_583, %mul3A_685 : i32
      %add3A_687 = arith.constant 7 : i32
      %add3A_688 = arith.addi %mul3A_686, %add3A_687 : i32
      %gt3A_689 = arith.constant 0 : i32
      %gt3A_690 = arith.cmpi sgt, %scan3A_583, %gt3A_689 : i32
      %convert_element_type3A_691 = arith.extui %gt3A_690 : i1 to i32
      %cond3A_692 = arith.constant 0 : i32
      %cond3A_693 = arith.cmpi ne, %convert_element_type3A_691, %cond3A_692 : i32
      scf.if %cond3A_693 {
        %mul3A_1388 = arith.constant 4 : i32
        %mul3A_1389 = arith.muli %add3A_688, %mul3A_1388 : i32
        %add3A_1390 = arith.addi %mul3A_2, %mul3A_1389 : i32
        %add3A_1391 = arith.constant 0 : i32
        %add3A_1392 = arith.addi %add3A_1390, %add3A_1391 : i32
        %mul3A_1393 = arith.constant 4 : i32
        %mul3A_1394 = arith.muli %add3A_688, %mul3A_1393 : i32
        %add3A_1395 = arith.addi %mul3A_2, %mul3A_1394 : i32
        %add3A_1396 = arith.constant 1 : i32
        %add3A_1397 = arith.addi %add3A_1395, %add3A_1396 : i32
        %mul3A_1398 = arith.constant 4 : i32
        %mul3A_1399 = arith.muli %add3A_688, %mul3A_1398 : i32
        %add3A_1400 = arith.addi %mul3A_2, %mul3A_1399 : i32
        %add3A_1401 = arith.constant 2 : i32
        %add3A_1402 = arith.addi %add3A_1400, %add3A_1401 : i32
        %mul3A_1403 = arith.constant 4 : i32
        %mul3A_1404 = arith.muli %add3A_688, %mul3A_1403 : i32
        %add3A_1405 = arith.addi %mul3A_2, %mul3A_1404 : i32
        %add3A_1406 = arith.constant 3 : i32
        %add3A_1407 = arith.addi %add3A_1405, %add3A_1406 : i32
        %dma_wait3A_1408 = arith.constant 0 : i32
        %dma_wait3A_1409 = arith.constant 0 : i32
        %dma_wait3A_1410 = tpu.memref_slice %arg13[%dma_wait3A_1408, %dma_wait3A_1409] : memref<80x128xf32, #tpu.memory_space<vmem>> -> memref<20x128xf32, #tpu.memory_space<vmem>>
        %dma_wait3A_1411 = arith.constant 0 : i32
        %dma_wait3A_1412 = arith.constant 0 : i32
        %dma_wait3A_1413 = tpu.memref_slice %arg4[%add3A_1392, %dma_wait3A_1411, %dma_wait3A_1412] : memref<16384x20x128xf32, #tpu.memory_space<hbm>> -> memref<1x20x128xf32, #tpu.memory_space<hbm>>
        %dma_wait3A_1414 = tpu.memref_squeeze %dma_wait3A_1413 : memref<1x20x128xf32, #tpu.memory_space<hbm>> -> memref<20x128xf32, #tpu.memory_space<hbm>>
        %dma_wait3A_1415 = arith.constant 0 : i32
        %dma_wait3A_1416 = arith.constant 0 : i32
        %dma_wait3A_1417 = tpu.memref_slice %arg4[%add3A_1392, %dma_wait3A_1415, %dma_wait3A_1416] : memref<16384x20x128xf32, #tpu.memory_space<hbm>> -> memref<1x20x128xf32, #tpu.memory_space<hbm>>
        %dma_wait3A_1418 = tpu.memref_squeeze %dma_wait3A_1417 : memref<1x20x128xf32, #tpu.memory_space<hbm>> -> memref<20x128xf32, #tpu.memory_space<hbm>>
        %dma_wait3A_1419 = arith.constant 0 : i32
        %dma_wait3A_1420 = arith.constant 0 : i32
        %dma_wait3A_1421 = tpu.memref_slice %arg13[%dma_wait3A_1419, %dma_wait3A_1420] : memref<80x128xf32, #tpu.memory_space<vmem>> -> memref<20x128xf32, #tpu.memory_space<vmem>>
        tpu.wait_dma2 semaphore(%arg29 : memref<!tpu.dma_semaphore, #tpu.memory_space<semaphore_mem>>) src(%dma_wait3A_1421 : memref<20x128xf32, #tpu.memory_space<vmem>>) dst(%dma_wait3A_1418 : memref<20x128xf32, #tpu.memory_space<hbm>>)
        %dma_wait3A_1422 = arith.constant 20 : i32
        %dma_wait3A_1423 = arith.constant 0 : i32
        %dma_wait3A_1424 = tpu.memref_slice %arg13[%dma_wait3A_1422, %dma_wait3A_1423] : memref<80x128xf32, #tpu.memory_space<vmem>> -> memref<20x128xf32, #tpu.memory_space<vmem>>
        %dma_wait3A_1425 = arith.constant 0 : i32
        %dma_wait3A_1426 = arith.constant 0 : i32
        %dma_wait3A_1427 = tpu.memref_slice %arg4[%add3A_1397, %dma_wait3A_1425, %dma_wait3A_1426] : memref<16384x20x128xf32, #tpu.memory_space<hbm>> -> memref<1x20x128xf32, #tpu.memory_space<hbm>>
        %dma_wait3A_1428 = tpu.memref_squeeze %dma_wait3A_1427 : memref<1x20x128xf32, #tpu.memory_space<hbm>> -> memref<20x128xf32, #tpu.memory_space<hbm>>
        %dma_wait3A_1429 = arith.constant 0 : i32
        %dma_wait3A_1430 = arith.constant 0 : i32
        %dma_wait3A_1431 = tpu.memref_slice %arg4[%add3A_1397, %dma_wait3A_1429, %dma_wait3A_1430] : memref<16384x20x128xf32, #tpu.memory_space<hbm>> -> memref<1x20x128xf32, #tpu.memory_space<hbm>>
        %dma_wait3A_1432 = tpu.memref_squeeze %dma_wait3A_1431 : memref<1x20x128xf32, #tpu.memory_space<hbm>> -> memref<20x128xf32, #tpu.memory_space<hbm>>
        %dma_wait3A_1433 = arith.constant 20 : i32
        %dma_wait3A_1434 = arith.constant 0 : i32
        %dma_wait3A_1435 = tpu.memref_slice %arg13[%dma_wait3A_1433, %dma_wait3A_1434] : memref<80x128xf32, #tpu.memory_space<vmem>> -> memref<20x128xf32, #tpu.memory_space<vmem>>
        tpu.wait_dma2 semaphore(%arg29 : memref<!tpu.dma_semaphore, #tpu.memory_space<semaphore_mem>>) src(%dma_wait3A_1435 : memref<20x128xf32, #tpu.memory_space<vmem>>) dst(%dma_wait3A_1432 : memref<20x128xf32, #tpu.memory_space<hbm>>)
        %dma_wait3A_1436 = arith.constant 40 : i32
        %dma_wait3A_1437 = arith.constant 0 : i32
        %dma_wait3A_1438 = tpu.memref_slice %arg13[%dma_wait3A_1436, %dma_wait3A_1437] : memref<80x128xf32, #tpu.memory_space<vmem>> -> memref<20x128xf32, #tpu.memory_space<vmem>>
        %dma_wait3A_1439 = arith.constant 0 : i32
        %dma_wait3A_1440 = arith.constant 0 : i32
        %dma_wait3A_1441 = tpu.memref_slice %arg4[%add3A_1402, %dma_wait3A_1439, %dma_wait3A_1440] : memref<16384x20x128xf32, #tpu.memory_space<hbm>> -> memref<1x20x128xf32, #tpu.memory_space<hbm>>
        %dma_wait3A_1442 = tpu.memref_squeeze %dma_wait3A_1441 : memref<1x20x128xf32, #tpu.memory_space<hbm>> -> memref<20x128xf32, #tpu.memory_space<hbm>>
        %dma_wait3A_1443 = arith.constant 0 : i32
        %dma_wait3A_1444 = arith.constant 0 : i32
        %dma_wait3A_1445 = tpu.memref_slice %arg4[%add3A_1402, %dma_wait3A_1443, %dma_wait3A_1444] : memref<16384x20x128xf32, #tpu.memory_space<hbm>> -> memref<1x20x128xf32, #tpu.memory_space<hbm>>
        %dma_wait3A_1446 = tpu.memref_squeeze %dma_wait3A_1445 : memref<1x20x128xf32, #tpu.memory_space<hbm>> -> memref<20x128xf32, #tpu.memory_space<hbm>>
        %dma_wait3A_1447 = arith.constant 40 : i32
        %dma_wait3A_1448 = arith.constant 0 : i32
        %dma_wait3A_1449 = tpu.memref_slice %arg13[%dma_wait3A_1447, %dma_wait3A_1448] : memref<80x128xf32, #tpu.memory_space<vmem>> -> memref<20x128xf32, #tpu.memory_space<vmem>>
        tpu.wait_dma2 semaphore(%arg29 : memref<!tpu.dma_semaphore, #tpu.memory_space<semaphore_mem>>) src(%dma_wait3A_1449 : memref<20x128xf32, #tpu.memory_space<vmem>>) dst(%dma_wait3A_1446 : memref<20x128xf32, #tpu.memory_space<hbm>>)
        %dma_wait3A_1450 = arith.constant 60 : i32
        %dma_wait3A_1451 = arith.constant 0 : i32
        %dma_wait3A_1452 = tpu.memref_slice %arg13[%dma_wait3A_1450, %dma_wait3A_1451] : memref<80x128xf32, #tpu.memory_space<vmem>> -> memref<20x128xf32, #tpu.memory_space<vmem>>
        %dma_wait3A_1453 = arith.constant 0 : i32
        %dma_wait3A_1454 = arith.constant 0 : i32
        %dma_wait3A_1455 = tpu.memref_slice %arg4[%add3A_1407, %dma_wait3A_1453, %dma_wait3A_1454] : memref<16384x20x128xf32, #tpu.memory_space<hbm>> -> memref<1x20x128xf32, #tpu.memory_space<hbm>>
        %dma_wait3A_1456 = tpu.memref_squeeze %dma_wait3A_1455 : memref<1x20x128xf32, #tpu.memory_space<hbm>> -> memref<20x128xf32, #tpu.memory_space<hbm>>
        %dma_wait3A_1457 = arith.constant 0 : i32
        %dma_wait3A_1458 = arith.constant 0 : i32
        %dma_wait3A_1459 = tpu.memref_slice %arg4[%add3A_1407, %dma_wait3A_1457, %dma_wait3A_1458] : memref<16384x20x128xf32, #tpu.memory_space<hbm>> -> memref<1x20x128xf32, #tpu.memory_space<hbm>>
        %dma_wait3A_1460 = tpu.memref_squeeze %dma_wait3A_1459 : memref<1x20x128xf32, #tpu.memory_space<hbm>> -> memref<20x128xf32, #tpu.memory_space<hbm>>
        %dma_wait3A_1461 = arith.constant 60 : i32
        %dma_wait3A_1462 = arith.constant 0 : i32
        %dma_wait3A_1463 = tpu.memref_slice %arg13[%dma_wait3A_1461, %dma_wait3A_1462] : memref<80x128xf32, #tpu.memory_space<vmem>> -> memref<20x128xf32, #tpu.memory_space<vmem>>
        tpu.wait_dma2 semaphore(%arg29 : memref<!tpu.dma_semaphore, #tpu.memory_space<semaphore_mem>>) src(%dma_wait3A_1463 : memref<20x128xf32, #tpu.memory_space<vmem>>) dst(%dma_wait3A_1460 : memref<20x128xf32, #tpu.memory_space<hbm>>)
      } else {
      }
      %dma_start3A_694 = arith.constant 0 : i32
      %dma_start3A_695 = tpu.memref_slice %arg5[%add3A_688, %dma_start3A_694] : memref<128x80xi32, #tpu.memory_space<vmem>> -> memref<1x80xi32, #tpu.memory_space<vmem>>
      %dma_start3A_696 = tpu.memref_squeeze %dma_start3A_695 : memref<1x80xi32, #tpu.memory_space<vmem>> -> memref<80xi32, #tpu.memory_space<vmem>>
      %dma_start3A_697 = arith.constant 0 : i32
      %dma_start3A_698 = arith.constant 0 : i32
      %dma_start3A_699 = tpu.memref_slice %arg2[%dma_start3A_697, %dma_start3A_698] : memref<1960x128xf32, #tpu.memory_space<hbm>> -> memref<1960x128xf32, #tpu.memory_space<hbm>>
      tpu.enqueue_indirect_dma source(%dma_start3A_699 : memref<1960x128xf32, #tpu.memory_space<hbm>>) target(%arg13 : memref<80x128xf32, #tpu.memory_space<vmem>>) offsets(%dma_start3A_696 : memref<80xi32, #tpu.memory_space<vmem>>) semaphore(%arg21 : memref<!tpu.dma_semaphore, #tpu.memory_space<semaphore_mem>>)
      %mul3A_700 = arith.constant 8 : i32
      %mul3A_701 = arith.muli %scan3A_583, %mul3A_700 : i32
      %add3A_702 = arith.constant 0 : i32
      %add3A_703 = arith.addi %mul3A_701, %add3A_702 : i32
      %dma_wait3A_704 = arith.constant 0 : i32
      %dma_wait3A_705 = tpu.memref_slice %arg5[%add3A_587, %dma_wait3A_704] : memref<128x80xi32, #tpu.memory_space<vmem>> -> memref<1x80xi32, #tpu.memory_space<vmem>>
      %dma_wait3A_706 = tpu.memref_squeeze %dma_wait3A_705 : memref<1x80xi32, #tpu.memory_space<vmem>> -> memref<80xi32, #tpu.memory_space<vmem>>
      %dma_wait3A_707 = arith.constant 0 : i32
      %dma_wait3A_708 = arith.constant 0 : i32
      %dma_wait3A_709 = tpu.memref_slice %arg2[%dma_wait3A_707, %dma_wait3A_708] : memref<1960x128xf32, #tpu.memory_space<hbm>> -> memref<1960x128xf32, #tpu.memory_space<hbm>>
      tpu.wait_indirect_dma semaphore(%arg14 : memref<!tpu.dma_semaphore, #tpu.memory_space<semaphore_mem>>) src(%dma_wait3A_709 : memref<1960x128xf32, #tpu.memory_space<hbm>>) dst(%arg6 : memref<80x128xf32, #tpu.memory_space<vmem>>)
      %mul3A_710 = arith.constant 4 : i32
      %mul3A_711 = arith.muli %add3A_703, %mul3A_710 : i32
      %add3A_712 = arith.addi %mul3A_2, %mul3A_711 : i32
      %add3A_713 = arith.constant 0 : i32
      %add3A_714 = arith.addi %add3A_712, %add3A_713 : i32
      %mul3A_715 = arith.constant 4 : i32
      %mul3A_716 = arith.muli %add3A_703, %mul3A_715 : i32
      %add3A_717 = arith.addi %mul3A_2, %mul3A_716 : i32
      %add3A_718 = arith.constant 1 : i32
      %add3A_719 = arith.addi %add3A_717, %add3A_718 : i32
      %mul3A_720 = arith.constant 4 : i32
      %mul3A_721 = arith.muli %add3A_703, %mul3A_720 : i32
      %add3A_722 = arith.addi %mul3A_2, %mul3A_721 : i32
      %add3A_723 = arith.constant 2 : i32
      %add3A_724 = arith.addi %add3A_722, %add3A_723 : i32
      %mul3A_725 = arith.constant 4 : i32
      %mul3A_726 = arith.muli %add3A_703, %mul3A_725 : i32
      %add3A_727 = arith.addi %mul3A_2, %mul3A_726 : i32
      %add3A_728 = arith.constant 3 : i32
      %add3A_729 = arith.addi %add3A_727, %add3A_728 : i32
      %dma_start3A_730 = arith.constant 0 : i32
      %dma_start3A_731 = arith.constant 0 : i32
      %dma_start3A_732 = tpu.memref_slice %arg6[%dma_start3A_730, %dma_start3A_731] : memref<80x128xf32, #tpu.memory_space<vmem>> -> memref<20x128xf32, #tpu.memory_space<vmem>>
      %dma_start3A_733 = arith.constant 0 : i32
      %dma_start3A_734 = arith.constant 0 : i32
      %dma_start3A_735 = tpu.memref_slice %arg4[%add3A_714, %dma_start3A_733, %dma_start3A_734] : memref<16384x20x128xf32, #tpu.memory_space<hbm>> -> memref<1x20x128xf32, #tpu.memory_space<hbm>>
      %dma_start3A_736 = tpu.memref_squeeze %dma_start3A_735 : memref<1x20x128xf32, #tpu.memory_space<hbm>> -> memref<20x128xf32, #tpu.memory_space<hbm>>
      %dma_start3A_737 = arith.constant 0 : i32
      %dma_start3A_738 = arith.constant 0 : i32
      %dma_start3A_739 = tpu.memref_slice %arg4[%add3A_714, %dma_start3A_737, %dma_start3A_738] : memref<16384x20x128xf32, #tpu.memory_space<hbm>> -> memref<1x20x128xf32, #tpu.memory_space<hbm>>
      %dma_start3A_740 = tpu.memref_squeeze %dma_start3A_739 : memref<1x20x128xf32, #tpu.memory_space<hbm>> -> memref<20x128xf32, #tpu.memory_space<hbm>>
      %dma_start3A_741 = arith.constant 0 : i32
      %dma_start3A_742 = arith.constant 0 : i32
      %dma_start3A_743 = tpu.memref_slice %arg6[%dma_start3A_741, %dma_start3A_742] : memref<80x128xf32, #tpu.memory_space<vmem>> -> memref<20x128xf32, #tpu.memory_space<vmem>>
      tpu.enqueue_dma source(%dma_start3A_743 : memref<20x128xf32, #tpu.memory_space<vmem>>) target(%dma_start3A_740 : memref<20x128xf32, #tpu.memory_space<hbm>>) target_semaphore(%arg22 : memref<!tpu.dma_semaphore, #tpu.memory_space<semaphore_mem>>)
      %dma_start3A_744 = arith.constant 20 : i32
      %dma_start3A_745 = arith.constant 0 : i32
      %dma_start3A_746 = tpu.memref_slice %arg6[%dma_start3A_744, %dma_start3A_745] : memref<80x128xf32, #tpu.memory_space<vmem>> -> memref<20x128xf32, #tpu.memory_space<vmem>>
      %dma_start3A_747 = arith.constant 0 : i32
      %dma_start3A_748 = arith.constant 0 : i32
      %dma_start3A_749 = tpu.memref_slice %arg4[%add3A_719, %dma_start3A_747, %dma_start3A_748] : memref<16384x20x128xf32, #tpu.memory_space<hbm>> -> memref<1x20x128xf32, #tpu.memory_space<hbm>>
      %dma_start3A_750 = tpu.memref_squeeze %dma_start3A_749 : memref<1x20x128xf32, #tpu.memory_space<hbm>> -> memref<20x128xf32, #tpu.memory_space<hbm>>
      %dma_start3A_751 = arith.constant 0 : i32
      %dma_start3A_752 = arith.constant 0 : i32
      %dma_start3A_753 = tpu.memref_slice %arg4[%add3A_719, %dma_start3A_751, %dma_start3A_752] : memref<16384x20x128xf32, #tpu.memory_space<hbm>> -> memref<1x20x128xf32, #tpu.memory_space<hbm>>
      %dma_start3A_754 = tpu.memref_squeeze %dma_start3A_753 : memref<1x20x128xf32, #tpu.memory_space<hbm>> -> memref<20x128xf32, #tpu.memory_space<hbm>>
      %dma_start3A_755 = arith.constant 20 : i32
      %dma_start3A_756 = arith.constant 0 : i32
      %dma_start3A_757 = tpu.memref_slice %arg6[%dma_start3A_755, %dma_start3A_756] : memref<80x128xf32, #tpu.memory_space<vmem>> -> memref<20x128xf32, #tpu.memory_space<vmem>>
      tpu.enqueue_dma source(%dma_start3A_757 : memref<20x128xf32, #tpu.memory_space<vmem>>) target(%dma_start3A_754 : memref<20x128xf32, #tpu.memory_space<hbm>>) target_semaphore(%arg22 : memref<!tpu.dma_semaphore, #tpu.memory_space<semaphore_mem>>)
      %dma_start3A_758 = arith.constant 40 : i32
      %dma_start3A_759 = arith.constant 0 : i32
      %dma_start3A_760 = tpu.memref_slice %arg6[%dma_start3A_758, %dma_start3A_759] : memref<80x128xf32, #tpu.memory_space<vmem>> -> memref<20x128xf32, #tpu.memory_space<vmem>>
      %dma_start3A_761 = arith.constant 0 : i32
      %dma_start3A_762 = arith.constant 0 : i32
      %dma_start3A_763 = tpu.memref_slice %arg4[%add3A_724, %dma_start3A_761, %dma_start3A_762] : memref<16384x20x128xf32, #tpu.memory_space<hbm>> -> memref<1x20x128xf32, #tpu.memory_space<hbm>>
      %dma_start3A_764 = tpu.memref_squeeze %dma_start3A_763 : memref<1x20x128xf32, #tpu.memory_space<hbm>> -> memref<20x128xf32, #tpu.memory_space<hbm>>
      %dma_start3A_765 = arith.constant 0 : i32
      %dma_start3A_766 = arith.constant 0 : i32
      %dma_start3A_767 = tpu.memref_slice %arg4[%add3A_724, %dma_start3A_765, %dma_start3A_766] : memref<16384x20x128xf32, #tpu.memory_space<hbm>> -> memref<1x20x128xf32, #tpu.memory_space<hbm>>
      %dma_start3A_768 = tpu.memref_squeeze %dma_start3A_767 : memref<1x20x128xf32, #tpu.memory_space<hbm>> -> memref<20x128xf32, #tpu.memory_space<hbm>>
      %dma_start3A_769 = arith.constant 40 : i32
      %dma_start3A_770 = arith.constant 0 : i32
      %dma_start3A_771 = tpu.memref_slice %arg6[%dma_start3A_769, %dma_start3A_770] : memref<80x128xf32, #tpu.memory_space<vmem>> -> memref<20x128xf32, #tpu.memory_space<vmem>>
      tpu.enqueue_dma source(%dma_start3A_771 : memref<20x128xf32, #tpu.memory_space<vmem>>) target(%dma_start3A_768 : memref<20x128xf32, #tpu.memory_space<hbm>>) target_semaphore(%arg22 : memref<!tpu.dma_semaphore, #tpu.memory_space<semaphore_mem>>)
      %dma_start3A_772 = arith.constant 60 : i32
      %dma_start3A_773 = arith.constant 0 : i32
      %dma_start3A_774 = tpu.memref_slice %arg6[%dma_start3A_772, %dma_start3A_773] : memref<80x128xf32, #tpu.memory_space<vmem>> -> memref<20x128xf32, #tpu.memory_space<vmem>>
      %dma_start3A_775 = arith.constant 0 : i32
      %dma_start3A_776 = arith.constant 0 : i32
      %dma_start3A_777 = tpu.memref_slice %arg4[%add3A_729, %dma_start3A_775, %dma_start3A_776] : memref<16384x20x128xf32, #tpu.memory_space<hbm>> -> memref<1x20x128xf32, #tpu.memory_space<hbm>>
      %dma_start3A_778 = tpu.memref_squeeze %dma_start3A_777 : memref<1x20x128xf32, #tpu.memory_space<hbm>> -> memref<20x128xf32, #tpu.memory_space<hbm>>
      %dma_start3A_779 = arith.constant 0 : i32
      %dma_start3A_780 = arith.constant 0 : i32
      %dma_start3A_781 = tpu.memref_slice %arg4[%add3A_729, %dma_start3A_779, %dma_start3A_780] : memref<16384x20x128xf32, #tpu.memory_space<hbm>> -> memref<1x20x128xf32, #tpu.memory_space<hbm>>
      %dma_start3A_782 = tpu.memref_squeeze %dma_start3A_781 : memref<1x20x128xf32, #tpu.memory_space<hbm>> -> memref<20x128xf32, #tpu.memory_space<hbm>>
      %dma_start3A_783 = arith.constant 60 : i32
      %dma_start3A_784 = arith.constant 0 : i32
      %dma_start3A_785 = tpu.memref_slice %arg6[%dma_start3A_783, %dma_start3A_784] : memref<80x128xf32, #tpu.memory_space<vmem>> -> memref<20x128xf32, #tpu.memory_space<vmem>>
      tpu.enqueue_dma source(%dma_start3A_785 : memref<20x128xf32, #tpu.memory_space<vmem>>) target(%dma_start3A_782 : memref<20x128xf32, #tpu.memory_space<hbm>>) target_semaphore(%arg22 : memref<!tpu.dma_semaphore, #tpu.memory_space<semaphore_mem>>)
      %mul3A_786 = arith.constant 8 : i32
      %mul3A_787 = arith.muli %scan3A_583, %mul3A_786 : i32
      %add3A_788 = arith.constant 1 : i32
      %add3A_789 = arith.addi %mul3A_787, %add3A_788 : i32
      %dma_wait3A_790 = arith.constant 0 : i32
      %dma_wait3A_791 = tpu.memref_slice %arg5[%add3A_598, %dma_wait3A_790] : memref<128x80xi32, #tpu.memory_space<vmem>> -> memref<1x80xi32, #tpu.memory_space<vmem>>
      %dma_wait3A_792 = tpu.memref_squeeze %dma_wait3A_791 : memref<1x80xi32, #tpu.memory_space<vmem>> -> memref<80xi32, #tpu.memory_space<vmem>>
      %dma_wait3A_793 = arith.constant 0 : i32
      %dma_wait3A_794 = arith.constant 0 : i32
      %dma_wait3A_795 = tpu.memref_slice %arg2[%dma_wait3A_793, %dma_wait3A_794] : memref<1960x128xf32, #tpu.memory_space<hbm>> -> memref<1960x128xf32, #tpu.memory_space<hbm>>
      tpu.wait_indirect_dma semaphore(%arg15 : memref<!tpu.dma_semaphore, #tpu.memory_space<semaphore_mem>>) src(%dma_wait3A_795 : memref<1960x128xf32, #tpu.memory_space<hbm>>) dst(%arg7 : memref<80x128xf32, #tpu.memory_space<vmem>>)
      %mul3A_796 = arith.constant 4 : i32
      %mul3A_797 = arith.muli %add3A_789, %mul3A_796 : i32
      %add3A_798 = arith.addi %mul3A_2, %mul3A_797 : i32
      %add3A_799 = arith.constant 0 : i32
      %add3A_800 = arith.addi %add3A_798, %add3A_799 : i32
      %mul3A_801 = arith.constant 4 : i32
      %mul3A_802 = arith.muli %add3A_789, %mul3A_801 : i32
      %add3A_803 = arith.addi %mul3A_2, %mul3A_802 : i32
      %add3A_804 = arith.constant 1 : i32
      %add3A_805 = arith.addi %add3A_803, %add3A_804 : i32
      %mul3A_806 = arith.constant 4 : i32
      %mul3A_807 = arith.muli %add3A_789, %mul3A_806 : i32
      %add3A_808 = arith.addi %mul3A_2, %mul3A_807 : i32
      %add3A_809 = arith.constant 2 : i32
      %add3A_810 = arith.addi %add3A_808, %add3A_809 : i32
      %mul3A_811 = arith.constant 4 : i32
      %mul3A_812 = arith.muli %add3A_789, %mul3A_811 : i32
      %add3A_813 = arith.addi %mul3A_2, %mul3A_812 : i32
      %add3A_814 = arith.constant 3 : i32
      %add3A_815 = arith.addi %add3A_813, %add3A_814 : i32
      %dma_start3A_816 = arith.constant 0 : i32
      %dma_start3A_817 = arith.constant 0 : i32
      %dma_start3A_818 = tpu.memref_slice %arg7[%dma_start3A_816, %dma_start3A_817] : memref<80x128xf32, #tpu.memory_space<vmem>> -> memref<20x128xf32, #tpu.memory_space<vmem>>
      %dma_start3A_819 = arith.constant 0 : i32
      %dma_start3A_820 = arith.constant 0 : i32
      %dma_start3A_821 = tpu.memref_slice %arg4[%add3A_800, %dma_start3A_819, %dma_start3A_820] : memref<16384x20x128xf32, #tpu.memory_space<hbm>> -> memref<1x20x128xf32, #tpu.memory_space<hbm>>
      %dma_start3A_822 = tpu.memref_squeeze %dma_start3A_821 : memref<1x20x128xf32, #tpu.memory_space<hbm>> -> memref<20x128xf32, #tpu.memory_space<hbm>>
      %dma_start3A_823 = arith.constant 0 : i32
      %dma_start3A_824 = arith.constant 0 : i32
      %dma_start3A_825 = tpu.memref_slice %arg4[%add3A_800, %dma_start3A_823, %dma_start3A_824] : memref<16384x20x128xf32, #tpu.memory_space<hbm>> -> memref<1x20x128xf32, #tpu.memory_space<hbm>>
      %dma_start3A_826 = tpu.memref_squeeze %dma_start3A_825 : memref<1x20x128xf32, #tpu.memory_space<hbm>> -> memref<20x128xf32, #tpu.memory_space<hbm>>
      %dma_start3A_827 = arith.constant 0 : i32
      %dma_start3A_828 = arith.constant 0 : i32
      %dma_start3A_829 = tpu.memref_slice %arg7[%dma_start3A_827, %dma_start3A_828] : memref<80x128xf32, #tpu.memory_space<vmem>> -> memref<20x128xf32, #tpu.memory_space<vmem>>
      tpu.enqueue_dma source(%dma_start3A_829 : memref<20x128xf32, #tpu.memory_space<vmem>>) target(%dma_start3A_826 : memref<20x128xf32, #tpu.memory_space<hbm>>) target_semaphore(%arg23 : memref<!tpu.dma_semaphore, #tpu.memory_space<semaphore_mem>>)
      %dma_start3A_830 = arith.constant 20 : i32
      %dma_start3A_831 = arith.constant 0 : i32
      %dma_start3A_832 = tpu.memref_slice %arg7[%dma_start3A_830, %dma_start3A_831] : memref<80x128xf32, #tpu.memory_space<vmem>> -> memref<20x128xf32, #tpu.memory_space<vmem>>
      %dma_start3A_833 = arith.constant 0 : i32
      %dma_start3A_834 = arith.constant 0 : i32
      %dma_start3A_835 = tpu.memref_slice %arg4[%add3A_805, %dma_start3A_833, %dma_start3A_834] : memref<16384x20x128xf32, #tpu.memory_space<hbm>> -> memref<1x20x128xf32, #tpu.memory_space<hbm>>
      %dma_start3A_836 = tpu.memref_squeeze %dma_start3A_835 : memref<1x20x128xf32, #tpu.memory_space<hbm>> -> memref<20x128xf32, #tpu.memory_space<hbm>>
      %dma_start3A_837 = arith.constant 0 : i32
      %dma_start3A_838 = arith.constant 0 : i32
      %dma_start3A_839 = tpu.memref_slice %arg4[%add3A_805, %dma_start3A_837, %dma_start3A_838] : memref<16384x20x128xf32, #tpu.memory_space<hbm>> -> memref<1x20x128xf32, #tpu.memory_space<hbm>>
      %dma_start3A_840 = tpu.memref_squeeze %dma_start3A_839 : memref<1x20x128xf32, #tpu.memory_space<hbm>> -> memref<20x128xf32, #tpu.memory_space<hbm>>
      %dma_start3A_841 = arith.constant 20 : i32
      %dma_start3A_842 = arith.constant 0 : i32
      %dma_start3A_843 = tpu.memref_slice %arg7[%dma_start3A_841, %dma_start3A_842] : memref<80x128xf32, #tpu.memory_space<vmem>> -> memref<20x128xf32, #tpu.memory_space<vmem>>
      tpu.enqueue_dma source(%dma_start3A_843 : memref<20x128xf32, #tpu.memory_space<vmem>>) target(%dma_start3A_840 : memref<20x128xf32, #tpu.memory_space<hbm>>) target_semaphore(%arg23 : memref<!tpu.dma_semaphore, #tpu.memory_space<semaphore_mem>>)
      %dma_start3A_844 = arith.constant 40 : i32
      %dma_start3A_845 = arith.constant 0 : i32
      %dma_start3A_846 = tpu.memref_slice %arg7[%dma_start3A_844, %dma_start3A_845] : memref<80x128xf32, #tpu.memory_space<vmem>> -> memref<20x128xf32, #tpu.memory_space<vmem>>
      %dma_start3A_847 = arith.constant 0 : i32
      %dma_start3A_848 = arith.constant 0 : i32
      %dma_start3A_849 = tpu.memref_slice %arg4[%add3A_810, %dma_start3A_847, %dma_start3A_848] : memref<16384x20x128xf32, #tpu.memory_space<hbm>> -> memref<1x20x128xf32, #tpu.memory_space<hbm>>
      %dma_start3A_850 = tpu.memref_squeeze %dma_start3A_849 : memref<1x20x128xf32, #tpu.memory_space<hbm>> -> memref<20x128xf32, #tpu.memory_space<hbm>>
      %dma_start3A_851 = arith.constant 0 : i32
      %dma_start3A_852 = arith.constant 0 : i32
      %dma_start3A_853 = tpu.memref_slice %arg4[%add3A_810, %dma_start3A_851, %dma_start3A_852] : memref<16384x20x128xf32, #tpu.memory_space<hbm>> -> memref<1x20x128xf32, #tpu.memory_space<hbm>>
      %dma_start3A_854 = tpu.memref_squeeze %dma_start3A_853 : memref<1x20x128xf32, #tpu.memory_space<hbm>> -> memref<20x128xf32, #tpu.memory_space<hbm>>
      %dma_start3A_855 = arith.constant 40 : i32
      %dma_start3A_856 = arith.constant 0 : i32
      %dma_start3A_857 = tpu.memref_slice %arg7[%dma_start3A_855, %dma_start3A_856] : memref<80x128xf32, #tpu.memory_space<vmem>> -> memref<20x128xf32, #tpu.memory_space<vmem>>
      tpu.enqueue_dma source(%dma_start3A_857 : memref<20x128xf32, #tpu.memory_space<vmem>>) target(%dma_start3A_854 : memref<20x128xf32, #tpu.memory_space<hbm>>) target_semaphore(%arg23 : memref<!tpu.dma_semaphore, #tpu.memory_space<semaphore_mem>>)
      %dma_start3A_858 = arith.constant 60 : i32
      %dma_start3A_859 = arith.constant 0 : i32
      %dma_start3A_860 = tpu.memref_slice %arg7[%dma_start3A_858, %dma_start3A_859] : memref<80x128xf32, #tpu.memory_space<vmem>> -> memref<20x128xf32, #tpu.memory_space<vmem>>
      %dma_start3A_861 = arith.constant 0 : i32
      %dma_start3A_862 = arith.constant 0 : i32
      %dma_start3A_863 = tpu.memref_slice %arg4[%add3A_815, %dma_start3A_861, %dma_start3A_862] : memref<16384x20x128xf32, #tpu.memory_space<hbm>> -> memref<1x20x128xf32, #tpu.memory_space<hbm>>
      %dma_start3A_864 = tpu.memref_squeeze %dma_start3A_863 : memref<1x20x128xf32, #tpu.memory_space<hbm>> -> memref<20x128xf32, #tpu.memory_space<hbm>>
      %dma_start3A_865 = arith.constant 0 : i32
      %dma_start3A_866 = arith.constant 0 : i32
      %dma_start3A_867 = tpu.memref_slice %arg4[%add3A_815, %dma_start3A_865, %dma_start3A_866] : memref<16384x20x128xf32, #tpu.memory_space<hbm>> -> memref<1x20x128xf32, #tpu.memory_space<hbm>>
      %dma_start3A_868 = tpu.memref_squeeze %dma_start3A_867 : memref<1x20x128xf32, #tpu.memory_space<hbm>> -> memref<20x128xf32, #tpu.memory_space<hbm>>
      %dma_start3A_869 = arith.constant 60 : i32
      %dma_start3A_870 = arith.constant 0 : i32
      %dma_start3A_871 = tpu.memref_slice %arg7[%dma_start3A_869, %dma_start3A_870] : memref<80x128xf32, #tpu.memory_space<vmem>> -> memref<20x128xf32, #tpu.memory_space<vmem>>
      tpu.enqueue_dma source(%dma_start3A_871 : memref<20x128xf32, #tpu.memory_space<vmem>>) target(%dma_start3A_868 : memref<20x128xf32, #tpu.memory_space<hbm>>) target_semaphore(%arg23 : memref<!tpu.dma_semaphore, #tpu.memory_space<semaphore_mem>>)
      %mul3A_872 = arith.constant 8 : i32
      %mul3A_873 = arith.muli %scan3A_583, %mul3A_872 : i32
      %add3A_874 = arith.constant 2 : i32
      %add3A_875 = arith.addi %mul3A_873, %add3A_874 : i32
      %dma_wait3A_876 = arith.constant 0 : i32
      %dma_wait3A_877 = tpu.memref_slice %arg5[%add3A_613, %dma_wait3A_876] : memref<128x80xi32, #tpu.memory_space<vmem>> -> memref<1x80xi32, #tpu.memory_space<vmem>>
      %dma_wait3A_878 = tpu.memref_squeeze %dma_wait3A_877 : memref<1x80xi32, #tpu.memory_space<vmem>> -> memref<80xi32, #tpu.memory_space<vmem>>
      %dma_wait3A_879 = arith.constant 0 : i32
      %dma_wait3A_880 = arith.constant 0 : i32
      %dma_wait3A_881 = tpu.memref_slice %arg2[%dma_wait3A_879, %dma_wait3A_880] : memref<1960x128xf32, #tpu.memory_space<hbm>> -> memref<1960x128xf32, #tpu.memory_space<hbm>>
      tpu.wait_indirect_dma semaphore(%arg16 : memref<!tpu.dma_semaphore, #tpu.memory_space<semaphore_mem>>) src(%dma_wait3A_881 : memref<1960x128xf32, #tpu.memory_space<hbm>>) dst(%arg8 : memref<80x128xf32, #tpu.memory_space<vmem>>)
      %mul3A_882 = arith.constant 4 : i32
      %mul3A_883 = arith.muli %add3A_875, %mul3A_882 : i32
      %add3A_884 = arith.addi %mul3A_2, %mul3A_883 : i32
      %add3A_885 = arith.constant 0 : i32
      %add3A_886 = arith.addi %add3A_884, %add3A_885 : i32
      %mul3A_887 = arith.constant 4 : i32
      %mul3A_888 = arith.muli %add3A_875, %mul3A_887 : i32
      %add3A_889 = arith.addi %mul3A_2, %mul3A_888 : i32
      %add3A_890 = arith.constant 1 : i32
      %add3A_891 = arith.addi %add3A_889, %add3A_890 : i32
      %mul3A_892 = arith.constant 4 : i32
      %mul3A_893 = arith.muli %add3A_875, %mul3A_892 : i32
      %add3A_894 = arith.addi %mul3A_2, %mul3A_893 : i32
      %add3A_895 = arith.constant 2 : i32
      %add3A_896 = arith.addi %add3A_894, %add3A_895 : i32
      %mul3A_897 = arith.constant 4 : i32
      %mul3A_898 = arith.muli %add3A_875, %mul3A_897 : i32
      %add3A_899 = arith.addi %mul3A_2, %mul3A_898 : i32
      %add3A_900 = arith.constant 3 : i32
      %add3A_901 = arith.addi %add3A_899, %add3A_900 : i32
      %dma_start3A_902 = arith.constant 0 : i32
      %dma_start3A_903 = arith.constant 0 : i32
      %dma_start3A_904 = tpu.memref_slice %arg8[%dma_start3A_902, %dma_start3A_903] : memref<80x128xf32, #tpu.memory_space<vmem>> -> memref<20x128xf32, #tpu.memory_space<vmem>>
      %dma_start3A_905 = arith.constant 0 : i32
      %dma_start3A_906 = arith.constant 0 : i32
      %dma_start3A_907 = tpu.memref_slice %arg4[%add3A_886, %dma_start3A_905, %dma_start3A_906] : memref<16384x20x128xf32, #tpu.memory_space<hbm>> -> memref<1x20x128xf32, #tpu.memory_space<hbm>>
      %dma_start3A_908 = tpu.memref_squeeze %dma_start3A_907 : memref<1x20x128xf32, #tpu.memory_space<hbm>> -> memref<20x128xf32, #tpu.memory_space<hbm>>
      %dma_start3A_909 = arith.constant 0 : i32
      %dma_start3A_910 = arith.constant 0 : i32
      %dma_start3A_911 = tpu.memref_slice %arg4[%add3A_886, %dma_start3A_909, %dma_start3A_910] : memref<16384x20x128xf32, #tpu.memory_space<hbm>> -> memref<1x20x128xf32, #tpu.memory_space<hbm>>
      %dma_start3A_912 = tpu.memref_squeeze %dma_start3A_911 : memref<1x20x128xf32, #tpu.memory_space<hbm>> -> memref<20x128xf32, #tpu.memory_space<hbm>>
      %dma_start3A_913 = arith.constant 0 : i32
      %dma_start3A_914 = arith.constant 0 : i32
      %dma_start3A_915 = tpu.memref_slice %arg8[%dma_start3A_913, %dma_start3A_914] : memref<80x128xf32, #tpu.memory_space<vmem>> -> memref<20x128xf32, #tpu.memory_space<vmem>>
      tpu.enqueue_dma source(%dma_start3A_915 : memref<20x128xf32, #tpu.memory_space<vmem>>) target(%dma_start3A_912 : memref<20x128xf32, #tpu.memory_space<hbm>>) target_semaphore(%arg24 : memref<!tpu.dma_semaphore, #tpu.memory_space<semaphore_mem>>)
      %dma_start3A_916 = arith.constant 20 : i32
      %dma_start3A_917 = arith.constant 0 : i32
      %dma_start3A_918 = tpu.memref_slice %arg8[%dma_start3A_916, %dma_start3A_917] : memref<80x128xf32, #tpu.memory_space<vmem>> -> memref<20x128xf32, #tpu.memory_space<vmem>>
      %dma_start3A_919 = arith.constant 0 : i32
      %dma_start3A_920 = arith.constant 0 : i32
      %dma_start3A_921 = tpu.memref_slice %arg4[%add3A_891, %dma_start3A_919, %dma_start3A_920] : memref<16384x20x128xf32, #tpu.memory_space<hbm>> -> memref<1x20x128xf32, #tpu.memory_space<hbm>>
      %dma_start3A_922 = tpu.memref_squeeze %dma_start3A_921 : memref<1x20x128xf32, #tpu.memory_space<hbm>> -> memref<20x128xf32, #tpu.memory_space<hbm>>
      %dma_start3A_923 = arith.constant 0 : i32
      %dma_start3A_924 = arith.constant 0 : i32
      %dma_start3A_925 = tpu.memref_slice %arg4[%add3A_891, %dma_start3A_923, %dma_start3A_924] : memref<16384x20x128xf32, #tpu.memory_space<hbm>> -> memref<1x20x128xf32, #tpu.memory_space<hbm>>
      %dma_start3A_926 = tpu.memref_squeeze %dma_start3A_925 : memref<1x20x128xf32, #tpu.memory_space<hbm>> -> memref<20x128xf32, #tpu.memory_space<hbm>>
      %dma_start3A_927 = arith.constant 20 : i32
      %dma_start3A_928 = arith.constant 0 : i32
      %dma_start3A_929 = tpu.memref_slice %arg8[%dma_start3A_927, %dma_start3A_928] : memref<80x128xf32, #tpu.memory_space<vmem>> -> memref<20x128xf32, #tpu.memory_space<vmem>>
      tpu.enqueue_dma source(%dma_start3A_929 : memref<20x128xf32, #tpu.memory_space<vmem>>) target(%dma_start3A_926 : memref<20x128xf32, #tpu.memory_space<hbm>>) target_semaphore(%arg24 : memref<!tpu.dma_semaphore, #tpu.memory_space<semaphore_mem>>)
      %dma_start3A_930 = arith.constant 40 : i32
      %dma_start3A_931 = arith.constant 0 : i32
      %dma_start3A_932 = tpu.memref_slice %arg8[%dma_start3A_930, %dma_start3A_931] : memref<80x128xf32, #tpu.memory_space<vmem>> -> memref<20x128xf32, #tpu.memory_space<vmem>>
      %dma_start3A_933 = arith.constant 0 : i32
      %dma_start3A_934 = arith.constant 0 : i32
      %dma_start3A_935 = tpu.memref_slice %arg4[%add3A_896, %dma_start3A_933, %dma_start3A_934] : memref<16384x20x128xf32, #tpu.memory_space<hbm>> -> memref<1x20x128xf32, #tpu.memory_space<hbm>>
      %dma_start3A_936 = tpu.memref_squeeze %dma_start3A_935 : memref<1x20x128xf32, #tpu.memory_space<hbm>> -> memref<20x128xf32, #tpu.memory_space<hbm>>
      %dma_start3A_937 = arith.constant 0 : i32
      %dma_start3A_938 = arith.constant 0 : i32
      %dma_start3A_939 = tpu.memref_slice %arg4[%add3A_896, %dma_start3A_937, %dma_start3A_938] : memref<16384x20x128xf32, #tpu.memory_space<hbm>> -> memref<1x20x128xf32, #tpu.memory_space<hbm>>
      %dma_start3A_940 = tpu.memref_squeeze %dma_start3A_939 : memref<1x20x128xf32, #tpu.memory_space<hbm>> -> memref<20x128xf32, #tpu.memory_space<hbm>>
      %dma_start3A_941 = arith.constant 40 : i32
      %dma_start3A_942 = arith.constant 0 : i32
      %dma_start3A_943 = tpu.memref_slice %arg8[%dma_start3A_941, %dma_start3A_942] : memref<80x128xf32, #tpu.memory_space<vmem>> -> memref<20x128xf32, #tpu.memory_space<vmem>>
      tpu.enqueue_dma source(%dma_start3A_943 : memref<20x128xf32, #tpu.memory_space<vmem>>) target(%dma_start3A_940 : memref<20x128xf32, #tpu.memory_space<hbm>>) target_semaphore(%arg24 : memref<!tpu.dma_semaphore, #tpu.memory_space<semaphore_mem>>)
      %dma_start3A_944 = arith.constant 60 : i32
      %dma_start3A_945 = arith.constant 0 : i32
      %dma_start3A_946 = tpu.memref_slice %arg8[%dma_start3A_944, %dma_start3A_945] : memref<80x128xf32, #tpu.memory_space<vmem>> -> memref<20x128xf32, #tpu.memory_space<vmem>>
      %dma_start3A_947 = arith.constant 0 : i32
      %dma_start3A_948 = arith.constant 0 : i32
      %dma_start3A_949 = tpu.memref_slice %arg4[%add3A_901, %dma_start3A_947, %dma_start3A_948] : memref<16384x20x128xf32, #tpu.memory_space<hbm>> -> memref<1x20x128xf32, #tpu.memory_space<hbm>>
      %dma_start3A_950 = tpu.memref_squeeze %dma_start3A_949 : memref<1x20x128xf32, #tpu.memory_space<hbm>> -> memref<20x128xf32, #tpu.memory_space<hbm>>
      %dma_start3A_951 = arith.constant 0 : i32
      %dma_start3A_952 = arith.constant 0 : i32
      %dma_start3A_953 = tpu.memref_slice %arg4[%add3A_901, %dma_start3A_951, %dma_start3A_952] : memref<16384x20x128xf32, #tpu.memory_space<hbm>> -> memref<1x20x128xf32, #tpu.memory_space<hbm>>
      %dma_start3A_954 = tpu.memref_squeeze %dma_start3A_953 : memref<1x20x128xf32, #tpu.memory_space<hbm>> -> memref<20x128xf32, #tpu.memory_space<hbm>>
      %dma_start3A_955 = arith.constant 60 : i32
      %dma_start3A_956 = arith.constant 0 : i32
      %dma_start3A_957 = tpu.memref_slice %arg8[%dma_start3A_955, %dma_start3A_956] : memref<80x128xf32, #tpu.memory_space<vmem>> -> memref<20x128xf32, #tpu.memory_space<vmem>>
      tpu.enqueue_dma source(%dma_start3A_957 : memref<20x128xf32, #tpu.memory_space<vmem>>) target(%dma_start3A_954 : memref<20x128xf32, #tpu.memory_space<hbm>>) target_semaphore(%arg24 : memref<!tpu.dma_semaphore, #tpu.memory_space<semaphore_mem>>)
      %mul3A_958 = arith.constant 8 : i32
      %mul3A_959 = arith.muli %scan3A_583, %mul3A_958 : i32
      %add3A_960 = arith.constant 3 : i32
      %add3A_961 = arith.addi %mul3A_959, %add3A_960 : i32
      %dma_wait3A_962 = arith.constant 0 : i32
      %dma_wait3A_963 = tpu.memref_slice %arg5[%add3A_628, %dma_wait3A_962] : memref<128x80xi32, #tpu.memory_space<vmem>> -> memref<1x80xi32, #tpu.memory_space<vmem>>
      %dma_wait3A_964 = tpu.memref_squeeze %dma_wait3A_963 : memref<1x80xi32, #tpu.memory_space<vmem>> -> memref<80xi32, #tpu.memory_space<vmem>>
      %dma_wait3A_965 = arith.constant 0 : i32
      %dma_wait3A_966 = arith.constant 0 : i32
      %dma_wait3A_967 = tpu.memref_slice %arg2[%dma_wait3A_965, %dma_wait3A_966] : memref<1960x128xf32, #tpu.memory_space<hbm>> -> memref<1960x128xf32, #tpu.memory_space<hbm>>
      tpu.wait_indirect_dma semaphore(%arg17 : memref<!tpu.dma_semaphore, #tpu.memory_space<semaphore_mem>>) src(%dma_wait3A_967 : memref<1960x128xf32, #tpu.memory_space<hbm>>) dst(%arg9 : memref<80x128xf32, #tpu.memory_space<vmem>>)
      %mul3A_968 = arith.constant 4 : i32
      %mul3A_969 = arith.muli %add3A_961, %mul3A_968 : i32
      %add3A_970 = arith.addi %mul3A_2, %mul3A_969 : i32
      %add3A_971 = arith.constant 0 : i32
      %add3A_972 = arith.addi %add3A_970, %add3A_971 : i32
      %mul3A_973 = arith.constant 4 : i32
      %mul3A_974 = arith.muli %add3A_961, %mul3A_973 : i32
      %add3A_975 = arith.addi %mul3A_2, %mul3A_974 : i32
      %add3A_976 = arith.constant 1 : i32
      %add3A_977 = arith.addi %add3A_975, %add3A_976 : i32
      %mul3A_978 = arith.constant 4 : i32
      %mul3A_979 = arith.muli %add3A_961, %mul3A_978 : i32
      %add3A_980 = arith.addi %mul3A_2, %mul3A_979 : i32
      %add3A_981 = arith.constant 2 : i32
      %add3A_982 = arith.addi %add3A_980, %add3A_981 : i32
      %mul3A_983 = arith.constant 4 : i32
      %mul3A_984 = arith.muli %add3A_961, %mul3A_983 : i32
      %add3A_985 = arith.addi %mul3A_2, %mul3A_984 : i32
      %add3A_986 = arith.constant 3 : i32
      %add3A_987 = arith.addi %add3A_985, %add3A_986 : i32
      %dma_start3A_988 = arith.constant 0 : i32
      %dma_start3A_989 = arith.constant 0 : i32
      %dma_start3A_990 = tpu.memref_slice %arg9[%dma_start3A_988, %dma_start3A_989] : memref<80x128xf32, #tpu.memory_space<vmem>> -> memref<20x128xf32, #tpu.memory_space<vmem>>
      %dma_start3A_991 = arith.constant 0 : i32
      %dma_start3A_992 = arith.constant 0 : i32
      %dma_start3A_993 = tpu.memref_slice %arg4[%add3A_972, %dma_start3A_991, %dma_start3A_992] : memref<16384x20x128xf32, #tpu.memory_space<hbm>> -> memref<1x20x128xf32, #tpu.memory_space<hbm>>
      %dma_start3A_994 = tpu.memref_squeeze %dma_start3A_993 : memref<1x20x128xf32, #tpu.memory_space<hbm>> -> memref<20x128xf32, #tpu.memory_space<hbm>>
      %dma_start3A_995 = arith.constant 0 : i32
      %dma_start3A_996 = arith.constant 0 : i32
      %dma_start3A_997 = tpu.memref_slice %arg4[%add3A_972, %dma_start3A_995, %dma_start3A_996] : memref<16384x20x128xf32, #tpu.memory_space<hbm>> -> memref<1x20x128xf32, #tpu.memory_space<hbm>>
      %dma_start3A_998 = tpu.memref_squeeze %dma_start3A_997 : memref<1x20x128xf32, #tpu.memory_space<hbm>> -> memref<20x128xf32, #tpu.memory_space<hbm>>
      %dma_start3A_999 = arith.constant 0 : i32
      %dma_start3A_1000 = arith.constant 0 : i32
      %dma_start3A_1001 = tpu.memref_slice %arg9[%dma_start3A_999, %dma_start3A_1000] : memref<80x128xf32, #tpu.memory_space<vmem>> -> memref<20x128xf32, #tpu.memory_space<vmem>>
      tpu.enqueue_dma source(%dma_start3A_1001 : memref<20x128xf32, #tpu.memory_space<vmem>>) target(%dma_start3A_998 : memref<20x128xf32, #tpu.memory_space<hbm>>) target_semaphore(%arg25 : memref<!tpu.dma_semaphore, #tpu.memory_space<semaphore_mem>>)
      %dma_start3A_1002 = arith.constant 20 : i32
      %dma_start3A_1003 = arith.constant 0 : i32
      %dma_start3A_1004 = tpu.memref_slice %arg9[%dma_start3A_1002, %dma_start3A_1003] : memref<80x128xf32, #tpu.memory_space<vmem>> -> memref<20x128xf32, #tpu.memory_space<vmem>>
      %dma_start3A_1005 = arith.constant 0 : i32
      %dma_start3A_1006 = arith.constant 0 : i32
      %dma_start3A_1007 = tpu.memref_slice %arg4[%add3A_977, %dma_start3A_1005, %dma_start3A_1006] : memref<16384x20x128xf32, #tpu.memory_space<hbm>> -> memref<1x20x128xf32, #tpu.memory_space<hbm>>
      %dma_start3A_1008 = tpu.memref_squeeze %dma_start3A_1007 : memref<1x20x128xf32, #tpu.memory_space<hbm>> -> memref<20x128xf32, #tpu.memory_space<hbm>>
      %dma_start3A_1009 = arith.constant 0 : i32
      %dma_start3A_1010 = arith.constant 0 : i32
      %dma_start3A_1011 = tpu.memref_slice %arg4[%add3A_977, %dma_start3A_1009, %dma_start3A_1010] : memref<16384x20x128xf32, #tpu.memory_space<hbm>> -> memref<1x20x128xf32, #tpu.memory_space<hbm>>
      %dma_start3A_1012 = tpu.memref_squeeze %dma_start3A_1011 : memref<1x20x128xf32, #tpu.memory_space<hbm>> -> memref<20x128xf32, #tpu.memory_space<hbm>>
      %dma_start3A_1013 = arith.constant 20 : i32
      %dma_start3A_1014 = arith.constant 0 : i32
      %dma_start3A_1015 = tpu.memref_slice %arg9[%dma_start3A_1013, %dma_start3A_1014] : memref<80x128xf32, #tpu.memory_space<vmem>> -> memref<20x128xf32, #tpu.memory_space<vmem>>
      tpu.enqueue_dma source(%dma_start3A_1015 : memref<20x128xf32, #tpu.memory_space<vmem>>) target(%dma_start3A_1012 : memref<20x128xf32, #tpu.memory_space<hbm>>) target_semaphore(%arg25 : memref<!tpu.dma_semaphore, #tpu.memory_space<semaphore_mem>>)
      %dma_start3A_1016 = arith.constant 40 : i32
      %dma_start3A_1017 = arith.constant 0 : i32
      %dma_start3A_1018 = tpu.memref_slice %arg9[%dma_start3A_1016, %dma_start3A_1017] : memref<80x128xf32, #tpu.memory_space<vmem>> -> memref<20x128xf32, #tpu.memory_space<vmem>>
      %dma_start3A_1019 = arith.constant 0 : i32
      %dma_start3A_1020 = arith.constant 0 : i32
      %dma_start3A_1021 = tpu.memref_slice %arg4[%add3A_982, %dma_start3A_1019, %dma_start3A_1020] : memref<16384x20x128xf32, #tpu.memory_space<hbm>> -> memref<1x20x128xf32, #tpu.memory_space<hbm>>
      %dma_start3A_1022 = tpu.memref_squeeze %dma_start3A_1021 : memref<1x20x128xf32, #tpu.memory_space<hbm>> -> memref<20x128xf32, #tpu.memory_space<hbm>>
      %dma_start3A_1023 = arith.constant 0 : i32
      %dma_start3A_1024 = arith.constant 0 : i32
      %dma_start3A_1025 = tpu.memref_slice %arg4[%add3A_982, %dma_start3A_1023, %dma_start3A_1024] : memref<16384x20x128xf32, #tpu.memory_space<hbm>> -> memref<1x20x128xf32, #tpu.memory_space<hbm>>
      %dma_start3A_1026 = tpu.memref_squeeze %dma_start3A_1025 : memref<1x20x128xf32, #tpu.memory_space<hbm>> -> memref<20x128xf32, #tpu.memory_space<hbm>>
      %dma_start3A_1027 = arith.constant 40 : i32
      %dma_start3A_1028 = arith.constant 0 : i32
      %dma_start3A_1029 = tpu.memref_slice %arg9[%dma_start3A_1027, %dma_start3A_1028] : memref<80x128xf32, #tpu.memory_space<vmem>> -> memref<20x128xf32, #tpu.memory_space<vmem>>
      tpu.enqueue_dma source(%dma_start3A_1029 : memref<20x128xf32, #tpu.memory_space<vmem>>) target(%dma_start3A_1026 : memref<20x128xf32, #tpu.memory_space<hbm>>) target_semaphore(%arg25 : memref<!tpu.dma_semaphore, #tpu.memory_space<semaphore_mem>>)
      %dma_start3A_1030 = arith.constant 60 : i32
      %dma_start3A_1031 = arith.constant 0 : i32
      %dma_start3A_1032 = tpu.memref_slice %arg9[%dma_start3A_1030, %dma_start3A_1031] : memref<80x128xf32, #tpu.memory_space<vmem>> -> memref<20x128xf32, #tpu.memory_space<vmem>>
      %dma_start3A_1033 = arith.constant 0 : i32
      %dma_start3A_1034 = arith.constant 0 : i32
      %dma_start3A_1035 = tpu.memref_slice %arg4[%add3A_987, %dma_start3A_1033, %dma_start3A_1034] : memref<16384x20x128xf32, #tpu.memory_space<hbm>> -> memref<1x20x128xf32, #tpu.memory_space<hbm>>
      %dma_start3A_1036 = tpu.memref_squeeze %dma_start3A_1035 : memref<1x20x128xf32, #tpu.memory_space<hbm>> -> memref<20x128xf32, #tpu.memory_space<hbm>>
      %dma_start3A_1037 = arith.constant 0 : i32
      %dma_start3A_1038 = arith.constant 0 : i32
      %dma_start3A_1039 = tpu.memref_slice %arg4[%add3A_987, %dma_start3A_1037, %dma_start3A_1038] : memref<16384x20x128xf32, #tpu.memory_space<hbm>> -> memref<1x20x128xf32, #tpu.memory_space<hbm>>
      %dma_start3A_1040 = tpu.memref_squeeze %dma_start3A_1039 : memref<1x20x128xf32, #tpu.memory_space<hbm>> -> memref<20x128xf32, #tpu.memory_space<hbm>>
      %dma_start3A_1041 = arith.constant 60 : i32
      %dma_start3A_1042 = arith.constant 0 : i32
      %dma_start3A_1043 = tpu.memref_slice %arg9[%dma_start3A_1041, %dma_start3A_1042] : memref<80x128xf32, #tpu.memory_space<vmem>> -> memref<20x128xf32, #tpu.memory_space<vmem>>
      tpu.enqueue_dma source(%dma_start3A_1043 : memref<20x128xf32, #tpu.memory_space<vmem>>) target(%dma_start3A_1040 : memref<20x128xf32, #tpu.memory_space<hbm>>) target_semaphore(%arg25 : memref<!tpu.dma_semaphore, #tpu.memory_space<semaphore_mem>>)
      %mul3A_1044 = arith.constant 8 : i32
      %mul3A_1045 = arith.muli %scan3A_583, %mul3A_1044 : i32
      %add3A_1046 = arith.constant 4 : i32
      %add3A_1047 = arith.addi %mul3A_1045, %add3A_1046 : i32
      %dma_wait3A_1048 = arith.constant 0 : i32
      %dma_wait3A_1049 = tpu.memref_slice %arg5[%add3A_643, %dma_wait3A_1048] : memref<128x80xi32, #tpu.memory_space<vmem>> -> memref<1x80xi32, #tpu.memory_space<vmem>>
      %dma_wait3A_1050 = tpu.memref_squeeze %dma_wait3A_1049 : memref<1x80xi32, #tpu.memory_space<vmem>> -> memref<80xi32, #tpu.memory_space<vmem>>
      %dma_wait3A_1051 = arith.constant 0 : i32
      %dma_wait3A_1052 = arith.constant 0 : i32
      %dma_wait3A_1053 = tpu.memref_slice %arg2[%dma_wait3A_1051, %dma_wait3A_1052] : memref<1960x128xf32, #tpu.memory_space<hbm>> -> memref<1960x128xf32, #tpu.memory_space<hbm>>
      tpu.wait_indirect_dma semaphore(%arg18 : memref<!tpu.dma_semaphore, #tpu.memory_space<semaphore_mem>>) src(%dma_wait3A_1053 : memref<1960x128xf32, #tpu.memory_space<hbm>>) dst(%arg10 : memref<80x128xf32, #tpu.memory_space<vmem>>)
      %mul3A_1054 = arith.constant 4 : i32
      %mul3A_1055 = arith.muli %add3A_1047, %mul3A_1054 : i32
      %add3A_1056 = arith.addi %mul3A_2, %mul3A_1055 : i32
      %add3A_1057 = arith.constant 0 : i32
      %add3A_1058 = arith.addi %add3A_1056, %add3A_1057 : i32
      %mul3A_1059 = arith.constant 4 : i32
      %mul3A_1060 = arith.muli %add3A_1047, %mul3A_1059 : i32
      %add3A_1061 = arith.addi %mul3A_2, %mul3A_1060 : i32
      %add3A_1062 = arith.constant 1 : i32
      %add3A_1063 = arith.addi %add3A_1061, %add3A_1062 : i32
      %mul3A_1064 = arith.constant 4 : i32
      %mul3A_1065 = arith.muli %add3A_1047, %mul3A_1064 : i32
      %add3A_1066 = arith.addi %mul3A_2, %mul3A_1065 : i32
      %add3A_1067 = arith.constant 2 : i32
      %add3A_1068 = arith.addi %add3A_1066, %add3A_1067 : i32
      %mul3A_1069 = arith.constant 4 : i32
      %mul3A_1070 = arith.muli %add3A_1047, %mul3A_1069 : i32
      %add3A_1071 = arith.addi %mul3A_2, %mul3A_1070 : i32
      %add3A_1072 = arith.constant 3 : i32
      %add3A_1073 = arith.addi %add3A_1071, %add3A_1072 : i32
      %dma_start3A_1074 = arith.constant 0 : i32
      %dma_start3A_1075 = arith.constant 0 : i32
      %dma_start3A_1076 = tpu.memref_slice %arg10[%dma_start3A_1074, %dma_start3A_1075] : memref<80x128xf32, #tpu.memory_space<vmem>> -> memref<20x128xf32, #tpu.memory_space<vmem>>
      %dma_start3A_1077 = arith.constant 0 : i32
      %dma_start3A_1078 = arith.constant 0 : i32
      %dma_start3A_1079 = tpu.memref_slice %arg4[%add3A_1058, %dma_start3A_1077, %dma_start3A_1078] : memref<16384x20x128xf32, #tpu.memory_space<hbm>> -> memref<1x20x128xf32, #tpu.memory_space<hbm>>
      %dma_start3A_1080 = tpu.memref_squeeze %dma_start3A_1079 : memref<1x20x128xf32, #tpu.memory_space<hbm>> -> memref<20x128xf32, #tpu.memory_space<hbm>>
      %dma_start3A_1081 = arith.constant 0 : i32
      %dma_start3A_1082 = arith.constant 0 : i32
      %dma_start3A_1083 = tpu.memref_slice %arg4[%add3A_1058, %dma_start3A_1081, %dma_start3A_1082] : memref<16384x20x128xf32, #tpu.memory_space<hbm>> -> memref<1x20x128xf32, #tpu.memory_space<hbm>>
      %dma_start3A_1084 = tpu.memref_squeeze %dma_start3A_1083 : memref<1x20x128xf32, #tpu.memory_space<hbm>> -> memref<20x128xf32, #tpu.memory_space<hbm>>
      %dma_start3A_1085 = arith.constant 0 : i32
      %dma_start3A_1086 = arith.constant 0 : i32
      %dma_start3A_1087 = tpu.memref_slice %arg10[%dma_start3A_1085, %dma_start3A_1086] : memref<80x128xf32, #tpu.memory_space<vmem>> -> memref<20x128xf32, #tpu.memory_space<vmem>>
      tpu.enqueue_dma source(%dma_start3A_1087 : memref<20x128xf32, #tpu.memory_space<vmem>>) target(%dma_start3A_1084 : memref<20x128xf32, #tpu.memory_space<hbm>>) target_semaphore(%arg26 : memref<!tpu.dma_semaphore, #tpu.memory_space<semaphore_mem>>)
      %dma_start3A_1088 = arith.constant 20 : i32
      %dma_start3A_1089 = arith.constant 0 : i32
      %dma_start3A_1090 = tpu.memref_slice %arg10[%dma_start3A_1088, %dma_start3A_1089] : memref<80x128xf32, #tpu.memory_space<vmem>> -> memref<20x128xf32, #tpu.memory_space<vmem>>
      %dma_start3A_1091 = arith.constant 0 : i32
      %dma_start3A_1092 = arith.constant 0 : i32
      %dma_start3A_1093 = tpu.memref_slice %arg4[%add3A_1063, %dma_start3A_1091, %dma_start3A_1092] : memref<16384x20x128xf32, #tpu.memory_space<hbm>> -> memref<1x20x128xf32, #tpu.memory_space<hbm>>
      %dma_start3A_1094 = tpu.memref_squeeze %dma_start3A_1093 : memref<1x20x128xf32, #tpu.memory_space<hbm>> -> memref<20x128xf32, #tpu.memory_space<hbm>>
      %dma_start3A_1095 = arith.constant 0 : i32
      %dma_start3A_1096 = arith.constant 0 : i32
      %dma_start3A_1097 = tpu.memref_slice %arg4[%add3A_1063, %dma_start3A_1095, %dma_start3A_1096] : memref<16384x20x128xf32, #tpu.memory_space<hbm>> -> memref<1x20x128xf32, #tpu.memory_space<hbm>>
      %dma_start3A_1098 = tpu.memref_squeeze %dma_start3A_1097 : memref<1x20x128xf32, #tpu.memory_space<hbm>> -> memref<20x128xf32, #tpu.memory_space<hbm>>
      %dma_start3A_1099 = arith.constant 20 : i32
      %dma_start3A_1100 = arith.constant 0 : i32
      %dma_start3A_1101 = tpu.memref_slice %arg10[%dma_start3A_1099, %dma_start3A_1100] : memref<80x128xf32, #tpu.memory_space<vmem>> -> memref<20x128xf32, #tpu.memory_space<vmem>>
      tpu.enqueue_dma source(%dma_start3A_1101 : memref<20x128xf32, #tpu.memory_space<vmem>>) target(%dma_start3A_1098 : memref<20x128xf32, #tpu.memory_space<hbm>>) target_semaphore(%arg26 : memref<!tpu.dma_semaphore, #tpu.memory_space<semaphore_mem>>)
      %dma_start3A_1102 = arith.constant 40 : i32
      %dma_start3A_1103 = arith.constant 0 : i32
      %dma_start3A_1104 = tpu.memref_slice %arg10[%dma_start3A_1102, %dma_start3A_1103] : memref<80x128xf32, #tpu.memory_space<vmem>> -> memref<20x128xf32, #tpu.memory_space<vmem>>
      %dma_start3A_1105 = arith.constant 0 : i32
      %dma_start3A_1106 = arith.constant 0 : i32
      %dma_start3A_1107 = tpu.memref_slice %arg4[%add3A_1068, %dma_start3A_1105, %dma_start3A_1106] : memref<16384x20x128xf32, #tpu.memory_space<hbm>> -> memref<1x20x128xf32, #tpu.memory_space<hbm>>
      %dma_start3A_1108 = tpu.memref_squeeze %dma_start3A_1107 : memref<1x20x128xf32, #tpu.memory_space<hbm>> -> memref<20x128xf32, #tpu.memory_space<hbm>>
      %dma_start3A_1109 = arith.constant 0 : i32
      %dma_start3A_1110 = arith.constant 0 : i32
      %dma_start3A_1111 = tpu.memref_slice %arg4[%add3A_1068, %dma_start3A_1109, %dma_start3A_1110] : memref<16384x20x128xf32, #tpu.memory_space<hbm>> -> memref<1x20x128xf32, #tpu.memory_space<hbm>>
      %dma_start3A_1112 = tpu.memref_squeeze %dma_start3A_1111 : memref<1x20x128xf32, #tpu.memory_space<hbm>> -> memref<20x128xf32, #tpu.memory_space<hbm>>
      %dma_start3A_1113 = arith.constant 40 : i32
      %dma_start3A_1114 = arith.constant 0 : i32
      %dma_start3A_1115 = tpu.memref_slice %arg10[%dma_start3A_1113, %dma_start3A_1114] : memref<80x128xf32, #tpu.memory_space<vmem>> -> memref<20x128xf32, #tpu.memory_space<vmem>>
      tpu.enqueue_dma source(%dma_start3A_1115 : memref<20x128xf32, #tpu.memory_space<vmem>>) target(%dma_start3A_1112 : memref<20x128xf32, #tpu.memory_space<hbm>>) target_semaphore(%arg26 : memref<!tpu.dma_semaphore, #tpu.memory_space<semaphore_mem>>)
      %dma_start3A_1116 = arith.constant 60 : i32
      %dma_start3A_1117 = arith.constant 0 : i32
      %dma_start3A_1118 = tpu.memref_slice %arg10[%dma_start3A_1116, %dma_start3A_1117] : memref<80x128xf32, #tpu.memory_space<vmem>> -> memref<20x128xf32, #tpu.memory_space<vmem>>
      %dma_start3A_1119 = arith.constant 0 : i32
      %dma_start3A_1120 = arith.constant 0 : i32
      %dma_start3A_1121 = tpu.memref_slice %arg4[%add3A_1073, %dma_start3A_1119, %dma_start3A_1120] : memref<16384x20x128xf32, #tpu.memory_space<hbm>> -> memref<1x20x128xf32, #tpu.memory_space<hbm>>
      %dma_start3A_1122 = tpu.memref_squeeze %dma_start3A_1121 : memref<1x20x128xf32, #tpu.memory_space<hbm>> -> memref<20x128xf32, #tpu.memory_space<hbm>>
      %dma_start3A_1123 = arith.constant 0 : i32
      %dma_start3A_1124 = arith.constant 0 : i32
      %dma_start3A_1125 = tpu.memref_slice %arg4[%add3A_1073, %dma_start3A_1123, %dma_start3A_1124] : memref<16384x20x128xf32, #tpu.memory_space<hbm>> -> memref<1x20x128xf32, #tpu.memory_space<hbm>>
      %dma_start3A_1126 = tpu.memref_squeeze %dma_start3A_1125 : memref<1x20x128xf32, #tpu.memory_space<hbm>> -> memref<20x128xf32, #tpu.memory_space<hbm>>
      %dma_start3A_1127 = arith.constant 60 : i32
      %dma_start3A_1128 = arith.constant 0 : i32
      %dma_start3A_1129 = tpu.memref_slice %arg10[%dma_start3A_1127, %dma_start3A_1128] : memref<80x128xf32, #tpu.memory_space<vmem>> -> memref<20x128xf32, #tpu.memory_space<vmem>>
      tpu.enqueue_dma source(%dma_start3A_1129 : memref<20x128xf32, #tpu.memory_space<vmem>>) target(%dma_start3A_1126 : memref<20x128xf32, #tpu.memory_space<hbm>>) target_semaphore(%arg26 : memref<!tpu.dma_semaphore, #tpu.memory_space<semaphore_mem>>)
      %mul3A_1130 = arith.constant 8 : i32
      %mul3A_1131 = arith.muli %scan3A_583, %mul3A_1130 : i32
      %add3A_1132 = arith.constant 5 : i32
      %add3A_1133 = arith.addi %mul3A_1131, %add3A_1132 : i32
      %dma_wait3A_1134 = arith.constant 0 : i32
      %dma_wait3A_1135 = tpu.memref_slice %arg5[%add3A_658, %dma_wait3A_1134] : memref<128x80xi32, #tpu.memory_space<vmem>> -> memref<1x80xi32, #tpu.memory_space<vmem>>
      %dma_wait3A_1136 = tpu.memref_squeeze %dma_wait3A_1135 : memref<1x80xi32, #tpu.memory_space<vmem>> -> memref<80xi32, #tpu.memory_space<vmem>>
      %dma_wait3A_1137 = arith.constant 0 : i32
      %dma_wait3A_1138 = arith.constant 0 : i32
      %dma_wait3A_1139 = tpu.memref_slice %arg2[%dma_wait3A_1137, %dma_wait3A_1138] : memref<1960x128xf32, #tpu.memory_space<hbm>> -> memref<1960x128xf32, #tpu.memory_space<hbm>>
      tpu.wait_indirect_dma semaphore(%arg19 : memref<!tpu.dma_semaphore, #tpu.memory_space<semaphore_mem>>) src(%dma_wait3A_1139 : memref<1960x128xf32, #tpu.memory_space<hbm>>) dst(%arg11 : memref<80x128xf32, #tpu.memory_space<vmem>>)
      %mul3A_1140 = arith.constant 4 : i32
      %mul3A_1141 = arith.muli %add3A_1133, %mul3A_1140 : i32
      %add3A_1142 = arith.addi %mul3A_2, %mul3A_1141 : i32
      %add3A_1143 = arith.constant 0 : i32
      %add3A_1144 = arith.addi %add3A_1142, %add3A_1143 : i32
      %mul3A_1145 = arith.constant 4 : i32
      %mul3A_1146 = arith.muli %add3A_1133, %mul3A_1145 : i32
      %add3A_1147 = arith.addi %mul3A_2, %mul3A_1146 : i32
      %add3A_1148 = arith.constant 1 : i32
      %add3A_1149 = arith.addi %add3A_1147, %add3A_1148 : i32
      %mul3A_1150 = arith.constant 4 : i32
      %mul3A_1151 = arith.muli %add3A_1133, %mul3A_1150 : i32
      %add3A_1152 = arith.addi %mul3A_2, %mul3A_1151 : i32
      %add3A_1153 = arith.constant 2 : i32
      %add3A_1154 = arith.addi %add3A_1152, %add3A_1153 : i32
      %mul3A_1155 = arith.constant 4 : i32
      %mul3A_1156 = arith.muli %add3A_1133, %mul3A_1155 : i32
      %add3A_1157 = arith.addi %mul3A_2, %mul3A_1156 : i32
      %add3A_1158 = arith.constant 3 : i32
      %add3A_1159 = arith.addi %add3A_1157, %add3A_1158 : i32
      %dma_start3A_1160 = arith.constant 0 : i32
      %dma_start3A_1161 = arith.constant 0 : i32
      %dma_start3A_1162 = tpu.memref_slice %arg11[%dma_start3A_1160, %dma_start3A_1161] : memref<80x128xf32, #tpu.memory_space<vmem>> -> memref<20x128xf32, #tpu.memory_space<vmem>>
      %dma_start3A_1163 = arith.constant 0 : i32
      %dma_start3A_1164 = arith.constant 0 : i32
      %dma_start3A_1165 = tpu.memref_slice %arg4[%add3A_1144, %dma_start3A_1163, %dma_start3A_1164] : memref<16384x20x128xf32, #tpu.memory_space<hbm>> -> memref<1x20x128xf32, #tpu.memory_space<hbm>>
      %dma_start3A_1166 = tpu.memref_squeeze %dma_start3A_1165 : memref<1x20x128xf32, #tpu.memory_space<hbm>> -> memref<20x128xf32, #tpu.memory_space<hbm>>
      %dma_start3A_1167 = arith.constant 0 : i32
      %dma_start3A_1168 = arith.constant 0 : i32
      %dma_start3A_1169 = tpu.memref_slice %arg4[%add3A_1144, %dma_start3A_1167, %dma_start3A_1168] : memref<16384x20x128xf32, #tpu.memory_space<hbm>> -> memref<1x20x128xf32, #tpu.memory_space<hbm>>
      %dma_start3A_1170 = tpu.memref_squeeze %dma_start3A_1169 : memref<1x20x128xf32, #tpu.memory_space<hbm>> -> memref<20x128xf32, #tpu.memory_space<hbm>>
      %dma_start3A_1171 = arith.constant 0 : i32
      %dma_start3A_1172 = arith.constant 0 : i32
      %dma_start3A_1173 = tpu.memref_slice %arg11[%dma_start3A_1171, %dma_start3A_1172] : memref<80x128xf32, #tpu.memory_space<vmem>> -> memref<20x128xf32, #tpu.memory_space<vmem>>
      tpu.enqueue_dma source(%dma_start3A_1173 : memref<20x128xf32, #tpu.memory_space<vmem>>) target(%dma_start3A_1170 : memref<20x128xf32, #tpu.memory_space<hbm>>) target_semaphore(%arg27 : memref<!tpu.dma_semaphore, #tpu.memory_space<semaphore_mem>>)
      %dma_start3A_1174 = arith.constant 20 : i32
      %dma_start3A_1175 = arith.constant 0 : i32
      %dma_start3A_1176 = tpu.memref_slice %arg11[%dma_start3A_1174, %dma_start3A_1175] : memref<80x128xf32, #tpu.memory_space<vmem>> -> memref<20x128xf32, #tpu.memory_space<vmem>>
      %dma_start3A_1177 = arith.constant 0 : i32
      %dma_start3A_1178 = arith.constant 0 : i32
      %dma_start3A_1179 = tpu.memref_slice %arg4[%add3A_1149, %dma_start3A_1177, %dma_start3A_1178] : memref<16384x20x128xf32, #tpu.memory_space<hbm>> -> memref<1x20x128xf32, #tpu.memory_space<hbm>>
      %dma_start3A_1180 = tpu.memref_squeeze %dma_start3A_1179 : memref<1x20x128xf32, #tpu.memory_space<hbm>> -> memref<20x128xf32, #tpu.memory_space<hbm>>
      %dma_start3A_1181 = arith.constant 0 : i32
      %dma_start3A_1182 = arith.constant 0 : i32
      %dma_start3A_1183 = tpu.memref_slice %arg4[%add3A_1149, %dma_start3A_1181, %dma_start3A_1182] : memref<16384x20x128xf32, #tpu.memory_space<hbm>> -> memref<1x20x128xf32, #tpu.memory_space<hbm>>
      %dma_start3A_1184 = tpu.memref_squeeze %dma_start3A_1183 : memref<1x20x128xf32, #tpu.memory_space<hbm>> -> memref<20x128xf32, #tpu.memory_space<hbm>>
      %dma_start3A_1185 = arith.constant 20 : i32
      %dma_start3A_1186 = arith.constant 0 : i32
      %dma_start3A_1187 = tpu.memref_slice %arg11[%dma_start3A_1185, %dma_start3A_1186] : memref<80x128xf32, #tpu.memory_space<vmem>> -> memref<20x128xf32, #tpu.memory_space<vmem>>
      tpu.enqueue_dma source(%dma_start3A_1187 : memref<20x128xf32, #tpu.memory_space<vmem>>) target(%dma_start3A_1184 : memref<20x128xf32, #tpu.memory_space<hbm>>) target_semaphore(%arg27 : memref<!tpu.dma_semaphore, #tpu.memory_space<semaphore_mem>>)
      %dma_start3A_1188 = arith.constant 40 : i32
      %dma_start3A_1189 = arith.constant 0 : i32
      %dma_start3A_1190 = tpu.memref_slice %arg11[%dma_start3A_1188, %dma_start3A_1189] : memref<80x128xf32, #tpu.memory_space<vmem>> -> memref<20x128xf32, #tpu.memory_space<vmem>>
      %dma_start3A_1191 = arith.constant 0 : i32
      %dma_start3A_1192 = arith.constant 0 : i32
      %dma_start3A_1193 = tpu.memref_slice %arg4[%add3A_1154, %dma_start3A_1191, %dma_start3A_1192] : memref<16384x20x128xf32, #tpu.memory_space<hbm>> -> memref<1x20x128xf32, #tpu.memory_space<hbm>>
      %dma_start3A_1194 = tpu.memref_squeeze %dma_start3A_1193 : memref<1x20x128xf32, #tpu.memory_space<hbm>> -> memref<20x128xf32, #tpu.memory_space<hbm>>
      %dma_start3A_1195 = arith.constant 0 : i32
      %dma_start3A_1196 = arith.constant 0 : i32
      %dma_start3A_1197 = tpu.memref_slice %arg4[%add3A_1154, %dma_start3A_1195, %dma_start3A_1196] : memref<16384x20x128xf32, #tpu.memory_space<hbm>> -> memref<1x20x128xf32, #tpu.memory_space<hbm>>
      %dma_start3A_1198 = tpu.memref_squeeze %dma_start3A_1197 : memref<1x20x128xf32, #tpu.memory_space<hbm>> -> memref<20x128xf32, #tpu.memory_space<hbm>>
      %dma_start3A_1199 = arith.constant 40 : i32
      %dma_start3A_1200 = arith.constant 0 : i32
      %dma_start3A_1201 = tpu.memref_slice %arg11[%dma_start3A_1199, %dma_start3A_1200] : memref<80x128xf32, #tpu.memory_space<vmem>> -> memref<20x128xf32, #tpu.memory_space<vmem>>
      tpu.enqueue_dma source(%dma_start3A_1201 : memref<20x128xf32, #tpu.memory_space<vmem>>) target(%dma_start3A_1198 : memref<20x128xf32, #tpu.memory_space<hbm>>) target_semaphore(%arg27 : memref<!tpu.dma_semaphore, #tpu.memory_space<semaphore_mem>>)
      %dma_start3A_1202 = arith.constant 60 : i32
      %dma_start3A_1203 = arith.constant 0 : i32
      %dma_start3A_1204 = tpu.memref_slice %arg11[%dma_start3A_1202, %dma_start3A_1203] : memref<80x128xf32, #tpu.memory_space<vmem>> -> memref<20x128xf32, #tpu.memory_space<vmem>>
      %dma_start3A_1205 = arith.constant 0 : i32
      %dma_start3A_1206 = arith.constant 0 : i32
      %dma_start3A_1207 = tpu.memref_slice %arg4[%add3A_1159, %dma_start3A_1205, %dma_start3A_1206] : memref<16384x20x128xf32, #tpu.memory_space<hbm>> -> memref<1x20x128xf32, #tpu.memory_space<hbm>>
      %dma_start3A_1208 = tpu.memref_squeeze %dma_start3A_1207 : memref<1x20x128xf32, #tpu.memory_space<hbm>> -> memref<20x128xf32, #tpu.memory_space<hbm>>
      %dma_start3A_1209 = arith.constant 0 : i32
      %dma_start3A_1210 = arith.constant 0 : i32
      %dma_start3A_1211 = tpu.memref_slice %arg4[%add3A_1159, %dma_start3A_1209, %dma_start3A_1210] : memref<16384x20x128xf32, #tpu.memory_space<hbm>> -> memref<1x20x128xf32, #tpu.memory_space<hbm>>
      %dma_start3A_1212 = tpu.memref_squeeze %dma_start3A_1211 : memref<1x20x128xf32, #tpu.memory_space<hbm>> -> memref<20x128xf32, #tpu.memory_space<hbm>>
      %dma_start3A_1213 = arith.constant 60 : i32
      %dma_start3A_1214 = arith.constant 0 : i32
      %dma_start3A_1215 = tpu.memref_slice %arg11[%dma_start3A_1213, %dma_start3A_1214] : memref<80x128xf32, #tpu.memory_space<vmem>> -> memref<20x128xf32, #tpu.memory_space<vmem>>
      tpu.enqueue_dma source(%dma_start3A_1215 : memref<20x128xf32, #tpu.memory_space<vmem>>) target(%dma_start3A_1212 : memref<20x128xf32, #tpu.memory_space<hbm>>) target_semaphore(%arg27 : memref<!tpu.dma_semaphore, #tpu.memory_space<semaphore_mem>>)
      %mul3A_1216 = arith.constant 8 : i32
      %mul3A_1217 = arith.muli %scan3A_583, %mul3A_1216 : i32
      %add3A_1218 = arith.constant 6 : i32
      %add3A_1219 = arith.addi %mul3A_1217, %add3A_1218 : i32
      %dma_wait3A_1220 = arith.constant 0 : i32
      %dma_wait3A_1221 = tpu.memref_slice %arg5[%add3A_673, %dma_wait3A_1220] : memref<128x80xi32, #tpu.memory_space<vmem>> -> memref<1x80xi32, #tpu.memory_space<vmem>>
      %dma_wait3A_1222 = tpu.memref_squeeze %dma_wait3A_1221 : memref<1x80xi32, #tpu.memory_space<vmem>> -> memref<80xi32, #tpu.memory_space<vmem>>
      %dma_wait3A_1223 = arith.constant 0 : i32
      %dma_wait3A_1224 = arith.constant 0 : i32
      %dma_wait3A_1225 = tpu.memref_slice %arg2[%dma_wait3A_1223, %dma_wait3A_1224] : memref<1960x128xf32, #tpu.memory_space<hbm>> -> memref<1960x128xf32, #tpu.memory_space<hbm>>
      tpu.wait_indirect_dma semaphore(%arg20 : memref<!tpu.dma_semaphore, #tpu.memory_space<semaphore_mem>>) src(%dma_wait3A_1225 : memref<1960x128xf32, #tpu.memory_space<hbm>>) dst(%arg12 : memref<80x128xf32, #tpu.memory_space<vmem>>)
      %mul3A_1226 = arith.constant 4 : i32
      %mul3A_1227 = arith.muli %add3A_1219, %mul3A_1226 : i32
      %add3A_1228 = arith.addi %mul3A_2, %mul3A_1227 : i32
      %add3A_1229 = arith.constant 0 : i32
      %add3A_1230 = arith.addi %add3A_1228, %add3A_1229 : i32
      %mul3A_1231 = arith.constant 4 : i32
      %mul3A_1232 = arith.muli %add3A_1219, %mul3A_1231 : i32
      %add3A_1233 = arith.addi %mul3A_2, %mul3A_1232 : i32
      %add3A_1234 = arith.constant 1 : i32
      %add3A_1235 = arith.addi %add3A_1233, %add3A_1234 : i32
      %mul3A_1236 = arith.constant 4 : i32
      %mul3A_1237 = arith.muli %add3A_1219, %mul3A_1236 : i32
      %add3A_1238 = arith.addi %mul3A_2, %mul3A_1237 : i32
      %add3A_1239 = arith.constant 2 : i32
      %add3A_1240 = arith.addi %add3A_1238, %add3A_1239 : i32
      %mul3A_1241 = arith.constant 4 : i32
      %mul3A_1242 = arith.muli %add3A_1219, %mul3A_1241 : i32
      %add3A_1243 = arith.addi %mul3A_2, %mul3A_1242 : i32
      %add3A_1244 = arith.constant 3 : i32
      %add3A_1245 = arith.addi %add3A_1243, %add3A_1244 : i32
      %dma_start3A_1246 = arith.constant 0 : i32
      %dma_start3A_1247 = arith.constant 0 : i32
      %dma_start3A_1248 = tpu.memref_slice %arg12[%dma_start3A_1246, %dma_start3A_1247] : memref<80x128xf32, #tpu.memory_space<vmem>> -> memref<20x128xf32, #tpu.memory_space<vmem>>
      %dma_start3A_1249 = arith.constant 0 : i32
      %dma_start3A_1250 = arith.constant 0 : i32
      %dma_start3A_1251 = tpu.memref_slice %arg4[%add3A_1230, %dma_start3A_1249, %dma_start3A_1250] : memref<16384x20x128xf32, #tpu.memory_space<hbm>> -> memref<1x20x128xf32, #tpu.memory_space<hbm>>
      %dma_start3A_1252 = tpu.memref_squeeze %dma_start3A_1251 : memref<1x20x128xf32, #tpu.memory_space<hbm>> -> memref<20x128xf32, #tpu.memory_space<hbm>>
      %dma_start3A_1253 = arith.constant 0 : i32
      %dma_start3A_1254 = arith.constant 0 : i32
      %dma_start3A_1255 = tpu.memref_slice %arg4[%add3A_1230, %dma_start3A_1253, %dma_start3A_1254] : memref<16384x20x128xf32, #tpu.memory_space<hbm>> -> memref<1x20x128xf32, #tpu.memory_space<hbm>>
      %dma_start3A_1256 = tpu.memref_squeeze %dma_start3A_1255 : memref<1x20x128xf32, #tpu.memory_space<hbm>> -> memref<20x128xf32, #tpu.memory_space<hbm>>
      %dma_start3A_1257 = arith.constant 0 : i32
      %dma_start3A_1258 = arith.constant 0 : i32
      %dma_start3A_1259 = tpu.memref_slice %arg12[%dma_start3A_1257, %dma_start3A_1258] : memref<80x128xf32, #tpu.memory_space<vmem>> -> memref<20x128xf32, #tpu.memory_space<vmem>>
      tpu.enqueue_dma source(%dma_start3A_1259 : memref<20x128xf32, #tpu.memory_space<vmem>>) target(%dma_start3A_1256 : memref<20x128xf32, #tpu.memory_space<hbm>>) target_semaphore(%arg28 : memref<!tpu.dma_semaphore, #tpu.memory_space<semaphore_mem>>)
      %dma_start3A_1260 = arith.constant 20 : i32
      %dma_start3A_1261 = arith.constant 0 : i32
      %dma_start3A_1262 = tpu.memref_slice %arg12[%dma_start3A_1260, %dma_start3A_1261] : memref<80x128xf32, #tpu.memory_space<vmem>> -> memref<20x128xf32, #tpu.memory_space<vmem>>
      %dma_start3A_1263 = arith.constant 0 : i32
      %dma_start3A_1264 = arith.constant 0 : i32
      %dma_start3A_1265 = tpu.memref_slice %arg4[%add3A_1235, %dma_start3A_1263, %dma_start3A_1264] : memref<16384x20x128xf32, #tpu.memory_space<hbm>> -> memref<1x20x128xf32, #tpu.memory_space<hbm>>
      %dma_start3A_1266 = tpu.memref_squeeze %dma_start3A_1265 : memref<1x20x128xf32, #tpu.memory_space<hbm>> -> memref<20x128xf32, #tpu.memory_space<hbm>>
      %dma_start3A_1267 = arith.constant 0 : i32
      %dma_start3A_1268 = arith.constant 0 : i32
      %dma_start3A_1269 = tpu.memref_slice %arg4[%add3A_1235, %dma_start3A_1267, %dma_start3A_1268] : memref<16384x20x128xf32, #tpu.memory_space<hbm>> -> memref<1x20x128xf32, #tpu.memory_space<hbm>>
      %dma_start3A_1270 = tpu.memref_squeeze %dma_start3A_1269 : memref<1x20x128xf32, #tpu.memory_space<hbm>> -> memref<20x128xf32, #tpu.memory_space<hbm>>
      %dma_start3A_1271 = arith.constant 20 : i32
      %dma_start3A_1272 = arith.constant 0 : i32
      %dma_start3A_1273 = tpu.memref_slice %arg12[%dma_start3A_1271, %dma_start3A_1272] : memref<80x128xf32, #tpu.memory_space<vmem>> -> memref<20x128xf32, #tpu.memory_space<vmem>>
      tpu.enqueue_dma source(%dma_start3A_1273 : memref<20x128xf32, #tpu.memory_space<vmem>>) target(%dma_start3A_1270 : memref<20x128xf32, #tpu.memory_space<hbm>>) target_semaphore(%arg28 : memref<!tpu.dma_semaphore, #tpu.memory_space<semaphore_mem>>)
      %dma_start3A_1274 = arith.constant 40 : i32
      %dma_start3A_1275 = arith.constant 0 : i32
      %dma_start3A_1276 = tpu.memref_slice %arg12[%dma_start3A_1274, %dma_start3A_1275] : memref<80x128xf32, #tpu.memory_space<vmem>> -> memref<20x128xf32, #tpu.memory_space<vmem>>
      %dma_start3A_1277 = arith.constant 0 : i32
      %dma_start3A_1278 = arith.constant 0 : i32
      %dma_start3A_1279 = tpu.memref_slice %arg4[%add3A_1240, %dma_start3A_1277, %dma_start3A_1278] : memref<16384x20x128xf32, #tpu.memory_space<hbm>> -> memref<1x20x128xf32, #tpu.memory_space<hbm>>
      %dma_start3A_1280 = tpu.memref_squeeze %dma_start3A_1279 : memref<1x20x128xf32, #tpu.memory_space<hbm>> -> memref<20x128xf32, #tpu.memory_space<hbm>>
      %dma_start3A_1281 = arith.constant 0 : i32
      %dma_start3A_1282 = arith.constant 0 : i32
      %dma_start3A_1283 = tpu.memref_slice %arg4[%add3A_1240, %dma_start3A_1281, %dma_start3A_1282] : memref<16384x20x128xf32, #tpu.memory_space<hbm>> -> memref<1x20x128xf32, #tpu.memory_space<hbm>>
      %dma_start3A_1284 = tpu.memref_squeeze %dma_start3A_1283 : memref<1x20x128xf32, #tpu.memory_space<hbm>> -> memref<20x128xf32, #tpu.memory_space<hbm>>
      %dma_start3A_1285 = arith.constant 40 : i32
      %dma_start3A_1286 = arith.constant 0 : i32
      %dma_start3A_1287 = tpu.memref_slice %arg12[%dma_start3A_1285, %dma_start3A_1286] : memref<80x128xf32, #tpu.memory_space<vmem>> -> memref<20x128xf32, #tpu.memory_space<vmem>>
      tpu.enqueue_dma source(%dma_start3A_1287 : memref<20x128xf32, #tpu.memory_space<vmem>>) target(%dma_start3A_1284 : memref<20x128xf32, #tpu.memory_space<hbm>>) target_semaphore(%arg28 : memref<!tpu.dma_semaphore, #tpu.memory_space<semaphore_mem>>)
      %dma_start3A_1288 = arith.constant 60 : i32
      %dma_start3A_1289 = arith.constant 0 : i32
      %dma_start3A_1290 = tpu.memref_slice %arg12[%dma_start3A_1288, %dma_start3A_1289] : memref<80x128xf32, #tpu.memory_space<vmem>> -> memref<20x128xf32, #tpu.memory_space<vmem>>
      %dma_start3A_1291 = arith.constant 0 : i32
      %dma_start3A_1292 = arith.constant 0 : i32
      %dma_start3A_1293 = tpu.memref_slice %arg4[%add3A_1245, %dma_start3A_1291, %dma_start3A_1292] : memref<16384x20x128xf32, #tpu.memory_space<hbm>> -> memref<1x20x128xf32, #tpu.memory_space<hbm>>
      %dma_start3A_1294 = tpu.memref_squeeze %dma_start3A_1293 : memref<1x20x128xf32, #tpu.memory_space<hbm>> -> memref<20x128xf32, #tpu.memory_space<hbm>>
      %dma_start3A_1295 = arith.constant 0 : i32
      %dma_start3A_1296 = arith.constant 0 : i32
      %dma_start3A_1297 = tpu.memref_slice %arg4[%add3A_1245, %dma_start3A_1295, %dma_start3A_1296] : memref<16384x20x128xf32, #tpu.memory_space<hbm>> -> memref<1x20x128xf32, #tpu.memory_space<hbm>>
      %dma_start3A_1298 = tpu.memref_squeeze %dma_start3A_1297 : memref<1x20x128xf32, #tpu.memory_space<hbm>> -> memref<20x128xf32, #tpu.memory_space<hbm>>
      %dma_start3A_1299 = arith.constant 60 : i32
      %dma_start3A_1300 = arith.constant 0 : i32
      %dma_start3A_1301 = tpu.memref_slice %arg12[%dma_start3A_1299, %dma_start3A_1300] : memref<80x128xf32, #tpu.memory_space<vmem>> -> memref<20x128xf32, #tpu.memory_space<vmem>>
      tpu.enqueue_dma source(%dma_start3A_1301 : memref<20x128xf32, #tpu.memory_space<vmem>>) target(%dma_start3A_1298 : memref<20x128xf32, #tpu.memory_space<hbm>>) target_semaphore(%arg28 : memref<!tpu.dma_semaphore, #tpu.memory_space<semaphore_mem>>)
      %mul3A_1302 = arith.constant 8 : i32
      %mul3A_1303 = arith.muli %scan3A_583, %mul3A_1302 : i32
      %add3A_1304 = arith.constant 7 : i32
      %add3A_1305 = arith.addi %mul3A_1303, %add3A_1304 : i32
      %dma_wait3A_1306 = arith.constant 0 : i32
      %dma_wait3A_1307 = tpu.memref_slice %arg5[%add3A_688, %dma_wait3A_1306] : memref<128x80xi32, #tpu.memory_space<vmem>> -> memref<1x80xi32, #tpu.memory_space<vmem>>
      %dma_wait3A_1308 = tpu.memref_squeeze %dma_wait3A_1307 : memref<1x80xi32, #tpu.memory_space<vmem>> -> memref<80xi32, #tpu.memory_space<vmem>>
      %dma_wait3A_1309 = arith.constant 0 : i32
      %dma_wait3A_1310 = arith.constant 0 : i32
      %dma_wait3A_1311 = tpu.memref_slice %arg2[%dma_wait3A_1309, %dma_wait3A_1310] : memref<1960x128xf32, #tpu.memory_space<hbm>> -> memref<1960x128xf32, #tpu.memory_space<hbm>>
      tpu.wait_indirect_dma semaphore(%arg21 : memref<!tpu.dma_semaphore, #tpu.memory_space<semaphore_mem>>) src(%dma_wait3A_1311 : memref<1960x128xf32, #tpu.memory_space<hbm>>) dst(%arg13 : memref<80x128xf32, #tpu.memory_space<vmem>>)
      %mul3A_1312 = arith.constant 4 : i32
      %mul3A_1313 = arith.muli %add3A_1305, %mul3A_1312 : i32
      %add3A_1314 = arith.addi %mul3A_2, %mul3A_1313 : i32
      %add3A_1315 = arith.constant 0 : i32
      %add3A_1316 = arith.addi %add3A_1314, %add3A_1315 : i32
      %mul3A_1317 = arith.constant 4 : i32
      %mul3A_1318 = arith.muli %add3A_1305, %mul3A_1317 : i32
      %add3A_1319 = arith.addi %mul3A_2, %mul3A_1318 : i32
      %add3A_1320 = arith.constant 1 : i32
      %add3A_1321 = arith.addi %add3A_1319, %add3A_1320 : i32
      %mul3A_1322 = arith.constant 4 : i32
      %mul3A_1323 = arith.muli %add3A_1305, %mul3A_1322 : i32
      %add3A_1324 = arith.addi %mul3A_2, %mul3A_1323 : i32
      %add3A_1325 = arith.constant 2 : i32
      %add3A_1326 = arith.addi %add3A_1324, %add3A_1325 : i32
      %mul3A_1327 = arith.constant 4 : i32
      %mul3A_1328 = arith.muli %add3A_1305, %mul3A_1327 : i32
      %add3A_1329 = arith.addi %mul3A_2, %mul3A_1328 : i32
      %add3A_1330 = arith.constant 3 : i32
      %add3A_1331 = arith.addi %add3A_1329, %add3A_1330 : i32
      %dma_start3A_1332 = arith.constant 0 : i32
      %dma_start3A_1333 = arith.constant 0 : i32
      %dma_start3A_1334 = tpu.memref_slice %arg13[%dma_start3A_1332, %dma_start3A_1333] : memref<80x128xf32, #tpu.memory_space<vmem>> -> memref<20x128xf32, #tpu.memory_space<vmem>>
      %dma_start3A_1335 = arith.constant 0 : i32
      %dma_start3A_1336 = arith.constant 0 : i32
      %dma_start3A_1337 = tpu.memref_slice %arg4[%add3A_1316, %dma_start3A_1335, %dma_start3A_1336] : memref<16384x20x128xf32, #tpu.memory_space<hbm>> -> memref<1x20x128xf32, #tpu.memory_space<hbm>>
      %dma_start3A_1338 = tpu.memref_squeeze %dma_start3A_1337 : memref<1x20x128xf32, #tpu.memory_space<hbm>> -> memref<20x128xf32, #tpu.memory_space<hbm>>
      %dma_start3A_1339 = arith.constant 0 : i32
      %dma_start3A_1340 = arith.constant 0 : i32
      %dma_start3A_1341 = tpu.memref_slice %arg4[%add3A_1316, %dma_start3A_1339, %dma_start3A_1340] : memref<16384x20x128xf32, #tpu.memory_space<hbm>> -> memref<1x20x128xf32, #tpu.memory_space<hbm>>
      %dma_start3A_1342 = tpu.memref_squeeze %dma_start3A_1341 : memref<1x20x128xf32, #tpu.memory_space<hbm>> -> memref<20x128xf32, #tpu.memory_space<hbm>>
      %dma_start3A_1343 = arith.constant 0 : i32
      %dma_start3A_1344 = arith.constant 0 : i32
      %dma_start3A_1345 = tpu.memref_slice %arg13[%dma_start3A_1343, %dma_start3A_1344] : memref<80x128xf32, #tpu.memory_space<vmem>> -> memref<20x128xf32, #tpu.memory_space<vmem>>
      tpu.enqueue_dma source(%dma_start3A_1345 : memref<20x128xf32, #tpu.memory_space<vmem>>) target(%dma_start3A_1342 : memref<20x128xf32, #tpu.memory_space<hbm>>) target_semaphore(%arg29 : memref<!tpu.dma_semaphore, #tpu.memory_space<semaphore_mem>>)
      %dma_start3A_1346 = arith.constant 20 : i32
      %dma_start3A_1347 = arith.constant 0 : i32
      %dma_start3A_1348 = tpu.memref_slice %arg13[%dma_start3A_1346, %dma_start3A_1347] : memref<80x128xf32, #tpu.memory_space<vmem>> -> memref<20x128xf32, #tpu.memory_space<vmem>>
      %dma_start3A_1349 = arith.constant 0 : i32
      %dma_start3A_1350 = arith.constant 0 : i32
      %dma_start3A_1351 = tpu.memref_slice %arg4[%add3A_1321, %dma_start3A_1349, %dma_start3A_1350] : memref<16384x20x128xf32, #tpu.memory_space<hbm>> -> memref<1x20x128xf32, #tpu.memory_space<hbm>>
      %dma_start3A_1352 = tpu.memref_squeeze %dma_start3A_1351 : memref<1x20x128xf32, #tpu.memory_space<hbm>> -> memref<20x128xf32, #tpu.memory_space<hbm>>
      %dma_start3A_1353 = arith.constant 0 : i32
      %dma_start3A_1354 = arith.constant 0 : i32
      %dma_start3A_1355 = tpu.memref_slice %arg4[%add3A_1321, %dma_start3A_1353, %dma_start3A_1354] : memref<16384x20x128xf32, #tpu.memory_space<hbm>> -> memref<1x20x128xf32, #tpu.memory_space<hbm>>
      %dma_start3A_1356 = tpu.memref_squeeze %dma_start3A_1355 : memref<1x20x128xf32, #tpu.memory_space<hbm>> -> memref<20x128xf32, #tpu.memory_space<hbm>>
      %dma_start3A_1357 = arith.constant 20 : i32
      %dma_start3A_1358 = arith.constant 0 : i32
      %dma_start3A_1359 = tpu.memref_slice %arg13[%dma_start3A_1357, %dma_start3A_1358] : memref<80x128xf32, #tpu.memory_space<vmem>> -> memref<20x128xf32, #tpu.memory_space<vmem>>
      tpu.enqueue_dma source(%dma_start3A_1359 : memref<20x128xf32, #tpu.memory_space<vmem>>) target(%dma_start3A_1356 : memref<20x128xf32, #tpu.memory_space<hbm>>) target_semaphore(%arg29 : memref<!tpu.dma_semaphore, #tpu.memory_space<semaphore_mem>>)
      %dma_start3A_1360 = arith.constant 40 : i32
      %dma_start3A_1361 = arith.constant 0 : i32
      %dma_start3A_1362 = tpu.memref_slice %arg13[%dma_start3A_1360, %dma_start3A_1361] : memref<80x128xf32, #tpu.memory_space<vmem>> -> memref<20x128xf32, #tpu.memory_space<vmem>>
      %dma_start3A_1363 = arith.constant 0 : i32
      %dma_start3A_1364 = arith.constant 0 : i32
      %dma_start3A_1365 = tpu.memref_slice %arg4[%add3A_1326, %dma_start3A_1363, %dma_start3A_1364] : memref<16384x20x128xf32, #tpu.memory_space<hbm>> -> memref<1x20x128xf32, #tpu.memory_space<hbm>>
      %dma_start3A_1366 = tpu.memref_squeeze %dma_start3A_1365 : memref<1x20x128xf32, #tpu.memory_space<hbm>> -> memref<20x128xf32, #tpu.memory_space<hbm>>
      %dma_start3A_1367 = arith.constant 0 : i32
      %dma_start3A_1368 = arith.constant 0 : i32
      %dma_start3A_1369 = tpu.memref_slice %arg4[%add3A_1326, %dma_start3A_1367, %dma_start3A_1368] : memref<16384x20x128xf32, #tpu.memory_space<hbm>> -> memref<1x20x128xf32, #tpu.memory_space<hbm>>
      %dma_start3A_1370 = tpu.memref_squeeze %dma_start3A_1369 : memref<1x20x128xf32, #tpu.memory_space<hbm>> -> memref<20x128xf32, #tpu.memory_space<hbm>>
      %dma_start3A_1371 = arith.constant 40 : i32
      %dma_start3A_1372 = arith.constant 0 : i32
      %dma_start3A_1373 = tpu.memref_slice %arg13[%dma_start3A_1371, %dma_start3A_1372] : memref<80x128xf32, #tpu.memory_space<vmem>> -> memref<20x128xf32, #tpu.memory_space<vmem>>
      tpu.enqueue_dma source(%dma_start3A_1373 : memref<20x128xf32, #tpu.memory_space<vmem>>) target(%dma_start3A_1370 : memref<20x128xf32, #tpu.memory_space<hbm>>) target_semaphore(%arg29 : memref<!tpu.dma_semaphore, #tpu.memory_space<semaphore_mem>>)
      %dma_start3A_1374 = arith.constant 60 : i32
      %dma_start3A_1375 = arith.constant 0 : i32
      %dma_start3A_1376 = tpu.memref_slice %arg13[%dma_start3A_1374, %dma_start3A_1375] : memref<80x128xf32, #tpu.memory_space<vmem>> -> memref<20x128xf32, #tpu.memory_space<vmem>>
      %dma_start3A_1377 = arith.constant 0 : i32
      %dma_start3A_1378 = arith.constant 0 : i32
      %dma_start3A_1379 = tpu.memref_slice %arg4[%add3A_1331, %dma_start3A_1377, %dma_start3A_1378] : memref<16384x20x128xf32, #tpu.memory_space<hbm>> -> memref<1x20x128xf32, #tpu.memory_space<hbm>>
      %dma_start3A_1380 = tpu.memref_squeeze %dma_start3A_1379 : memref<1x20x128xf32, #tpu.memory_space<hbm>> -> memref<20x128xf32, #tpu.memory_space<hbm>>
      %dma_start3A_1381 = arith.constant 0 : i32
      %dma_start3A_1382 = arith.constant 0 : i32
      %dma_start3A_1383 = tpu.memref_slice %arg4[%add3A_1331, %dma_start3A_1381, %dma_start3A_1382] : memref<16384x20x128xf32, #tpu.memory_space<hbm>> -> memref<1x20x128xf32, #tpu.memory_space<hbm>>
      %dma_start3A_1384 = tpu.memref_squeeze %dma_start3A_1383 : memref<1x20x128xf32, #tpu.memory_space<hbm>> -> memref<20x128xf32, #tpu.memory_space<hbm>>
      %dma_start3A_1385 = arith.constant 60 : i32
      %dma_start3A_1386 = arith.constant 0 : i32
      %dma_start3A_1387 = tpu.memref_slice %arg13[%dma_start3A_1385, %dma_start3A_1386] : memref<80x128xf32, #tpu.memory_space<vmem>> -> memref<20x128xf32, #tpu.memory_space<vmem>>
      tpu.enqueue_dma source(%dma_start3A_1387 : memref<20x128xf32, #tpu.memory_space<vmem>>) target(%dma_start3A_1384 : memref<20x128xf32, #tpu.memory_space<hbm>>) target_semaphore(%arg29 : memref<!tpu.dma_semaphore, #tpu.memory_space<semaphore_mem>>)
    }
    %scan3A_7 = arith.constant 16 : i32
    %add3A_8 = arith.constant 0 : i32
    %add3A_9 = arith.addi %mul3A_2, %add3A_8 : i32
    %add3A_10 = arith.constant 0 : i32
    %add3A_11 = arith.addi %add3A_9, %add3A_10 : i32
    %add3A_12 = arith.constant 0 : i32
    %add3A_13 = arith.addi %mul3A_2, %add3A_12 : i32
    %add3A_14 = arith.constant 1 : i32
    %add3A_15 = arith.addi %add3A_13, %add3A_14 : i32
    %add3A_16 = arith.constant 0 : i32
    %add3A_17 = arith.addi %mul3A_2, %add3A_16 : i32
    %add3A_18 = arith.constant 2 : i32
    %add3A_19 = arith.addi %add3A_17, %add3A_18 : i32
    %add3A_20 = arith.constant 0 : i32
    %add3A_21 = arith.addi %mul3A_2, %add3A_20 : i32
    %add3A_22 = arith.constant 3 : i32
    %add3A_23 = arith.addi %add3A_21, %add3A_22 : i32
    %dma_wait3A = arith.constant 0 : i32
    %dma_wait3A_24 = arith.constant 0 : i32
    %dma_wait3A_25 = tpu.memref_slice %arg6[%dma_wait3A, %dma_wait3A_24] : memref<80x128xf32, #tpu.memory_space<vmem>> -> memref<20x128xf32, #tpu.memory_space<vmem>>
    %dma_wait3A_26 = arith.constant 0 : i32
    %dma_wait3A_27 = arith.constant 0 : i32
    %dma_wait3A_28 = tpu.memref_slice %arg4[%add3A_11, %dma_wait3A_26, %dma_wait3A_27] : memref<16384x20x128xf32, #tpu.memory_space<hbm>> -> memref<1x20x128xf32, #tpu.memory_space<hbm>>
    %dma_wait3A_29 = tpu.memref_squeeze %dma_wait3A_28 : memref<1x20x128xf32, #tpu.memory_space<hbm>> -> memref<20x128xf32, #tpu.memory_space<hbm>>
    %dma_wait3A_30 = arith.constant 0 : i32
    %dma_wait3A_31 = arith.constant 0 : i32
    %dma_wait3A_32 = tpu.memref_slice %arg4[%add3A_11, %dma_wait3A_30, %dma_wait3A_31] : memref<16384x20x128xf32, #tpu.memory_space<hbm>> -> memref<1x20x128xf32, #tpu.memory_space<hbm>>
    %dma_wait3A_33 = tpu.memref_squeeze %dma_wait3A_32 : memref<1x20x128xf32, #tpu.memory_space<hbm>> -> memref<20x128xf32, #tpu.memory_space<hbm>>
    %dma_wait3A_34 = arith.constant 0 : i32
    %dma_wait3A_35 = arith.constant 0 : i32
    %dma_wait3A_36 = tpu.memref_slice %arg6[%dma_wait3A_34, %dma_wait3A_35] : memref<80x128xf32, #tpu.memory_space<vmem>> -> memref<20x128xf32, #tpu.memory_space<vmem>>
    tpu.wait_dma2 semaphore(%arg22 : memref<!tpu.dma_semaphore, #tpu.memory_space<semaphore_mem>>) src(%dma_wait3A_36 : memref<20x128xf32, #tpu.memory_space<vmem>>) dst(%dma_wait3A_33 : memref<20x128xf32, #tpu.memory_space<hbm>>)
    %dma_wait3A_37 = arith.constant 20 : i32
    %dma_wait3A_38 = arith.constant 0 : i32
    %dma_wait3A_39 = tpu.memref_slice %arg6[%dma_wait3A_37, %dma_wait3A_38] : memref<80x128xf32, #tpu.memory_space<vmem>> -> memref<20x128xf32, #tpu.memory_space<vmem>>
    %dma_wait3A_40 = arith.constant 0 : i32
    %dma_wait3A_41 = arith.constant 0 : i32
    %dma_wait3A_42 = tpu.memref_slice %arg4[%add3A_15, %dma_wait3A_40, %dma_wait3A_41] : memref<16384x20x128xf32, #tpu.memory_space<hbm>> -> memref<1x20x128xf32, #tpu.memory_space<hbm>>
    %dma_wait3A_43 = tpu.memref_squeeze %dma_wait3A_42 : memref<1x20x128xf32, #tpu.memory_space<hbm>> -> memref<20x128xf32, #tpu.memory_space<hbm>>
    %dma_wait3A_44 = arith.constant 0 : i32
    %dma_wait3A_45 = arith.constant 0 : i32
    %dma_wait3A_46 = tpu.memref_slice %arg4[%add3A_15, %dma_wait3A_44, %dma_wait3A_45] : memref<16384x20x128xf32, #tpu.memory_space<hbm>> -> memref<1x20x128xf32, #tpu.memory_space<hbm>>
    %dma_wait3A_47 = tpu.memref_squeeze %dma_wait3A_46 : memref<1x20x128xf32, #tpu.memory_space<hbm>> -> memref<20x128xf32, #tpu.memory_space<hbm>>
    %dma_wait3A_48 = arith.constant 20 : i32
    %dma_wait3A_49 = arith.constant 0 : i32
    %dma_wait3A_50 = tpu.memref_slice %arg6[%dma_wait3A_48, %dma_wait3A_49] : memref<80x128xf32, #tpu.memory_space<vmem>> -> memref<20x128xf32, #tpu.memory_space<vmem>>
    tpu.wait_dma2 semaphore(%arg22 : memref<!tpu.dma_semaphore, #tpu.memory_space<semaphore_mem>>) src(%dma_wait3A_50 : memref<20x128xf32, #tpu.memory_space<vmem>>) dst(%dma_wait3A_47 : memref<20x128xf32, #tpu.memory_space<hbm>>)
    %dma_wait3A_51 = arith.constant 40 : i32
    %dma_wait3A_52 = arith.constant 0 : i32
    %dma_wait3A_53 = tpu.memref_slice %arg6[%dma_wait3A_51, %dma_wait3A_52] : memref<80x128xf32, #tpu.memory_space<vmem>> -> memref<20x128xf32, #tpu.memory_space<vmem>>
    %dma_wait3A_54 = arith.constant 0 : i32
    %dma_wait3A_55 = arith.constant 0 : i32
    %dma_wait3A_56 = tpu.memref_slice %arg4[%add3A_19, %dma_wait3A_54, %dma_wait3A_55] : memref<16384x20x128xf32, #tpu.memory_space<hbm>> -> memref<1x20x128xf32, #tpu.memory_space<hbm>>
    %dma_wait3A_57 = tpu.memref_squeeze %dma_wait3A_56 : memref<1x20x128xf32, #tpu.memory_space<hbm>> -> memref<20x128xf32, #tpu.memory_space<hbm>>
    %dma_wait3A_58 = arith.constant 0 : i32
    %dma_wait3A_59 = arith.constant 0 : i32
    %dma_wait3A_60 = tpu.memref_slice %arg4[%add3A_19, %dma_wait3A_58, %dma_wait3A_59] : memref<16384x20x128xf32, #tpu.memory_space<hbm>> -> memref<1x20x128xf32, #tpu.memory_space<hbm>>
    %dma_wait3A_61 = tpu.memref_squeeze %dma_wait3A_60 : memref<1x20x128xf32, #tpu.memory_space<hbm>> -> memref<20x128xf32, #tpu.memory_space<hbm>>
    %dma_wait3A_62 = arith.constant 40 : i32
    %dma_wait3A_63 = arith.constant 0 : i32
    %dma_wait3A_64 = tpu.memref_slice %arg6[%dma_wait3A_62, %dma_wait3A_63] : memref<80x128xf32, #tpu.memory_space<vmem>> -> memref<20x128xf32, #tpu.memory_space<vmem>>
    tpu.wait_dma2 semaphore(%arg22 : memref<!tpu.dma_semaphore, #tpu.memory_space<semaphore_mem>>) src(%dma_wait3A_64 : memref<20x128xf32, #tpu.memory_space<vmem>>) dst(%dma_wait3A_61 : memref<20x128xf32, #tpu.memory_space<hbm>>)
    %dma_wait3A_65 = arith.constant 60 : i32
    %dma_wait3A_66 = arith.constant 0 : i32
    %dma_wait3A_67 = tpu.memref_slice %arg6[%dma_wait3A_65, %dma_wait3A_66] : memref<80x128xf32, #tpu.memory_space<vmem>> -> memref<20x128xf32, #tpu.memory_space<vmem>>
    %dma_wait3A_68 = arith.constant 0 : i32
    %dma_wait3A_69 = arith.constant 0 : i32
    %dma_wait3A_70 = tpu.memref_slice %arg4[%add3A_23, %dma_wait3A_68, %dma_wait3A_69] : memref<16384x20x128xf32, #tpu.memory_space<hbm>> -> memref<1x20x128xf32, #tpu.memory_space<hbm>>
    %dma_wait3A_71 = tpu.memref_squeeze %dma_wait3A_70 : memref<1x20x128xf32, #tpu.memory_space<hbm>> -> memref<20x128xf32, #tpu.memory_space<hbm>>
    %dma_wait3A_72 = arith.constant 0 : i32
    %dma_wait3A_73 = arith.constant 0 : i32
    %dma_wait3A_74 = tpu.memref_slice %arg4[%add3A_23, %dma_wait3A_72, %dma_wait3A_73] : memref<16384x20x128xf32, #tpu.memory_space<hbm>> -> memref<1x20x128xf32, #tpu.memory_space<hbm>>
    %dma_wait3A_75 = tpu.memref_squeeze %dma_wait3A_74 : memref<1x20x128xf32, #tpu.memory_space<hbm>> -> memref<20x128xf32, #tpu.memory_space<hbm>>
    %dma_wait3A_76 = arith.constant 60 : i32
    %dma_wait3A_77 = arith.constant 0 : i32
    %dma_wait3A_78 = tpu.memref_slice %arg6[%dma_wait3A_76, %dma_wait3A_77] : memref<80x128xf32, #tpu.memory_space<vmem>> -> memref<20x128xf32, #tpu.memory_space<vmem>>
    tpu.wait_dma2 semaphore(%arg22 : memref<!tpu.dma_semaphore, #tpu.memory_space<semaphore_mem>>) src(%dma_wait3A_78 : memref<20x128xf32, #tpu.memory_space<vmem>>) dst(%dma_wait3A_75 : memref<20x128xf32, #tpu.memory_space<hbm>>)
    %add3A_79 = arith.constant 0 : i32
    %add3A_80 = arith.addi %mul3A_2, %add3A_79 : i32
    %add3A_81 = arith.constant 0 : i32
    %add3A_82 = arith.addi %add3A_80, %add3A_81 : i32
    %add3A_83 = arith.constant 0 : i32
    %add3A_84 = arith.addi %mul3A_2, %add3A_83 : i32
    %add3A_85 = arith.constant 1 : i32
    %add3A_86 = arith.addi %add3A_84, %add3A_85 : i32
    %add3A_87 = arith.constant 0 : i32
    %add3A_88 = arith.addi %mul3A_2, %add3A_87 : i32
    %add3A_89 = arith.constant 2 : i32
    %add3A_90 = arith.addi %add3A_88, %add3A_89 : i32
    %add3A_91 = arith.constant 0 : i32
    %add3A_92 = arith.addi %mul3A_2, %add3A_91 : i32
    %add3A_93 = arith.constant 3 : i32
    %add3A_94 = arith.addi %add3A_92, %add3A_93 : i32
    %dma_wait3A_95 = arith.constant 0 : i32
    %dma_wait3A_96 = arith.constant 0 : i32
    %dma_wait3A_97 = tpu.memref_slice %arg7[%dma_wait3A_95, %dma_wait3A_96] : memref<80x128xf32, #tpu.memory_space<vmem>> -> memref<20x128xf32, #tpu.memory_space<vmem>>
    %dma_wait3A_98 = arith.constant 0 : i32
    %dma_wait3A_99 = arith.constant 0 : i32
    %dma_wait3A_100 = tpu.memref_slice %arg4[%add3A_82, %dma_wait3A_98, %dma_wait3A_99] : memref<16384x20x128xf32, #tpu.memory_space<hbm>> -> memref<1x20x128xf32, #tpu.memory_space<hbm>>
    %dma_wait3A_101 = tpu.memref_squeeze %dma_wait3A_100 : memref<1x20x128xf32, #tpu.memory_space<hbm>> -> memref<20x128xf32, #tpu.memory_space<hbm>>
    %dma_wait3A_102 = arith.constant 0 : i32
    %dma_wait3A_103 = arith.constant 0 : i32
    %dma_wait3A_104 = tpu.memref_slice %arg4[%add3A_82, %dma_wait3A_102, %dma_wait3A_103] : memref<16384x20x128xf32, #tpu.memory_space<hbm>> -> memref<1x20x128xf32, #tpu.memory_space<hbm>>
    %dma_wait3A_105 = tpu.memref_squeeze %dma_wait3A_104 : memref<1x20x128xf32, #tpu.memory_space<hbm>> -> memref<20x128xf32, #tpu.memory_space<hbm>>
    %dma_wait3A_106 = arith.constant 0 : i32
    %dma_wait3A_107 = arith.constant 0 : i32
    %dma_wait3A_108 = tpu.memref_slice %arg7[%dma_wait3A_106, %dma_wait3A_107] : memref<80x128xf32, #tpu.memory_space<vmem>> -> memref<20x128xf32, #tpu.memory_space<vmem>>
    tpu.wait_dma2 semaphore(%arg23 : memref<!tpu.dma_semaphore, #tpu.memory_space<semaphore_mem>>) src(%dma_wait3A_108 : memref<20x128xf32, #tpu.memory_space<vmem>>) dst(%dma_wait3A_105 : memref<20x128xf32, #tpu.memory_space<hbm>>)
    %dma_wait3A_109 = arith.constant 20 : i32
    %dma_wait3A_110 = arith.constant 0 : i32
    %dma_wait3A_111 = tpu.memref_slice %arg7[%dma_wait3A_109, %dma_wait3A_110] : memref<80x128xf32, #tpu.memory_space<vmem>> -> memref<20x128xf32, #tpu.memory_space<vmem>>
    %dma_wait3A_112 = arith.constant 0 : i32
    %dma_wait3A_113 = arith.constant 0 : i32
    %dma_wait3A_114 = tpu.memref_slice %arg4[%add3A_86, %dma_wait3A_112, %dma_wait3A_113] : memref<16384x20x128xf32, #tpu.memory_space<hbm>> -> memref<1x20x128xf32, #tpu.memory_space<hbm>>
    %dma_wait3A_115 = tpu.memref_squeeze %dma_wait3A_114 : memref<1x20x128xf32, #tpu.memory_space<hbm>> -> memref<20x128xf32, #tpu.memory_space<hbm>>
    %dma_wait3A_116 = arith.constant 0 : i32
    %dma_wait3A_117 = arith.constant 0 : i32
    %dma_wait3A_118 = tpu.memref_slice %arg4[%add3A_86, %dma_wait3A_116, %dma_wait3A_117] : memref<16384x20x128xf32, #tpu.memory_space<hbm>> -> memref<1x20x128xf32, #tpu.memory_space<hbm>>
    %dma_wait3A_119 = tpu.memref_squeeze %dma_wait3A_118 : memref<1x20x128xf32, #tpu.memory_space<hbm>> -> memref<20x128xf32, #tpu.memory_space<hbm>>
    %dma_wait3A_120 = arith.constant 20 : i32
    %dma_wait3A_121 = arith.constant 0 : i32
    %dma_wait3A_122 = tpu.memref_slice %arg7[%dma_wait3A_120, %dma_wait3A_121] : memref<80x128xf32, #tpu.memory_space<vmem>> -> memref<20x128xf32, #tpu.memory_space<vmem>>
    tpu.wait_dma2 semaphore(%arg23 : memref<!tpu.dma_semaphore, #tpu.memory_space<semaphore_mem>>) src(%dma_wait3A_122 : memref<20x128xf32, #tpu.memory_space<vmem>>) dst(%dma_wait3A_119 : memref<20x128xf32, #tpu.memory_space<hbm>>)
    %dma_wait3A_123 = arith.constant 40 : i32
    %dma_wait3A_124 = arith.constant 0 : i32
    %dma_wait3A_125 = tpu.memref_slice %arg7[%dma_wait3A_123, %dma_wait3A_124] : memref<80x128xf32, #tpu.memory_space<vmem>> -> memref<20x128xf32, #tpu.memory_space<vmem>>
    %dma_wait3A_126 = arith.constant 0 : i32
    %dma_wait3A_127 = arith.constant 0 : i32
    %dma_wait3A_128 = tpu.memref_slice %arg4[%add3A_90, %dma_wait3A_126, %dma_wait3A_127] : memref<16384x20x128xf32, #tpu.memory_space<hbm>> -> memref<1x20x128xf32, #tpu.memory_space<hbm>>
    %dma_wait3A_129 = tpu.memref_squeeze %dma_wait3A_128 : memref<1x20x128xf32, #tpu.memory_space<hbm>> -> memref<20x128xf32, #tpu.memory_space<hbm>>
    %dma_wait3A_130 = arith.constant 0 : i32
    %dma_wait3A_131 = arith.constant 0 : i32
    %dma_wait3A_132 = tpu.memref_slice %arg4[%add3A_90, %dma_wait3A_130, %dma_wait3A_131] : memref<16384x20x128xf32, #tpu.memory_space<hbm>> -> memref<1x20x128xf32, #tpu.memory_space<hbm>>
    %dma_wait3A_133 = tpu.memref_squeeze %dma_wait3A_132 : memref<1x20x128xf32, #tpu.memory_space<hbm>> -> memref<20x128xf32, #tpu.memory_space<hbm>>
    %dma_wait3A_134 = arith.constant 40 : i32
    %dma_wait3A_135 = arith.constant 0 : i32
    %dma_wait3A_136 = tpu.memref_slice %arg7[%dma_wait3A_134, %dma_wait3A_135] : memref<80x128xf32, #tpu.memory_space<vmem>> -> memref<20x128xf32, #tpu.memory_space<vmem>>
    tpu.wait_dma2 semaphore(%arg23 : memref<!tpu.dma_semaphore, #tpu.memory_space<semaphore_mem>>) src(%dma_wait3A_136 : memref<20x128xf32, #tpu.memory_space<vmem>>) dst(%dma_wait3A_133 : memref<20x128xf32, #tpu.memory_space<hbm>>)
    %dma_wait3A_137 = arith.constant 60 : i32
    %dma_wait3A_138 = arith.constant 0 : i32
    %dma_wait3A_139 = tpu.memref_slice %arg7[%dma_wait3A_137, %dma_wait3A_138] : memref<80x128xf32, #tpu.memory_space<vmem>> -> memref<20x128xf32, #tpu.memory_space<vmem>>
    %dma_wait3A_140 = arith.constant 0 : i32
    %dma_wait3A_141 = arith.constant 0 : i32
    %dma_wait3A_142 = tpu.memref_slice %arg4[%add3A_94, %dma_wait3A_140, %dma_wait3A_141] : memref<16384x20x128xf32, #tpu.memory_space<hbm>> -> memref<1x20x128xf32, #tpu.memory_space<hbm>>
    %dma_wait3A_143 = tpu.memref_squeeze %dma_wait3A_142 : memref<1x20x128xf32, #tpu.memory_space<hbm>> -> memref<20x128xf32, #tpu.memory_space<hbm>>
    %dma_wait3A_144 = arith.constant 0 : i32
    %dma_wait3A_145 = arith.constant 0 : i32
    %dma_wait3A_146 = tpu.memref_slice %arg4[%add3A_94, %dma_wait3A_144, %dma_wait3A_145] : memref<16384x20x128xf32, #tpu.memory_space<hbm>> -> memref<1x20x128xf32, #tpu.memory_space<hbm>>
    %dma_wait3A_147 = tpu.memref_squeeze %dma_wait3A_146 : memref<1x20x128xf32, #tpu.memory_space<hbm>> -> memref<20x128xf32, #tpu.memory_space<hbm>>
    %dma_wait3A_148 = arith.constant 60 : i32
    %dma_wait3A_149 = arith.constant 0 : i32
    %dma_wait3A_150 = tpu.memref_slice %arg7[%dma_wait3A_148, %dma_wait3A_149] : memref<80x128xf32, #tpu.memory_space<vmem>> -> memref<20x128xf32, #tpu.memory_space<vmem>>
    tpu.wait_dma2 semaphore(%arg23 : memref<!tpu.dma_semaphore, #tpu.memory_space<semaphore_mem>>) src(%dma_wait3A_150 : memref<20x128xf32, #tpu.memory_space<vmem>>) dst(%dma_wait3A_147 : memref<20x128xf32, #tpu.memory_space<hbm>>)
    %add3A_151 = arith.constant 0 : i32
    %add3A_152 = arith.addi %mul3A_2, %add3A_151 : i32
    %add3A_153 = arith.constant 0 : i32
    %add3A_154 = arith.addi %add3A_152, %add3A_153 : i32
    %add3A_155 = arith.constant 0 : i32
    %add3A_156 = arith.addi %mul3A_2, %add3A_155 : i32
    %add3A_157 = arith.constant 1 : i32
    %add3A_158 = arith.addi %add3A_156, %add3A_157 : i32
    %add3A_159 = arith.constant 0 : i32
    %add3A_160 = arith.addi %mul3A_2, %add3A_159 : i32
    %add3A_161 = arith.constant 2 : i32
    %add3A_162 = arith.addi %add3A_160, %add3A_161 : i32
    %add3A_163 = arith.constant 0 : i32
    %add3A_164 = arith.addi %mul3A_2, %add3A_163 : i32
    %add3A_165 = arith.constant 3 : i32
    %add3A_166 = arith.addi %add3A_164, %add3A_165 : i32
    %dma_wait3A_167 = arith.constant 0 : i32
    %dma_wait3A_168 = arith.constant 0 : i32
    %dma_wait3A_169 = tpu.memref_slice %arg8[%dma_wait3A_167, %dma_wait3A_168] : memref<80x128xf32, #tpu.memory_space<vmem>> -> memref<20x128xf32, #tpu.memory_space<vmem>>
    %dma_wait3A_170 = arith.constant 0 : i32
    %dma_wait3A_171 = arith.constant 0 : i32
    %dma_wait3A_172 = tpu.memref_slice %arg4[%add3A_154, %dma_wait3A_170, %dma_wait3A_171] : memref<16384x20x128xf32, #tpu.memory_space<hbm>> -> memref<1x20x128xf32, #tpu.memory_space<hbm>>
    %dma_wait3A_173 = tpu.memref_squeeze %dma_wait3A_172 : memref<1x20x128xf32, #tpu.memory_space<hbm>> -> memref<20x128xf32, #tpu.memory_space<hbm>>
    %dma_wait3A_174 = arith.constant 0 : i32
    %dma_wait3A_175 = arith.constant 0 : i32
    %dma_wait3A_176 = tpu.memref_slice %arg4[%add3A_154, %dma_wait3A_174, %dma_wait3A_175] : memref<16384x20x128xf32, #tpu.memory_space<hbm>> -> memref<1x20x128xf32, #tpu.memory_space<hbm>>
    %dma_wait3A_177 = tpu.memref_squeeze %dma_wait3A_176 : memref<1x20x128xf32, #tpu.memory_space<hbm>> -> memref<20x128xf32, #tpu.memory_space<hbm>>
    %dma_wait3A_178 = arith.constant 0 : i32
    %dma_wait3A_179 = arith.constant 0 : i32
    %dma_wait3A_180 = tpu.memref_slice %arg8[%dma_wait3A_178, %dma_wait3A_179] : memref<80x128xf32, #tpu.memory_space<vmem>> -> memref<20x128xf32, #tpu.memory_space<vmem>>
    tpu.wait_dma2 semaphore(%arg24 : memref<!tpu.dma_semaphore, #tpu.memory_space<semaphore_mem>>) src(%dma_wait3A_180 : memref<20x128xf32, #tpu.memory_space<vmem>>) dst(%dma_wait3A_177 : memref<20x128xf32, #tpu.memory_space<hbm>>)
    %dma_wait3A_181 = arith.constant 20 : i32
    %dma_wait3A_182 = arith.constant 0 : i32
    %dma_wait3A_183 = tpu.memref_slice %arg8[%dma_wait3A_181, %dma_wait3A_182] : memref<80x128xf32, #tpu.memory_space<vmem>> -> memref<20x128xf32, #tpu.memory_space<vmem>>
    %dma_wait3A_184 = arith.constant 0 : i32
    %dma_wait3A_185 = arith.constant 0 : i32
    %dma_wait3A_186 = tpu.memref_slice %arg4[%add3A_158, %dma_wait3A_184, %dma_wait3A_185] : memref<16384x20x128xf32, #tpu.memory_space<hbm>> -> memref<1x20x128xf32, #tpu.memory_space<hbm>>
    %dma_wait3A_187 = tpu.memref_squeeze %dma_wait3A_186 : memref<1x20x128xf32, #tpu.memory_space<hbm>> -> memref<20x128xf32, #tpu.memory_space<hbm>>
    %dma_wait3A_188 = arith.constant 0 : i32
    %dma_wait3A_189 = arith.constant 0 : i32
    %dma_wait3A_190 = tpu.memref_slice %arg4[%add3A_158, %dma_wait3A_188, %dma_wait3A_189] : memref<16384x20x128xf32, #tpu.memory_space<hbm>> -> memref<1x20x128xf32, #tpu.memory_space<hbm>>
    %dma_wait3A_191 = tpu.memref_squeeze %dma_wait3A_190 : memref<1x20x128xf32, #tpu.memory_space<hbm>> -> memref<20x128xf32, #tpu.memory_space<hbm>>
    %dma_wait3A_192 = arith.constant 20 : i32
    %dma_wait3A_193 = arith.constant 0 : i32
    %dma_wait3A_194 = tpu.memref_slice %arg8[%dma_wait3A_192, %dma_wait3A_193] : memref<80x128xf32, #tpu.memory_space<vmem>> -> memref<20x128xf32, #tpu.memory_space<vmem>>
    tpu.wait_dma2 semaphore(%arg24 : memref<!tpu.dma_semaphore, #tpu.memory_space<semaphore_mem>>) src(%dma_wait3A_194 : memref<20x128xf32, #tpu.memory_space<vmem>>) dst(%dma_wait3A_191 : memref<20x128xf32, #tpu.memory_space<hbm>>)
    %dma_wait3A_195 = arith.constant 40 : i32
    %dma_wait3A_196 = arith.constant 0 : i32
    %dma_wait3A_197 = tpu.memref_slice %arg8[%dma_wait3A_195, %dma_wait3A_196] : memref<80x128xf32, #tpu.memory_space<vmem>> -> memref<20x128xf32, #tpu.memory_space<vmem>>
    %dma_wait3A_198 = arith.constant 0 : i32
    %dma_wait3A_199 = arith.constant 0 : i32
    %dma_wait3A_200 = tpu.memref_slice %arg4[%add3A_162, %dma_wait3A_198, %dma_wait3A_199] : memref<16384x20x128xf32, #tpu.memory_space<hbm>> -> memref<1x20x128xf32, #tpu.memory_space<hbm>>
    %dma_wait3A_201 = tpu.memref_squeeze %dma_wait3A_200 : memref<1x20x128xf32, #tpu.memory_space<hbm>> -> memref<20x128xf32, #tpu.memory_space<hbm>>
    %dma_wait3A_202 = arith.constant 0 : i32
    %dma_wait3A_203 = arith.constant 0 : i32
    %dma_wait3A_204 = tpu.memref_slice %arg4[%add3A_162, %dma_wait3A_202, %dma_wait3A_203] : memref<16384x20x128xf32, #tpu.memory_space<hbm>> -> memref<1x20x128xf32, #tpu.memory_space<hbm>>
    %dma_wait3A_205 = tpu.memref_squeeze %dma_wait3A_204 : memref<1x20x128xf32, #tpu.memory_space<hbm>> -> memref<20x128xf32, #tpu.memory_space<hbm>>
    %dma_wait3A_206 = arith.constant 40 : i32
    %dma_wait3A_207 = arith.constant 0 : i32
    %dma_wait3A_208 = tpu.memref_slice %arg8[%dma_wait3A_206, %dma_wait3A_207] : memref<80x128xf32, #tpu.memory_space<vmem>> -> memref<20x128xf32, #tpu.memory_space<vmem>>
    tpu.wait_dma2 semaphore(%arg24 : memref<!tpu.dma_semaphore, #tpu.memory_space<semaphore_mem>>) src(%dma_wait3A_208 : memref<20x128xf32, #tpu.memory_space<vmem>>) dst(%dma_wait3A_205 : memref<20x128xf32, #tpu.memory_space<hbm>>)
    %dma_wait3A_209 = arith.constant 60 : i32
    %dma_wait3A_210 = arith.constant 0 : i32
    %dma_wait3A_211 = tpu.memref_slice %arg8[%dma_wait3A_209, %dma_wait3A_210] : memref<80x128xf32, #tpu.memory_space<vmem>> -> memref<20x128xf32, #tpu.memory_space<vmem>>
    %dma_wait3A_212 = arith.constant 0 : i32
    %dma_wait3A_213 = arith.constant 0 : i32
    %dma_wait3A_214 = tpu.memref_slice %arg4[%add3A_166, %dma_wait3A_212, %dma_wait3A_213] : memref<16384x20x128xf32, #tpu.memory_space<hbm>> -> memref<1x20x128xf32, #tpu.memory_space<hbm>>
    %dma_wait3A_215 = tpu.memref_squeeze %dma_wait3A_214 : memref<1x20x128xf32, #tpu.memory_space<hbm>> -> memref<20x128xf32, #tpu.memory_space<hbm>>
    %dma_wait3A_216 = arith.constant 0 : i32
    %dma_wait3A_217 = arith.constant 0 : i32
    %dma_wait3A_218 = tpu.memref_slice %arg4[%add3A_166, %dma_wait3A_216, %dma_wait3A_217] : memref<16384x20x128xf32, #tpu.memory_space<hbm>> -> memref<1x20x128xf32, #tpu.memory_space<hbm>>
    %dma_wait3A_219 = tpu.memref_squeeze %dma_wait3A_218 : memref<1x20x128xf32, #tpu.memory_space<hbm>> -> memref<20x128xf32, #tpu.memory_space<hbm>>
    %dma_wait3A_220 = arith.constant 60 : i32
    %dma_wait3A_221 = arith.constant 0 : i32
    %dma_wait3A_222 = tpu.memref_slice %arg8[%dma_wait3A_220, %dma_wait3A_221] : memref<80x128xf32, #tpu.memory_space<vmem>> -> memref<20x128xf32, #tpu.memory_space<vmem>>
    tpu.wait_dma2 semaphore(%arg24 : memref<!tpu.dma_semaphore, #tpu.memory_space<semaphore_mem>>) src(%dma_wait3A_222 : memref<20x128xf32, #tpu.memory_space<vmem>>) dst(%dma_wait3A_219 : memref<20x128xf32, #tpu.memory_space<hbm>>)
    %add3A_223 = arith.constant 0 : i32
    %add3A_224 = arith.addi %mul3A_2, %add3A_223 : i32
    %add3A_225 = arith.constant 0 : i32
    %add3A_226 = arith.addi %add3A_224, %add3A_225 : i32
    %add3A_227 = arith.constant 0 : i32
    %add3A_228 = arith.addi %mul3A_2, %add3A_227 : i32
    %add3A_229 = arith.constant 1 : i32
    %add3A_230 = arith.addi %add3A_228, %add3A_229 : i32
    %add3A_231 = arith.constant 0 : i32
    %add3A_232 = arith.addi %mul3A_2, %add3A_231 : i32
    %add3A_233 = arith.constant 2 : i32
    %add3A_234 = arith.addi %add3A_232, %add3A_233 : i32
    %add3A_235 = arith.constant 0 : i32
    %add3A_236 = arith.addi %mul3A_2, %add3A_235 : i32
    %add3A_237 = arith.constant 3 : i32
    %add3A_238 = arith.addi %add3A_236, %add3A_237 : i32
    %dma_wait3A_239 = arith.constant 0 : i32
    %dma_wait3A_240 = arith.constant 0 : i32
    %dma_wait3A_241 = tpu.memref_slice %arg9[%dma_wait3A_239, %dma_wait3A_240] : memref<80x128xf32, #tpu.memory_space<vmem>> -> memref<20x128xf32, #tpu.memory_space<vmem>>
    %dma_wait3A_242 = arith.constant 0 : i32
    %dma_wait3A_243 = arith.constant 0 : i32
    %dma_wait3A_244 = tpu.memref_slice %arg4[%add3A_226, %dma_wait3A_242, %dma_wait3A_243] : memref<16384x20x128xf32, #tpu.memory_space<hbm>> -> memref<1x20x128xf32, #tpu.memory_space<hbm>>
    %dma_wait3A_245 = tpu.memref_squeeze %dma_wait3A_244 : memref<1x20x128xf32, #tpu.memory_space<hbm>> -> memref<20x128xf32, #tpu.memory_space<hbm>>
    %dma_wait3A_246 = arith.constant 0 : i32
    %dma_wait3A_247 = arith.constant 0 : i32
    %dma_wait3A_248 = tpu.memref_slice %arg4[%add3A_226, %dma_wait3A_246, %dma_wait3A_247] : memref<16384x20x128xf32, #tpu.memory_space<hbm>> -> memref<1x20x128xf32, #tpu.memory_space<hbm>>
    %dma_wait3A_249 = tpu.memref_squeeze %dma_wait3A_248 : memref<1x20x128xf32, #tpu.memory_space<hbm>> -> memref<20x128xf32, #tpu.memory_space<hbm>>
    %dma_wait3A_250 = arith.constant 0 : i32
    %dma_wait3A_251 = arith.constant 0 : i32
    %dma_wait3A_252 = tpu.memref_slice %arg9[%dma_wait3A_250, %dma_wait3A_251] : memref<80x128xf32, #tpu.memory_space<vmem>> -> memref<20x128xf32, #tpu.memory_space<vmem>>
    tpu.wait_dma2 semaphore(%arg25 : memref<!tpu.dma_semaphore, #tpu.memory_space<semaphore_mem>>) src(%dma_wait3A_252 : memref<20x128xf32, #tpu.memory_space<vmem>>) dst(%dma_wait3A_249 : memref<20x128xf32, #tpu.memory_space<hbm>>)
    %dma_wait3A_253 = arith.constant 20 : i32
    %dma_wait3A_254 = arith.constant 0 : i32
    %dma_wait3A_255 = tpu.memref_slice %arg9[%dma_wait3A_253, %dma_wait3A_254] : memref<80x128xf32, #tpu.memory_space<vmem>> -> memref<20x128xf32, #tpu.memory_space<vmem>>
    %dma_wait3A_256 = arith.constant 0 : i32
    %dma_wait3A_257 = arith.constant 0 : i32
    %dma_wait3A_258 = tpu.memref_slice %arg4[%add3A_230, %dma_wait3A_256, %dma_wait3A_257] : memref<16384x20x128xf32, #tpu.memory_space<hbm>> -> memref<1x20x128xf32, #tpu.memory_space<hbm>>
    %dma_wait3A_259 = tpu.memref_squeeze %dma_wait3A_258 : memref<1x20x128xf32, #tpu.memory_space<hbm>> -> memref<20x128xf32, #tpu.memory_space<hbm>>
    %dma_wait3A_260 = arith.constant 0 : i32
    %dma_wait3A_261 = arith.constant 0 : i32
    %dma_wait3A_262 = tpu.memref_slice %arg4[%add3A_230, %dma_wait3A_260, %dma_wait3A_261] : memref<16384x20x128xf32, #tpu.memory_space<hbm>> -> memref<1x20x128xf32, #tpu.memory_space<hbm>>
    %dma_wait3A_263 = tpu.memref_squeeze %dma_wait3A_262 : memref<1x20x128xf32, #tpu.memory_space<hbm>> -> memref<20x128xf32, #tpu.memory_space<hbm>>
    %dma_wait3A_264 = arith.constant 20 : i32
    %dma_wait3A_265 = arith.constant 0 : i32
    %dma_wait3A_266 = tpu.memref_slice %arg9[%dma_wait3A_264, %dma_wait3A_265] : memref<80x128xf32, #tpu.memory_space<vmem>> -> memref<20x128xf32, #tpu.memory_space<vmem>>
    tpu.wait_dma2 semaphore(%arg25 : memref<!tpu.dma_semaphore, #tpu.memory_space<semaphore_mem>>) src(%dma_wait3A_266 : memref<20x128xf32, #tpu.memory_space<vmem>>) dst(%dma_wait3A_263 : memref<20x128xf32, #tpu.memory_space<hbm>>)
    %dma_wait3A_267 = arith.constant 40 : i32
    %dma_wait3A_268 = arith.constant 0 : i32
    %dma_wait3A_269 = tpu.memref_slice %arg9[%dma_wait3A_267, %dma_wait3A_268] : memref<80x128xf32, #tpu.memory_space<vmem>> -> memref<20x128xf32, #tpu.memory_space<vmem>>
    %dma_wait3A_270 = arith.constant 0 : i32
    %dma_wait3A_271 = arith.constant 0 : i32
    %dma_wait3A_272 = tpu.memref_slice %arg4[%add3A_234, %dma_wait3A_270, %dma_wait3A_271] : memref<16384x20x128xf32, #tpu.memory_space<hbm>> -> memref<1x20x128xf32, #tpu.memory_space<hbm>>
    %dma_wait3A_273 = tpu.memref_squeeze %dma_wait3A_272 : memref<1x20x128xf32, #tpu.memory_space<hbm>> -> memref<20x128xf32, #tpu.memory_space<hbm>>
    %dma_wait3A_274 = arith.constant 0 : i32
    %dma_wait3A_275 = arith.constant 0 : i32
    %dma_wait3A_276 = tpu.memref_slice %arg4[%add3A_234, %dma_wait3A_274, %dma_wait3A_275] : memref<16384x20x128xf32, #tpu.memory_space<hbm>> -> memref<1x20x128xf32, #tpu.memory_space<hbm>>
    %dma_wait3A_277 = tpu.memref_squeeze %dma_wait3A_276 : memref<1x20x128xf32, #tpu.memory_space<hbm>> -> memref<20x128xf32, #tpu.memory_space<hbm>>
    %dma_wait3A_278 = arith.constant 40 : i32
    %dma_wait3A_279 = arith.constant 0 : i32
    %dma_wait3A_280 = tpu.memref_slice %arg9[%dma_wait3A_278, %dma_wait3A_279] : memref<80x128xf32, #tpu.memory_space<vmem>> -> memref<20x128xf32, #tpu.memory_space<vmem>>
    tpu.wait_dma2 semaphore(%arg25 : memref<!tpu.dma_semaphore, #tpu.memory_space<semaphore_mem>>) src(%dma_wait3A_280 : memref<20x128xf32, #tpu.memory_space<vmem>>) dst(%dma_wait3A_277 : memref<20x128xf32, #tpu.memory_space<hbm>>)
    %dma_wait3A_281 = arith.constant 60 : i32
    %dma_wait3A_282 = arith.constant 0 : i32
    %dma_wait3A_283 = tpu.memref_slice %arg9[%dma_wait3A_281, %dma_wait3A_282] : memref<80x128xf32, #tpu.memory_space<vmem>> -> memref<20x128xf32, #tpu.memory_space<vmem>>
    %dma_wait3A_284 = arith.constant 0 : i32
    %dma_wait3A_285 = arith.constant 0 : i32
    %dma_wait3A_286 = tpu.memref_slice %arg4[%add3A_238, %dma_wait3A_284, %dma_wait3A_285] : memref<16384x20x128xf32, #tpu.memory_space<hbm>> -> memref<1x20x128xf32, #tpu.memory_space<hbm>>
    %dma_wait3A_287 = tpu.memref_squeeze %dma_wait3A_286 : memref<1x20x128xf32, #tpu.memory_space<hbm>> -> memref<20x128xf32, #tpu.memory_space<hbm>>
    %dma_wait3A_288 = arith.constant 0 : i32
    %dma_wait3A_289 = arith.constant 0 : i32
    %dma_wait3A_290 = tpu.memref_slice %arg4[%add3A_238, %dma_wait3A_288, %dma_wait3A_289] : memref<16384x20x128xf32, #tpu.memory_space<hbm>> -> memref<1x20x128xf32, #tpu.memory_space<hbm>>
    %dma_wait3A_291 = tpu.memref_squeeze %dma_wait3A_290 : memref<1x20x128xf32, #tpu.memory_space<hbm>> -> memref<20x128xf32, #tpu.memory_space<hbm>>
    %dma_wait3A_292 = arith.constant 60 : i32
    %dma_wait3A_293 = arith.constant 0 : i32
    %dma_wait3A_294 = tpu.memref_slice %arg9[%dma_wait3A_292, %dma_wait3A_293] : memref<80x128xf32, #tpu.memory_space<vmem>> -> memref<20x128xf32, #tpu.memory_space<vmem>>
    tpu.wait_dma2 semaphore(%arg25 : memref<!tpu.dma_semaphore, #tpu.memory_space<semaphore_mem>>) src(%dma_wait3A_294 : memref<20x128xf32, #tpu.memory_space<vmem>>) dst(%dma_wait3A_291 : memref<20x128xf32, #tpu.memory_space<hbm>>)
    %add3A_295 = arith.constant 0 : i32
    %add3A_296 = arith.addi %mul3A_2, %add3A_295 : i32
    %add3A_297 = arith.constant 0 : i32
    %add3A_298 = arith.addi %add3A_296, %add3A_297 : i32
    %add3A_299 = arith.constant 0 : i32
    %add3A_300 = arith.addi %mul3A_2, %add3A_299 : i32
    %add3A_301 = arith.constant 1 : i32
    %add3A_302 = arith.addi %add3A_300, %add3A_301 : i32
    %add3A_303 = arith.constant 0 : i32
    %add3A_304 = arith.addi %mul3A_2, %add3A_303 : i32
    %add3A_305 = arith.constant 2 : i32
    %add3A_306 = arith.addi %add3A_304, %add3A_305 : i32
    %add3A_307 = arith.constant 0 : i32
    %add3A_308 = arith.addi %mul3A_2, %add3A_307 : i32
    %add3A_309 = arith.constant 3 : i32
    %add3A_310 = arith.addi %add3A_308, %add3A_309 : i32
    %dma_wait3A_311 = arith.constant 0 : i32
    %dma_wait3A_312 = arith.constant 0 : i32
    %dma_wait3A_313 = tpu.memref_slice %arg10[%dma_wait3A_311, %dma_wait3A_312] : memref<80x128xf32, #tpu.memory_space<vmem>> -> memref<20x128xf32, #tpu.memory_space<vmem>>
    %dma_wait3A_314 = arith.constant 0 : i32
    %dma_wait3A_315 = arith.constant 0 : i32
    %dma_wait3A_316 = tpu.memref_slice %arg4[%add3A_298, %dma_wait3A_314, %dma_wait3A_315] : memref<16384x20x128xf32, #tpu.memory_space<hbm>> -> memref<1x20x128xf32, #tpu.memory_space<hbm>>
    %dma_wait3A_317 = tpu.memref_squeeze %dma_wait3A_316 : memref<1x20x128xf32, #tpu.memory_space<hbm>> -> memref<20x128xf32, #tpu.memory_space<hbm>>
    %dma_wait3A_318 = arith.constant 0 : i32
    %dma_wait3A_319 = arith.constant 0 : i32
    %dma_wait3A_320 = tpu.memref_slice %arg4[%add3A_298, %dma_wait3A_318, %dma_wait3A_319] : memref<16384x20x128xf32, #tpu.memory_space<hbm>> -> memref<1x20x128xf32, #tpu.memory_space<hbm>>
    %dma_wait3A_321 = tpu.memref_squeeze %dma_wait3A_320 : memref<1x20x128xf32, #tpu.memory_space<hbm>> -> memref<20x128xf32, #tpu.memory_space<hbm>>
    %dma_wait3A_322 = arith.constant 0 : i32
    %dma_wait3A_323 = arith.constant 0 : i32
    %dma_wait3A_324 = tpu.memref_slice %arg10[%dma_wait3A_322, %dma_wait3A_323] : memref<80x128xf32, #tpu.memory_space<vmem>> -> memref<20x128xf32, #tpu.memory_space<vmem>>
    tpu.wait_dma2 semaphore(%arg26 : memref<!tpu.dma_semaphore, #tpu.memory_space<semaphore_mem>>) src(%dma_wait3A_324 : memref<20x128xf32, #tpu.memory_space<vmem>>) dst(%dma_wait3A_321 : memref<20x128xf32, #tpu.memory_space<hbm>>)
    %dma_wait3A_325 = arith.constant 20 : i32
    %dma_wait3A_326 = arith.constant 0 : i32
    %dma_wait3A_327 = tpu.memref_slice %arg10[%dma_wait3A_325, %dma_wait3A_326] : memref<80x128xf32, #tpu.memory_space<vmem>> -> memref<20x128xf32, #tpu.memory_space<vmem>>
    %dma_wait3A_328 = arith.constant 0 : i32
    %dma_wait3A_329 = arith.constant 0 : i32
    %dma_wait3A_330 = tpu.memref_slice %arg4[%add3A_302, %dma_wait3A_328, %dma_wait3A_329] : memref<16384x20x128xf32, #tpu.memory_space<hbm>> -> memref<1x20x128xf32, #tpu.memory_space<hbm>>
    %dma_wait3A_331 = tpu.memref_squeeze %dma_wait3A_330 : memref<1x20x128xf32, #tpu.memory_space<hbm>> -> memref<20x128xf32, #tpu.memory_space<hbm>>
    %dma_wait3A_332 = arith.constant 0 : i32
    %dma_wait3A_333 = arith.constant 0 : i32
    %dma_wait3A_334 = tpu.memref_slice %arg4[%add3A_302, %dma_wait3A_332, %dma_wait3A_333] : memref<16384x20x128xf32, #tpu.memory_space<hbm>> -> memref<1x20x128xf32, #tpu.memory_space<hbm>>
    %dma_wait3A_335 = tpu.memref_squeeze %dma_wait3A_334 : memref<1x20x128xf32, #tpu.memory_space<hbm>> -> memref<20x128xf32, #tpu.memory_space<hbm>>
    %dma_wait3A_336 = arith.constant 20 : i32
    %dma_wait3A_337 = arith.constant 0 : i32
    %dma_wait3A_338 = tpu.memref_slice %arg10[%dma_wait3A_336, %dma_wait3A_337] : memref<80x128xf32, #tpu.memory_space<vmem>> -> memref<20x128xf32, #tpu.memory_space<vmem>>
    tpu.wait_dma2 semaphore(%arg26 : memref<!tpu.dma_semaphore, #tpu.memory_space<semaphore_mem>>) src(%dma_wait3A_338 : memref<20x128xf32, #tpu.memory_space<vmem>>) dst(%dma_wait3A_335 : memref<20x128xf32, #tpu.memory_space<hbm>>)
    %dma_wait3A_339 = arith.constant 40 : i32
    %dma_wait3A_340 = arith.constant 0 : i32
    %dma_wait3A_341 = tpu.memref_slice %arg10[%dma_wait3A_339, %dma_wait3A_340] : memref<80x128xf32, #tpu.memory_space<vmem>> -> memref<20x128xf32, #tpu.memory_space<vmem>>
    %dma_wait3A_342 = arith.constant 0 : i32
    %dma_wait3A_343 = arith.constant 0 : i32
    %dma_wait3A_344 = tpu.memref_slice %arg4[%add3A_306, %dma_wait3A_342, %dma_wait3A_343] : memref<16384x20x128xf32, #tpu.memory_space<hbm>> -> memref<1x20x128xf32, #tpu.memory_space<hbm>>
    %dma_wait3A_345 = tpu.memref_squeeze %dma_wait3A_344 : memref<1x20x128xf32, #tpu.memory_space<hbm>> -> memref<20x128xf32, #tpu.memory_space<hbm>>
    %dma_wait3A_346 = arith.constant 0 : i32
    %dma_wait3A_347 = arith.constant 0 : i32
    %dma_wait3A_348 = tpu.memref_slice %arg4[%add3A_306, %dma_wait3A_346, %dma_wait3A_347] : memref<16384x20x128xf32, #tpu.memory_space<hbm>> -> memref<1x20x128xf32, #tpu.memory_space<hbm>>
    %dma_wait3A_349 = tpu.memref_squeeze %dma_wait3A_348 : memref<1x20x128xf32, #tpu.memory_space<hbm>> -> memref<20x128xf32, #tpu.memory_space<hbm>>
    %dma_wait3A_350 = arith.constant 40 : i32
    %dma_wait3A_351 = arith.constant 0 : i32
    %dma_wait3A_352 = tpu.memref_slice %arg10[%dma_wait3A_350, %dma_wait3A_351] : memref<80x128xf32, #tpu.memory_space<vmem>> -> memref<20x128xf32, #tpu.memory_space<vmem>>
    tpu.wait_dma2 semaphore(%arg26 : memref<!tpu.dma_semaphore, #tpu.memory_space<semaphore_mem>>) src(%dma_wait3A_352 : memref<20x128xf32, #tpu.memory_space<vmem>>) dst(%dma_wait3A_349 : memref<20x128xf32, #tpu.memory_space<hbm>>)
    %dma_wait3A_353 = arith.constant 60 : i32
    %dma_wait3A_354 = arith.constant 0 : i32
    %dma_wait3A_355 = tpu.memref_slice %arg10[%dma_wait3A_353, %dma_wait3A_354] : memref<80x128xf32, #tpu.memory_space<vmem>> -> memref<20x128xf32, #tpu.memory_space<vmem>>
    %dma_wait3A_356 = arith.constant 0 : i32
    %dma_wait3A_357 = arith.constant 0 : i32
    %dma_wait3A_358 = tpu.memref_slice %arg4[%add3A_310, %dma_wait3A_356, %dma_wait3A_357] : memref<16384x20x128xf32, #tpu.memory_space<hbm>> -> memref<1x20x128xf32, #tpu.memory_space<hbm>>
    %dma_wait3A_359 = tpu.memref_squeeze %dma_wait3A_358 : memref<1x20x128xf32, #tpu.memory_space<hbm>> -> memref<20x128xf32, #tpu.memory_space<hbm>>
    %dma_wait3A_360 = arith.constant 0 : i32
    %dma_wait3A_361 = arith.constant 0 : i32
    %dma_wait3A_362 = tpu.memref_slice %arg4[%add3A_310, %dma_wait3A_360, %dma_wait3A_361] : memref<16384x20x128xf32, #tpu.memory_space<hbm>> -> memref<1x20x128xf32, #tpu.memory_space<hbm>>
    %dma_wait3A_363 = tpu.memref_squeeze %dma_wait3A_362 : memref<1x20x128xf32, #tpu.memory_space<hbm>> -> memref<20x128xf32, #tpu.memory_space<hbm>>
    %dma_wait3A_364 = arith.constant 60 : i32
    %dma_wait3A_365 = arith.constant 0 : i32
    %dma_wait3A_366 = tpu.memref_slice %arg10[%dma_wait3A_364, %dma_wait3A_365] : memref<80x128xf32, #tpu.memory_space<vmem>> -> memref<20x128xf32, #tpu.memory_space<vmem>>
    tpu.wait_dma2 semaphore(%arg26 : memref<!tpu.dma_semaphore, #tpu.memory_space<semaphore_mem>>) src(%dma_wait3A_366 : memref<20x128xf32, #tpu.memory_space<vmem>>) dst(%dma_wait3A_363 : memref<20x128xf32, #tpu.memory_space<hbm>>)
    %add3A_367 = arith.constant 0 : i32
    %add3A_368 = arith.addi %mul3A_2, %add3A_367 : i32
    %add3A_369 = arith.constant 0 : i32
    %add3A_370 = arith.addi %add3A_368, %add3A_369 : i32
    %add3A_371 = arith.constant 0 : i32
    %add3A_372 = arith.addi %mul3A_2, %add3A_371 : i32
    %add3A_373 = arith.constant 1 : i32
    %add3A_374 = arith.addi %add3A_372, %add3A_373 : i32
    %add3A_375 = arith.constant 0 : i32
    %add3A_376 = arith.addi %mul3A_2, %add3A_375 : i32
    %add3A_377 = arith.constant 2 : i32
    %add3A_378 = arith.addi %add3A_376, %add3A_377 : i32
    %add3A_379 = arith.constant 0 : i32
    %add3A_380 = arith.addi %mul3A_2, %add3A_379 : i32
    %add3A_381 = arith.constant 3 : i32
    %add3A_382 = arith.addi %add3A_380, %add3A_381 : i32
    %dma_wait3A_383 = arith.constant 0 : i32
    %dma_wait3A_384 = arith.constant 0 : i32
    %dma_wait3A_385 = tpu.memref_slice %arg11[%dma_wait3A_383, %dma_wait3A_384] : memref<80x128xf32, #tpu.memory_space<vmem>> -> memref<20x128xf32, #tpu.memory_space<vmem>>
    %dma_wait3A_386 = arith.constant 0 : i32
    %dma_wait3A_387 = arith.constant 0 : i32
    %dma_wait3A_388 = tpu.memref_slice %arg4[%add3A_370, %dma_wait3A_386, %dma_wait3A_387] : memref<16384x20x128xf32, #tpu.memory_space<hbm>> -> memref<1x20x128xf32, #tpu.memory_space<hbm>>
    %dma_wait3A_389 = tpu.memref_squeeze %dma_wait3A_388 : memref<1x20x128xf32, #tpu.memory_space<hbm>> -> memref<20x128xf32, #tpu.memory_space<hbm>>
    %dma_wait3A_390 = arith.constant 0 : i32
    %dma_wait3A_391 = arith.constant 0 : i32
    %dma_wait3A_392 = tpu.memref_slice %arg4[%add3A_370, %dma_wait3A_390, %dma_wait3A_391] : memref<16384x20x128xf32, #tpu.memory_space<hbm>> -> memref<1x20x128xf32, #tpu.memory_space<hbm>>
    %dma_wait3A_393 = tpu.memref_squeeze %dma_wait3A_392 : memref<1x20x128xf32, #tpu.memory_space<hbm>> -> memref<20x128xf32, #tpu.memory_space<hbm>>
    %dma_wait3A_394 = arith.constant 0 : i32
    %dma_wait3A_395 = arith.constant 0 : i32
    %dma_wait3A_396 = tpu.memref_slice %arg11[%dma_wait3A_394, %dma_wait3A_395] : memref<80x128xf32, #tpu.memory_space<vmem>> -> memref<20x128xf32, #tpu.memory_space<vmem>>
    tpu.wait_dma2 semaphore(%arg27 : memref<!tpu.dma_semaphore, #tpu.memory_space<semaphore_mem>>) src(%dma_wait3A_396 : memref<20x128xf32, #tpu.memory_space<vmem>>) dst(%dma_wait3A_393 : memref<20x128xf32, #tpu.memory_space<hbm>>)
    %dma_wait3A_397 = arith.constant 20 : i32
    %dma_wait3A_398 = arith.constant 0 : i32
    %dma_wait3A_399 = tpu.memref_slice %arg11[%dma_wait3A_397, %dma_wait3A_398] : memref<80x128xf32, #tpu.memory_space<vmem>> -> memref<20x128xf32, #tpu.memory_space<vmem>>
    %dma_wait3A_400 = arith.constant 0 : i32
    %dma_wait3A_401 = arith.constant 0 : i32
    %dma_wait3A_402 = tpu.memref_slice %arg4[%add3A_374, %dma_wait3A_400, %dma_wait3A_401] : memref<16384x20x128xf32, #tpu.memory_space<hbm>> -> memref<1x20x128xf32, #tpu.memory_space<hbm>>
    %dma_wait3A_403 = tpu.memref_squeeze %dma_wait3A_402 : memref<1x20x128xf32, #tpu.memory_space<hbm>> -> memref<20x128xf32, #tpu.memory_space<hbm>>
    %dma_wait3A_404 = arith.constant 0 : i32
    %dma_wait3A_405 = arith.constant 0 : i32
    %dma_wait3A_406 = tpu.memref_slice %arg4[%add3A_374, %dma_wait3A_404, %dma_wait3A_405] : memref<16384x20x128xf32, #tpu.memory_space<hbm>> -> memref<1x20x128xf32, #tpu.memory_space<hbm>>
    %dma_wait3A_407 = tpu.memref_squeeze %dma_wait3A_406 : memref<1x20x128xf32, #tpu.memory_space<hbm>> -> memref<20x128xf32, #tpu.memory_space<hbm>>
    %dma_wait3A_408 = arith.constant 20 : i32
    %dma_wait3A_409 = arith.constant 0 : i32
    %dma_wait3A_410 = tpu.memref_slice %arg11[%dma_wait3A_408, %dma_wait3A_409] : memref<80x128xf32, #tpu.memory_space<vmem>> -> memref<20x128xf32, #tpu.memory_space<vmem>>
    tpu.wait_dma2 semaphore(%arg27 : memref<!tpu.dma_semaphore, #tpu.memory_space<semaphore_mem>>) src(%dma_wait3A_410 : memref<20x128xf32, #tpu.memory_space<vmem>>) dst(%dma_wait3A_407 : memref<20x128xf32, #tpu.memory_space<hbm>>)
    %dma_wait3A_411 = arith.constant 40 : i32
    %dma_wait3A_412 = arith.constant 0 : i32
    %dma_wait3A_413 = tpu.memref_slice %arg11[%dma_wait3A_411, %dma_wait3A_412] : memref<80x128xf32, #tpu.memory_space<vmem>> -> memref<20x128xf32, #tpu.memory_space<vmem>>
    %dma_wait3A_414 = arith.constant 0 : i32
    %dma_wait3A_415 = arith.constant 0 : i32
    %dma_wait3A_416 = tpu.memref_slice %arg4[%add3A_378, %dma_wait3A_414, %dma_wait3A_415] : memref<16384x20x128xf32, #tpu.memory_space<hbm>> -> memref<1x20x128xf32, #tpu.memory_space<hbm>>
    %dma_wait3A_417 = tpu.memref_squeeze %dma_wait3A_416 : memref<1x20x128xf32, #tpu.memory_space<hbm>> -> memref<20x128xf32, #tpu.memory_space<hbm>>
    %dma_wait3A_418 = arith.constant 0 : i32
    %dma_wait3A_419 = arith.constant 0 : i32
    %dma_wait3A_420 = tpu.memref_slice %arg4[%add3A_378, %dma_wait3A_418, %dma_wait3A_419] : memref<16384x20x128xf32, #tpu.memory_space<hbm>> -> memref<1x20x128xf32, #tpu.memory_space<hbm>>
    %dma_wait3A_421 = tpu.memref_squeeze %dma_wait3A_420 : memref<1x20x128xf32, #tpu.memory_space<hbm>> -> memref<20x128xf32, #tpu.memory_space<hbm>>
    %dma_wait3A_422 = arith.constant 40 : i32
    %dma_wait3A_423 = arith.constant 0 : i32
    %dma_wait3A_424 = tpu.memref_slice %arg11[%dma_wait3A_422, %dma_wait3A_423] : memref<80x128xf32, #tpu.memory_space<vmem>> -> memref<20x128xf32, #tpu.memory_space<vmem>>
    tpu.wait_dma2 semaphore(%arg27 : memref<!tpu.dma_semaphore, #tpu.memory_space<semaphore_mem>>) src(%dma_wait3A_424 : memref<20x128xf32, #tpu.memory_space<vmem>>) dst(%dma_wait3A_421 : memref<20x128xf32, #tpu.memory_space<hbm>>)
    %dma_wait3A_425 = arith.constant 60 : i32
    %dma_wait3A_426 = arith.constant 0 : i32
    %dma_wait3A_427 = tpu.memref_slice %arg11[%dma_wait3A_425, %dma_wait3A_426] : memref<80x128xf32, #tpu.memory_space<vmem>> -> memref<20x128xf32, #tpu.memory_space<vmem>>
    %dma_wait3A_428 = arith.constant 0 : i32
    %dma_wait3A_429 = arith.constant 0 : i32
    %dma_wait3A_430 = tpu.memref_slice %arg4[%add3A_382, %dma_wait3A_428, %dma_wait3A_429] : memref<16384x20x128xf32, #tpu.memory_space<hbm>> -> memref<1x20x128xf32, #tpu.memory_space<hbm>>
    %dma_wait3A_431 = tpu.memref_squeeze %dma_wait3A_430 : memref<1x20x128xf32, #tpu.memory_space<hbm>> -> memref<20x128xf32, #tpu.memory_space<hbm>>
    %dma_wait3A_432 = arith.constant 0 : i32
    %dma_wait3A_433 = arith.constant 0 : i32
    %dma_wait3A_434 = tpu.memref_slice %arg4[%add3A_382, %dma_wait3A_432, %dma_wait3A_433] : memref<16384x20x128xf32, #tpu.memory_space<hbm>> -> memref<1x20x128xf32, #tpu.memory_space<hbm>>
    %dma_wait3A_435 = tpu.memref_squeeze %dma_wait3A_434 : memref<1x20x128xf32, #tpu.memory_space<hbm>> -> memref<20x128xf32, #tpu.memory_space<hbm>>
    %dma_wait3A_436 = arith.constant 60 : i32
    %dma_wait3A_437 = arith.constant 0 : i32
    %dma_wait3A_438 = tpu.memref_slice %arg11[%dma_wait3A_436, %dma_wait3A_437] : memref<80x128xf32, #tpu.memory_space<vmem>> -> memref<20x128xf32, #tpu.memory_space<vmem>>
    tpu.wait_dma2 semaphore(%arg27 : memref<!tpu.dma_semaphore, #tpu.memory_space<semaphore_mem>>) src(%dma_wait3A_438 : memref<20x128xf32, #tpu.memory_space<vmem>>) dst(%dma_wait3A_435 : memref<20x128xf32, #tpu.memory_space<hbm>>)
    %add3A_439 = arith.constant 0 : i32
    %add3A_440 = arith.addi %mul3A_2, %add3A_439 : i32
    %add3A_441 = arith.constant 0 : i32
    %add3A_442 = arith.addi %add3A_440, %add3A_441 : i32
    %add3A_443 = arith.constant 0 : i32
    %add3A_444 = arith.addi %mul3A_2, %add3A_443 : i32
    %add3A_445 = arith.constant 1 : i32
    %add3A_446 = arith.addi %add3A_444, %add3A_445 : i32
    %add3A_447 = arith.constant 0 : i32
    %add3A_448 = arith.addi %mul3A_2, %add3A_447 : i32
    %add3A_449 = arith.constant 2 : i32
    %add3A_450 = arith.addi %add3A_448, %add3A_449 : i32
    %add3A_451 = arith.constant 0 : i32
    %add3A_452 = arith.addi %mul3A_2, %add3A_451 : i32
    %add3A_453 = arith.constant 3 : i32
    %add3A_454 = arith.addi %add3A_452, %add3A_453 : i32
    %dma_wait3A_455 = arith.constant 0 : i32
    %dma_wait3A_456 = arith.constant 0 : i32
    %dma_wait3A_457 = tpu.memref_slice %arg12[%dma_wait3A_455, %dma_wait3A_456] : memref<80x128xf32, #tpu.memory_space<vmem>> -> memref<20x128xf32, #tpu.memory_space<vmem>>
    %dma_wait3A_458 = arith.constant 0 : i32
    %dma_wait3A_459 = arith.constant 0 : i32
    %dma_wait3A_460 = tpu.memref_slice %arg4[%add3A_442, %dma_wait3A_458, %dma_wait3A_459] : memref<16384x20x128xf32, #tpu.memory_space<hbm>> -> memref<1x20x128xf32, #tpu.memory_space<hbm>>
    %dma_wait3A_461 = tpu.memref_squeeze %dma_wait3A_460 : memref<1x20x128xf32, #tpu.memory_space<hbm>> -> memref<20x128xf32, #tpu.memory_space<hbm>>
    %dma_wait3A_462 = arith.constant 0 : i32
    %dma_wait3A_463 = arith.constant 0 : i32
    %dma_wait3A_464 = tpu.memref_slice %arg4[%add3A_442, %dma_wait3A_462, %dma_wait3A_463] : memref<16384x20x128xf32, #tpu.memory_space<hbm>> -> memref<1x20x128xf32, #tpu.memory_space<hbm>>
    %dma_wait3A_465 = tpu.memref_squeeze %dma_wait3A_464 : memref<1x20x128xf32, #tpu.memory_space<hbm>> -> memref<20x128xf32, #tpu.memory_space<hbm>>
    %dma_wait3A_466 = arith.constant 0 : i32
    %dma_wait3A_467 = arith.constant 0 : i32
    %dma_wait3A_468 = tpu.memref_slice %arg12[%dma_wait3A_466, %dma_wait3A_467] : memref<80x128xf32, #tpu.memory_space<vmem>> -> memref<20x128xf32, #tpu.memory_space<vmem>>
    tpu.wait_dma2 semaphore(%arg28 : memref<!tpu.dma_semaphore, #tpu.memory_space<semaphore_mem>>) src(%dma_wait3A_468 : memref<20x128xf32, #tpu.memory_space<vmem>>) dst(%dma_wait3A_465 : memref<20x128xf32, #tpu.memory_space<hbm>>)
    %dma_wait3A_469 = arith.constant 20 : i32
    %dma_wait3A_470 = arith.constant 0 : i32
    %dma_wait3A_471 = tpu.memref_slice %arg12[%dma_wait3A_469, %dma_wait3A_470] : memref<80x128xf32, #tpu.memory_space<vmem>> -> memref<20x128xf32, #tpu.memory_space<vmem>>
    %dma_wait3A_472 = arith.constant 0 : i32
    %dma_wait3A_473 = arith.constant 0 : i32
    %dma_wait3A_474 = tpu.memref_slice %arg4[%add3A_446, %dma_wait3A_472, %dma_wait3A_473] : memref<16384x20x128xf32, #tpu.memory_space<hbm>> -> memref<1x20x128xf32, #tpu.memory_space<hbm>>
    %dma_wait3A_475 = tpu.memref_squeeze %dma_wait3A_474 : memref<1x20x128xf32, #tpu.memory_space<hbm>> -> memref<20x128xf32, #tpu.memory_space<hbm>>
    %dma_wait3A_476 = arith.constant 0 : i32
    %dma_wait3A_477 = arith.constant 0 : i32
    %dma_wait3A_478 = tpu.memref_slice %arg4[%add3A_446, %dma_wait3A_476, %dma_wait3A_477] : memref<16384x20x128xf32, #tpu.memory_space<hbm>> -> memref<1x20x128xf32, #tpu.memory_space<hbm>>
    %dma_wait3A_479 = tpu.memref_squeeze %dma_wait3A_478 : memref<1x20x128xf32, #tpu.memory_space<hbm>> -> memref<20x128xf32, #tpu.memory_space<hbm>>
    %dma_wait3A_480 = arith.constant 20 : i32
    %dma_wait3A_481 = arith.constant 0 : i32
    %dma_wait3A_482 = tpu.memref_slice %arg12[%dma_wait3A_480, %dma_wait3A_481] : memref<80x128xf32, #tpu.memory_space<vmem>> -> memref<20x128xf32, #tpu.memory_space<vmem>>
    tpu.wait_dma2 semaphore(%arg28 : memref<!tpu.dma_semaphore, #tpu.memory_space<semaphore_mem>>) src(%dma_wait3A_482 : memref<20x128xf32, #tpu.memory_space<vmem>>) dst(%dma_wait3A_479 : memref<20x128xf32, #tpu.memory_space<hbm>>)
    %dma_wait3A_483 = arith.constant 40 : i32
    %dma_wait3A_484 = arith.constant 0 : i32
    %dma_wait3A_485 = tpu.memref_slice %arg12[%dma_wait3A_483, %dma_wait3A_484] : memref<80x128xf32, #tpu.memory_space<vmem>> -> memref<20x128xf32, #tpu.memory_space<vmem>>
    %dma_wait3A_486 = arith.constant 0 : i32
    %dma_wait3A_487 = arith.constant 0 : i32
    %dma_wait3A_488 = tpu.memref_slice %arg4[%add3A_450, %dma_wait3A_486, %dma_wait3A_487] : memref<16384x20x128xf32, #tpu.memory_space<hbm>> -> memref<1x20x128xf32, #tpu.memory_space<hbm>>
    %dma_wait3A_489 = tpu.memref_squeeze %dma_wait3A_488 : memref<1x20x128xf32, #tpu.memory_space<hbm>> -> memref<20x128xf32, #tpu.memory_space<hbm>>
    %dma_wait3A_490 = arith.constant 0 : i32
    %dma_wait3A_491 = arith.constant 0 : i32
    %dma_wait3A_492 = tpu.memref_slice %arg4[%add3A_450, %dma_wait3A_490, %dma_wait3A_491] : memref<16384x20x128xf32, #tpu.memory_space<hbm>> -> memref<1x20x128xf32, #tpu.memory_space<hbm>>
    %dma_wait3A_493 = tpu.memref_squeeze %dma_wait3A_492 : memref<1x20x128xf32, #tpu.memory_space<hbm>> -> memref<20x128xf32, #tpu.memory_space<hbm>>
    %dma_wait3A_494 = arith.constant 40 : i32
    %dma_wait3A_495 = arith.constant 0 : i32
    %dma_wait3A_496 = tpu.memref_slice %arg12[%dma_wait3A_494, %dma_wait3A_495] : memref<80x128xf32, #tpu.memory_space<vmem>> -> memref<20x128xf32, #tpu.memory_space<vmem>>
    tpu.wait_dma2 semaphore(%arg28 : memref<!tpu.dma_semaphore, #tpu.memory_space<semaphore_mem>>) src(%dma_wait3A_496 : memref<20x128xf32, #tpu.memory_space<vmem>>) dst(%dma_wait3A_493 : memref<20x128xf32, #tpu.memory_space<hbm>>)
    %dma_wait3A_497 = arith.constant 60 : i32
    %dma_wait3A_498 = arith.constant 0 : i32
    %dma_wait3A_499 = tpu.memref_slice %arg12[%dma_wait3A_497, %dma_wait3A_498] : memref<80x128xf32, #tpu.memory_space<vmem>> -> memref<20x128xf32, #tpu.memory_space<vmem>>
    %dma_wait3A_500 = arith.constant 0 : i32
    %dma_wait3A_501 = arith.constant 0 : i32
    %dma_wait3A_502 = tpu.memref_slice %arg4[%add3A_454, %dma_wait3A_500, %dma_wait3A_501] : memref<16384x20x128xf32, #tpu.memory_space<hbm>> -> memref<1x20x128xf32, #tpu.memory_space<hbm>>
    %dma_wait3A_503 = tpu.memref_squeeze %dma_wait3A_502 : memref<1x20x128xf32, #tpu.memory_space<hbm>> -> memref<20x128xf32, #tpu.memory_space<hbm>>
    %dma_wait3A_504 = arith.constant 0 : i32
    %dma_wait3A_505 = arith.constant 0 : i32
    %dma_wait3A_506 = tpu.memref_slice %arg4[%add3A_454, %dma_wait3A_504, %dma_wait3A_505] : memref<16384x20x128xf32, #tpu.memory_space<hbm>> -> memref<1x20x128xf32, #tpu.memory_space<hbm>>
    %dma_wait3A_507 = tpu.memref_squeeze %dma_wait3A_506 : memref<1x20x128xf32, #tpu.memory_space<hbm>> -> memref<20x128xf32, #tpu.memory_space<hbm>>
    %dma_wait3A_508 = arith.constant 60 : i32
    %dma_wait3A_509 = arith.constant 0 : i32
    %dma_wait3A_510 = tpu.memref_slice %arg12[%dma_wait3A_508, %dma_wait3A_509] : memref<80x128xf32, #tpu.memory_space<vmem>> -> memref<20x128xf32, #tpu.memory_space<vmem>>
    tpu.wait_dma2 semaphore(%arg28 : memref<!tpu.dma_semaphore, #tpu.memory_space<semaphore_mem>>) src(%dma_wait3A_510 : memref<20x128xf32, #tpu.memory_space<vmem>>) dst(%dma_wait3A_507 : memref<20x128xf32, #tpu.memory_space<hbm>>)
    %add3A_511 = arith.constant 0 : i32
    %add3A_512 = arith.addi %mul3A_2, %add3A_511 : i32
    %add3A_513 = arith.constant 0 : i32
    %add3A_514 = arith.addi %add3A_512, %add3A_513 : i32
    %add3A_515 = arith.constant 0 : i32
    %add3A_516 = arith.addi %mul3A_2, %add3A_515 : i32
    %add3A_517 = arith.constant 1 : i32
    %add3A_518 = arith.addi %add3A_516, %add3A_517 : i32
    %add3A_519 = arith.constant 0 : i32
    %add3A_520 = arith.addi %mul3A_2, %add3A_519 : i32
    %add3A_521 = arith.constant 2 : i32
    %add3A_522 = arith.addi %add3A_520, %add3A_521 : i32
    %add3A_523 = arith.constant 0 : i32
    %add3A_524 = arith.addi %mul3A_2, %add3A_523 : i32
    %add3A_525 = arith.constant 3 : i32
    %add3A_526 = arith.addi %add3A_524, %add3A_525 : i32
    %dma_wait3A_527 = arith.constant 0 : i32
    %dma_wait3A_528 = arith.constant 0 : i32
    %dma_wait3A_529 = tpu.memref_slice %arg13[%dma_wait3A_527, %dma_wait3A_528] : memref<80x128xf32, #tpu.memory_space<vmem>> -> memref<20x128xf32, #tpu.memory_space<vmem>>
    %dma_wait3A_530 = arith.constant 0 : i32
    %dma_wait3A_531 = arith.constant 0 : i32
    %dma_wait3A_532 = tpu.memref_slice %arg4[%add3A_514, %dma_wait3A_530, %dma_wait3A_531] : memref<16384x20x128xf32, #tpu.memory_space<hbm>> -> memref<1x20x128xf32, #tpu.memory_space<hbm>>
    %dma_wait3A_533 = tpu.memref_squeeze %dma_wait3A_532 : memref<1x20x128xf32, #tpu.memory_space<hbm>> -> memref<20x128xf32, #tpu.memory_space<hbm>>
    %dma_wait3A_534 = arith.constant 0 : i32
    %dma_wait3A_535 = arith.constant 0 : i32
    %dma_wait3A_536 = tpu.memref_slice %arg4[%add3A_514, %dma_wait3A_534, %dma_wait3A_535] : memref<16384x20x128xf32, #tpu.memory_space<hbm>> -> memref<1x20x128xf32, #tpu.memory_space<hbm>>
    %dma_wait3A_537 = tpu.memref_squeeze %dma_wait3A_536 : memref<1x20x128xf32, #tpu.memory_space<hbm>> -> memref<20x128xf32, #tpu.memory_space<hbm>>
    %dma_wait3A_538 = arith.constant 0 : i32
    %dma_wait3A_539 = arith.constant 0 : i32
    %dma_wait3A_540 = tpu.memref_slice %arg13[%dma_wait3A_538, %dma_wait3A_539] : memref<80x128xf32, #tpu.memory_space<vmem>> -> memref<20x128xf32, #tpu.memory_space<vmem>>
    tpu.wait_dma2 semaphore(%arg29 : memref<!tpu.dma_semaphore, #tpu.memory_space<semaphore_mem>>) src(%dma_wait3A_540 : memref<20x128xf32, #tpu.memory_space<vmem>>) dst(%dma_wait3A_537 : memref<20x128xf32, #tpu.memory_space<hbm>>)
    %dma_wait3A_541 = arith.constant 20 : i32
    %dma_wait3A_542 = arith.constant 0 : i32
    %dma_wait3A_543 = tpu.memref_slice %arg13[%dma_wait3A_541, %dma_wait3A_542] : memref<80x128xf32, #tpu.memory_space<vmem>> -> memref<20x128xf32, #tpu.memory_space<vmem>>
    %dma_wait3A_544 = arith.constant 0 : i32
    %dma_wait3A_545 = arith.constant 0 : i32
    %dma_wait3A_546 = tpu.memref_slice %arg4[%add3A_518, %dma_wait3A_544, %dma_wait3A_545] : memref<16384x20x128xf32, #tpu.memory_space<hbm>> -> memref<1x20x128xf32, #tpu.memory_space<hbm>>
    %dma_wait3A_547 = tpu.memref_squeeze %dma_wait3A_546 : memref<1x20x128xf32, #tpu.memory_space<hbm>> -> memref<20x128xf32, #tpu.memory_space<hbm>>
    %dma_wait3A_548 = arith.constant 0 : i32
    %dma_wait3A_549 = arith.constant 0 : i32
    %dma_wait3A_550 = tpu.memref_slice %arg4[%add3A_518, %dma_wait3A_548, %dma_wait3A_549] : memref<16384x20x128xf32, #tpu.memory_space<hbm>> -> memref<1x20x128xf32, #tpu.memory_space<hbm>>
    %dma_wait3A_551 = tpu.memref_squeeze %dma_wait3A_550 : memref<1x20x128xf32, #tpu.memory_space<hbm>> -> memref<20x128xf32, #tpu.memory_space<hbm>>
    %dma_wait3A_552 = arith.constant 20 : i32
    %dma_wait3A_553 = arith.constant 0 : i32
    %dma_wait3A_554 = tpu.memref_slice %arg13[%dma_wait3A_552, %dma_wait3A_553] : memref<80x128xf32, #tpu.memory_space<vmem>> -> memref<20x128xf32, #tpu.memory_space<vmem>>
    tpu.wait_dma2 semaphore(%arg29 : memref<!tpu.dma_semaphore, #tpu.memory_space<semaphore_mem>>) src(%dma_wait3A_554 : memref<20x128xf32, #tpu.memory_space<vmem>>) dst(%dma_wait3A_551 : memref<20x128xf32, #tpu.memory_space<hbm>>)
    %dma_wait3A_555 = arith.constant 40 : i32
    %dma_wait3A_556 = arith.constant 0 : i32
    %dma_wait3A_557 = tpu.memref_slice %arg13[%dma_wait3A_555, %dma_wait3A_556] : memref<80x128xf32, #tpu.memory_space<vmem>> -> memref<20x128xf32, #tpu.memory_space<vmem>>
    %dma_wait3A_558 = arith.constant 0 : i32
    %dma_wait3A_559 = arith.constant 0 : i32
    %dma_wait3A_560 = tpu.memref_slice %arg4[%add3A_522, %dma_wait3A_558, %dma_wait3A_559] : memref<16384x20x128xf32, #tpu.memory_space<hbm>> -> memref<1x20x128xf32, #tpu.memory_space<hbm>>
    %dma_wait3A_561 = tpu.memref_squeeze %dma_wait3A_560 : memref<1x20x128xf32, #tpu.memory_space<hbm>> -> memref<20x128xf32, #tpu.memory_space<hbm>>
    %dma_wait3A_562 = arith.constant 0 : i32
    %dma_wait3A_563 = arith.constant 0 : i32
    %dma_wait3A_564 = tpu.memref_slice %arg4[%add3A_522, %dma_wait3A_562, %dma_wait3A_563] : memref<16384x20x128xf32, #tpu.memory_space<hbm>> -> memref<1x20x128xf32, #tpu.memory_space<hbm>>
    %dma_wait3A_565 = tpu.memref_squeeze %dma_wait3A_564 : memref<1x20x128xf32, #tpu.memory_space<hbm>> -> memref<20x128xf32, #tpu.memory_space<hbm>>
    %dma_wait3A_566 = arith.constant 40 : i32
    %dma_wait3A_567 = arith.constant 0 : i32
    %dma_wait3A_568 = tpu.memref_slice %arg13[%dma_wait3A_566, %dma_wait3A_567] : memref<80x128xf32, #tpu.memory_space<vmem>> -> memref<20x128xf32, #tpu.memory_space<vmem>>
    tpu.wait_dma2 semaphore(%arg29 : memref<!tpu.dma_semaphore, #tpu.memory_space<semaphore_mem>>) src(%dma_wait3A_568 : memref<20x128xf32, #tpu.memory_space<vmem>>) dst(%dma_wait3A_565 : memref<20x128xf32, #tpu.memory_space<hbm>>)
    %dma_wait3A_569 = arith.constant 60 : i32
    %dma_wait3A_570 = arith.constant 0 : i32
    %dma_wait3A_571 = tpu.memref_slice %arg13[%dma_wait3A_569, %dma_wait3A_570] : memref<80x128xf32, #tpu.memory_space<vmem>> -> memref<20x128xf32, #tpu.memory_space<vmem>>
    %dma_wait3A_572 = arith.constant 0 : i32
    %dma_wait3A_573 = arith.constant 0 : i32
    %dma_wait3A_574 = tpu.memref_slice %arg4[%add3A_526, %dma_wait3A_572, %dma_wait3A_573] : memref<16384x20x128xf32, #tpu.memory_space<hbm>> -> memref<1x20x128xf32, #tpu.memory_space<hbm>>
    %dma_wait3A_575 = tpu.memref_squeeze %dma_wait3A_574 : memref<1x20x128xf32, #tpu.memory_space<hbm>> -> memref<20x128xf32, #tpu.memory_space<hbm>>
    %dma_wait3A_576 = arith.constant 0 : i32
    %dma_wait3A_577 = arith.constant 0 : i32
    %dma_wait3A_578 = tpu.memref_slice %arg4[%add3A_526, %dma_wait3A_576, %dma_wait3A_577] : memref<16384x20x128xf32, #tpu.memory_space<hbm>> -> memref<1x20x128xf32, #tpu.memory_space<hbm>>
    %dma_wait3A_579 = tpu.memref_squeeze %dma_wait3A_578 : memref<1x20x128xf32, #tpu.memory_space<hbm>> -> memref<20x128xf32, #tpu.memory_space<hbm>>
    %dma_wait3A_580 = arith.constant 60 : i32
    %dma_wait3A_581 = arith.constant 0 : i32
    %dma_wait3A_582 = tpu.memref_slice %arg13[%dma_wait3A_580, %dma_wait3A_581] : memref<80x128xf32, #tpu.memory_space<vmem>> -> memref<20x128xf32, #tpu.memory_space<vmem>>
    tpu.wait_dma2 semaphore(%arg29 : memref<!tpu.dma_semaphore, #tpu.memory_space<semaphore_mem>>) src(%dma_wait3A_582 : memref<20x128xf32, #tpu.memory_space<vmem>>) dst(%dma_wait3A_579 : memref<20x128xf32, #tpu.memory_space<hbm>>)
    return
  }
}

module attributes {stable_mosaic.version = 14 : i64} {
  func.func @_idx_body(%arg0: i32, %arg1: memref<1024x20xi32, #tpu.memory_space<vmem>>, %arg2: memref<1024x20xi32, #tpu.memory_space<vmem>>) attributes {dimension_semantics = [#tpu.dimension_semantics<arbitrary>], iteration_bounds = array<i64: 16>, scalar_prefetch = 0 : i64, scratch_operands = 0 : i64, tpu.core_type = #tpu.core_type<tc>, window_params = [{transform_indices = @transform_0, window_bounds = array<i64: 1024, 20>}, {transform_indices = @transform_1, window_bounds = array<i64: 1024, 20>}]} {
    %iota3A = tpu.iota {dimensions = array<i32: 1>} : vector<1024x20xi32>
    %get3A = arith.constant 0 : index
    %get3A_0 = arith.constant 0 : index
    %get3A_1 = vector.load %arg1[%get3A, %get3A_0] : memref<1024x20xi32, #tpu.memory_space<vmem>>, vector<1024x20xi32>
    %mul3A = arith.constant 98 : i32
    %mul3A_2 = vector.broadcast %mul3A : i32 to vector<1024x20xi32>
    %mul3A_3 = arith.muli %iota3A, %mul3A_2 : vector<1024x20xi32>
    %add3A = arith.addi %get3A_1, %mul3A_3 : vector<1024x20xi32>
    %swap3A = arith.constant 0 : index
    %swap3A_4 = arith.constant 0 : index
    %swap3A_5 = vector.load %arg2[%swap3A, %swap3A_4] : memref<1024x20xi32, #tpu.memory_space<vmem>>, vector<1024x20xi32>
    tpu.vector_store %arg2[%swap3A, %swap3A_4], %add3A {strides = array<i32>} : memref<1024x20xi32, #tpu.memory_space<vmem>>, vector<1024x20xi32>,
    return
  }
  func.func @transform_0(%arg0: i32) -> (i32, i32) {
    %c0_i32 = arith.constant 0 : i32
    %c0_i32_0 = arith.constant 0 : i32
    return %arg0, %c0_i32 : i32, i32
  }
  func.func @transform_1(%arg0: i32) -> (i32, i32) {
    %c0_i32 = arith.constant 0 : i32
    %c0_i32_0 = arith.constant 0 : i32
    return %arg0, %c0_i32 : i32, i32
  }
}

module attributes {stable_mosaic.version = 14 : i64} {
  func.func @_comb_body(%arg0: memref<98x128xf32, #tpu.memory_space<vmem>>, %arg1: memref<20x128xf32, #tpu.memory_space<vmem>>, %arg2: memref<1x128xf32, #tpu.memory_space<vmem>>, %arg3: memref<1x128xf32, #tpu.memory_space<vmem>>, %arg4: memref<20x98x128xf32, #tpu.memory_space<vmem>>) attributes {dimension_semantics = [], scalar_prefetch = 0 : i64, scratch_operands = 0 : i64, tpu.core_type = #tpu.core_type<tc>} {
    %get3A = arith.constant 0 : index
    %get3A_0 = arith.constant 0 : index
    %get3A_1 = vector.load %arg1[%get3A, %get3A_0] : memref<20x128xf32, #tpu.memory_space<vmem>>, vector<20x128xf32>
    %broadcast_in_dim3A = vector.shape_cast %get3A_1 : vector<20x128xf32> to vector<20x1x128xf32>
    %get3A_2 = arith.constant 0 : index
    %get3A_3 = arith.constant 0 : index
    %get3A_4 = vector.load %arg0[%get3A_2, %get3A_3] : memref<98x128xf32, #tpu.memory_space<vmem>>, vector<98x128xf32>
    %broadcast_in_dim3A_5 = vector.shape_cast %get3A_4 : vector<98x128xf32> to vector<1x98x128xf32>
    %add3A = vector.broadcast %broadcast_in_dim3A : vector<20x1x128xf32> to vector<20x98x128xf32>
    %add3A_6 = vector.broadcast %broadcast_in_dim3A_5 : vector<1x98x128xf32> to vector<20x98x128xf32>
    %add3A_7 = arith.addf %add3A, %add3A_6 : vector<20x98x128xf32>
    %reduce_sum3A = arith.constant dense<0.000000e+00> : vector<20x98xf32>
    %reduce_sum3A_8 = vector.multi_reduction <add>, %add3A_7, %reduce_sum3A [2] : vector<20x98x128xf32> to vector<20x98xf32>
    %broadcast_in_dim3A_9 = vector.shape_cast %reduce_sum3A_8 : vector<20x98xf32> to vector<20x98x1xf32>
    %div3A = arith.constant 1.280000e+02 : f32
    %div3A_10 = vector.broadcast %div3A : f32 to vector<20x98x1xf32>
    %div3A_11 = arith.divf %broadcast_in_dim3A_9, %div3A_10 : vector<20x98x1xf32>
    %sub3A = vector.broadcast %div3A_11 : vector<20x98x1xf32> to vector<20x98x128xf32>
    %sub3A_12 = arith.subf %add3A_7, %sub3A : vector<20x98x128xf32>
    %integer_pow3A = arith.mulf %sub3A_12, %sub3A_12 : vector<20x98x128xf32>
    %reduce_sum3A_13 = arith.constant dense<0.000000e+00> : vector<20x98xf32>
    %reduce_sum3A_14 = vector.multi_reduction <add>, %integer_pow3A, %reduce_sum3A_13 [2] : vector<20x98x128xf32> to vector<20x98xf32>
    %broadcast_in_dim3A_15 = vector.shape_cast %reduce_sum3A_14 : vector<20x98xf32> to vector<20x98x1xf32>
    %div3A_16 = arith.constant 1.280000e+02 : f32
    %div3A_17 = vector.broadcast %div3A_16 : f32 to vector<20x98x1xf32>
    %div3A_18 = arith.divf %broadcast_in_dim3A_15, %div3A_17 : vector<20x98x1xf32>
    %sub3A_19 = vector.broadcast %div3A_11 : vector<20x98x1xf32> to vector<20x98x128xf32>
    %sub3A_20 = arith.subf %add3A_7, %sub3A_19 : vector<20x98x128xf32>
    %add3A_21 = arith.constant 9.99999974E-6 : f32
    %add3A_22 = vector.broadcast %add3A_21 : f32 to vector<20x98x1xf32>
    %add3A_23 = arith.addf %div3A_18, %add3A_22 : vector<20x98x1xf32>
    %sqrt3A = math.sqrt %add3A_23 : vector<20x98x1xf32>
    %div3A_24 = vector.broadcast %sqrt3A : vector<20x98x1xf32> to vector<20x98x128xf32>
    %div3A_25 = arith.divf %sub3A_20, %div3A_24 : vector<20x98x128xf32>
    %get3A_26 = arith.constant 0 : index
    %get3A_27 = arith.constant 0 : index
    %get3A_28 = vector.load %arg2[%get3A_26, %get3A_27] : memref<1x128xf32, #tpu.memory_space<vmem>>, vector<1x128xf32>
    %broadcast_in_dim3A_29 = vector.shape_cast %get3A_28 : vector<1x128xf32> to vector<1x1x128xf32>
    %mul3A = vector.broadcast %broadcast_in_dim3A_29 : vector<1x1x128xf32> to vector<20x98x128xf32>
    %mul3A_30 = arith.mulf %div3A_25, %mul3A : vector<20x98x128xf32>
    %get3A_31 = arith.constant 0 : index
    %get3A_32 = arith.constant 0 : index
    %get3A_33 = vector.load %arg3[%get3A_31, %get3A_32] : memref<1x128xf32, #tpu.memory_space<vmem>>, vector<1x128xf32>
    %broadcast_in_dim3A_34 = vector.shape_cast %get3A_33 : vector<1x128xf32> to vector<1x1x128xf32>
    %add3A_35 = vector.broadcast %broadcast_in_dim3A_34 : vector<1x1x128xf32> to vector<20x98x128xf32>
    %add3A_36 = arith.addf %mul3A_30, %add3A_35 : vector<20x98x128xf32>
    %swap3A = arith.constant 0 : index
    %swap3A_37 = arith.constant 0 : index
    %swap3A_38 = arith.constant 0 : index
    %swap3A_39 = vector.load %arg4[%swap3A, %swap3A_37, %swap3A_38] : memref<20x98x128xf32, #tpu.memory_space<vmem>>, vector<20x98x128xf32>
    tpu.vector_store %arg4[%swap3A, %swap3A_37, %swap3A_38], %add3A_36 {strides = array<i32>} : memref<20x98x128xf32, #tpu.memory_space<vmem>>, vector<20x98x128xf32>,
    return
  }
}

</mosaic_0001>

<sc_bundles>
// kernel: kernel.5.cloned.1.call-start
scs
__scs_entry_jumppad:
0x0: {  	(pc) =	sbr.rel $0x88, $3  }
0x1: {  	(tag) =	ssettag $0x0;
	lr =	simm.s32 $0x1  }
0x2: {  	[smem:$0x3F9C] =	sst lr;
	_ =	strace $0xD0000000  }
0x3: {  	_ = 	snop  }
0x4: {  	_ = 	snop  }
0x5: {  	_ = 	snop  }
0x6: {  	_ = 	snop  }
0x7: {  	_ = 	snop  }
__scs_overlays_trampoline_lowered:
0x8: {  	[smem:$0x3FAB] =	sst s0  }
0x9: {  	[smem:$0x3FAC] =	sst s1  }
0xa: {  	[smem:$0x3FAD] =	sst s2  }
0xb: {  	[smem:$0x3FAE] =	sst s3  }
0xc: {  	[smem:$0x3FAF] =	sst s4  }
0xd: {  	[smem:$0x3FB0] =	sst s5  }
0xe: {  	[smem:$0x3FB1] =	sst s6  }
0xf: {  	[smem:$0x3FB2] =	sst s7  }
0x10: {  	[smem:$0x3FB3] =	sst s8  }
0x11: {  	[smem:$0x3FB4] =	sst s9;
	s0 =	simm.s32 @!p0 $0x0  }
0x12: {  	s1 =	sld [smem:$0x3F9A];
	s0 =	simm.s32 @p0 $0x1  }
0x13: {  	[smem:$0x3FB5] =	sst s0;
	s0 =	simm.s32 @!p1 $0x0  }
0x14: {  	s2 =	sld [smem:$0x3F99];
	s0 =	simm.s32 @p1 $0x1  }
0x15: {  	[smem:$0x3FB6] =	sst s0;
	s0 =	simm.s32 @!p2 $0x0  }
0x16: {  	s3 =	sld [smem:$0x3FDB];
	s0 =	simm.s32 @p2 $0x1  }
0x17: {  	s4 =	simm.s32 $0x1BF5;
	[smem:$0x3FB8] =	sst s0  }
0x18: {  	s0 =	sld [smem:$0x3F9B];
	_ =	swait.ge [sflag:s4], $0x0  }
0x19: {  	s7 =	sld [smem:$0x3F9C]  }
0x1a: {  	s8 =	sadd.s32 $0xFFFFE003, lr  }
0x1b: {  	s9 =	sadd.s32 $0xFFFFFEF7, lr;
	s5 =	simm.s32 $0xFFFFFFFF;
	p2 =	slt.u32 s8, $0xFFFFF086  }
0x1c: {  	p1 =	slt.u32 s9, $0xF7A;
	s5 =	simm.s32 @!p2 $0x0  }
0x1d: {  	s5 =	simm.s32 @p1 $0x1;
	p0 =	seq.s32 s7, s2  }
0x1e: {  	s7 =	smul.u32 @!p0 $0xF7A, s2;
	p2 =	seq.s32 @!p0 s5, $0x0  }
0x1f: {  	s9 =	smul.u32 $0xF7A, s1;
	s8 =	simm.s32 @!p0 $0x1BF5;
	p2 =	por !p2, p0  }
0x20: {  	[sflag:s8] =	ssyncset.s32 @!p0 $0xFFFFF086;
	s6 =	sadd.s32 @!p0 s3, s7;
	s7 =	simm.s32 @!p0 $0x108  }
0x21: {  	s3 =	sadd.s32 s3, s9;
	s6 =	sadd.s32 @!p0 $0x88, s6;
	s7 =	simm.s32 @p2 $0x1082  }
0x22: {  	[simem:s7], [sflag:s8] =	dma.local @!p0 [hbm:s6], $0xF7A  }
0x23: {  	s9 =	sor.u32 $0xD0000000, s2;
	s6 =	simm.s32 $0x108;
	_ =	swait.ge @!p0 [sflag:s8], $0x0  }
0x24: {  	s3 =	sadd.s32 $0x88, s3;
	s6 =	simm.s32 @!p1 $0x1082;
	[sflag:s4] =	ssyncset.s32 $0xFFFFF086  }
0x25: {  	[simem:s6], [sflag:s4] =	dma.local [hbm:s3], $0xF7A  }
0x26: {  	[smem:$0x3F9C] =	sst s1;
	(tag) =	ssettag s2;
	_ =	strace s9  }
0x27: {  	s1 =	sld [smem:$0x3FAC]  }
0x28: {  	s2 =	sld [smem:$0x3FAD]  }
0x29: {  	s4 =	sld [smem:$0x3FAF]  }
0x2a: {  	p0 =	seq.s32 s5, $0x0;
	s5 =	sld [smem:$0x3FB0]  }
0x2b: {  	s6 =	sld [smem:$0x3FB1]  }
0x2c: {  	s7 =	sld [smem:$0x3FB2]  }
0x2d: {  	s3 =	simm.s32 $0x108;
	s8 =	sld [smem:$0x3FB3]  }
0x2e: {  	s3 =	simm.s32 @!p0 $0x1082;
	s9 =	sld [smem:$0x3FB4]  }
0x2f: {  	lr =	sadd.s32 s0, s3;
	s0 =	sld [smem:$0x3FAB]  }
0x30: {  	s3 =	sld [smem:$0x3FAE]  }
0x31: {  	[smem:$0x3FB7] =	sst s10  }
0x32: {  	s10 =	sld [smem:$0x3FB5];
	_ =	sdelay $0x3  }
0x33: {  	p0 =	seq.s32 s10, $0x1;
	s10 =	sld [smem:$0x3FB7];
	_ =	sdelay $0x3  }
0x34: {  	[smem:$0x3FB7] =	sst s10  }
0x35: {  	s10 =	sld [smem:$0x3FB6];
	_ =	sdelay $0x3  }
0x36: {  	p1 =	seq.s32 s10, $0x1;
	s10 =	sld [smem:$0x3FB7];
	_ =	sdelay $0x3  }
0x37: {  	[smem:$0x3FB7] =	sst s10  }
0x38: {  	s10 =	sld [smem:$0x3FB8]  }
0x39: {  	_ = 	snop;
	(pc) =	sbr.ind lr, $3  }
0x3a: {  	_ = 	snop  }
0x3b: {  	_ = 	snop  }
0x3c: {  	p2 =	seq.s32 s10, $0x1;
	s10 =	sld [smem:$0x3FB7]  }
0x3d: {  	_ =	shalt  }
0x3e: {  	_ =	shalt  }
0x3f: {  	_ =	shalt  }
0x40: {  	_ =	shalt  }
0x41: {  	_ =	shalt  }
0x42: {  	_ =	shalt  }
0x43: {  	_ =	shalt  }
0x44: {  	_ =	shalt  }
0x45: {  	_ =	shalt  }
0x46: {  	_ =	shalt  }
0x47: {  	_ =	shalt  }
0x48: {  	_ =	shalt  }
0x49: {  	_ =	shalt  }
0x4a: {  	_ =	shalt  }
0x4b: {  	_ =	shalt  }
0x4c: {  	_ =	shalt  }
0x4d: {  	_ =	shalt  }
0x4e: {  	_ =	shalt  }
0x4f: {  	_ =	shalt  }
0x50: {  	_ =	shalt  }
0x51: {  	_ =	shalt  }
0x52: {  	_ =	shalt  }
0x53: {  	_ =	shalt  }
0x54: {  	_ =	shalt  }
0x55: {  	_ =	shalt  }
0x56: {  	_ =	shalt  }
0x57: {  	_ =	shalt  }
0x58: {  	_ =	shalt  }
0x59: {  	_ =	shalt  }
0x5a: {  	_ =	shalt  }
0x5b: {  	_ =	shalt  }
0x5c: {  	_ =	shalt  }
0x5d: {  	_ =	shalt  }
0x5e: {  	_ =	shalt  }
0x5f: {  	_ =	shalt  }
0x60: {  	_ =	shalt  }
0x61: {  	_ =	shalt  }
0x62: {  	_ =	shalt  }
0x63: {  	_ =	shalt  }
0x64: {  	_ =	shalt  }
0x65: {  	_ =	shalt  }
0x66: {  	_ =	shalt  }
0x67: {  	_ =	shalt  }
0x68: {  	_ =	shalt  }
0x69: {  	_ =	shalt  }
0x6a: {  	_ =	shalt  }
0x6b: {  	_ =	shalt  }
0x6c: {  	_ =	shalt  }
0x6d: {  	_ =	shalt  }
0x6e: {  	_ =	shalt  }
0x6f: {  	_ =	shalt  }
0x70: {  	_ =	shalt  }
0x71: {  	_ =	shalt  }
0x72: {  	_ =	shalt  }
0x73: {  	_ =	shalt  }
0x74: {  	_ =	shalt  }
0x75: {  	_ =	shalt  }
0x76: {  	_ =	shalt  }
0x77: {  	_ =	shalt  }
0x78: {  	_ =	shalt  }
0x79: {  	_ =	shalt  }
0x7a: {  	_ =	shalt  }
0x7b: {  	_ =	shalt  }
0x7c: {  	_ =	shalt  }
0x7d: {  	_ =	shalt  }
0x7e: {  	_ =	shalt  }
0x7f: {  	_ =	shalt  }
0x80: {  	_ =	shalt  }
0x81: {  	_ =	shalt  }
0x82: {  	_ =	shalt  }
0x83: {  	_ =	shalt  }
0x84: {  	_ =	shalt  }
0x85: {  	_ =	shalt  }
0x86: {  	_ =	shalt  }
0x87: {  	_ =	shalt  }
.Lfunc_end0:
.L_simem_size_0:
called_computation_lowered:
.L_overlay_start_0:
0x88: {  	s2 =	sld [smem:$0x3FD9]  }
0x89: {  	s3 =	sld [smem:$0x3FFE];
	_ =	sdelay $0x1  }
0x8a: {  	s1 =	srdreg.scid  }
0x8b: {  	s0 =	sand.u32 $0x1, s1  }
0x8c: {  	s17 =	sshll.u32 s0, $0xA;
	s2 =	sadd.s32 s3, s2  }
0x8d: {  	s2 =	sadd.s32 s2, s17  }
0x8e: {  	[smem:$0x3FC3] =	sst s2  }
0x8f: {  	_ = 	snop  }
0x90: {  	s2 =	sld [smem:$0x3FD0];
	(tm) =	ssettm $0x1  }
0x91: {  	s18 =	sld [smem:$0x3FFB];
	_ =	sdelay $0x3  }
0x92: {  	_ =	strace s18  }
0x93: {  	s3 =	sld [smem:$0x3FFC];
	_ =	sdelay $0x3  }
0x94: {  	_ =	strace s3  }
0x95: {  	s3 =	sld [smem:$0x3FFD];
	_ =	sdelay $0x3  }
0x96: {  	_ =	strace s3  }
0x97: {  	_ =	strace $0x8FFFFFFF  }
0x98: {  	s19 =	sld [smem:$0x3FDB];
	_ =	sdelay $0x1  }
0x99: {  	s4 =	simm.s32 $_scs_section_size  }
0x9a: {  	s5 =	simm.s32 $_size__tile_overlayer_lowered;
	s6 =	simm.s32 $_tile_overlayer_lowered  }
0x9b: {  	s22 =	simm.s32 $0x1BFF;
	s21 =	sshll.u32 s6, $0x1;
	s3 =	sadd.s32 s4, s19  }
0x9c: {  	s7 =	simm.s32 $0x0;
	s20 =	sshll.u32 s5, $0x1;
	s5 =	sadd.s32 s21, s3  }
0x9d: {  	[timem:s7], [sflag:s22] =	dma.local [hbm:s5], s20  }
0x9e: {  	_ =	swait.ge [sflag:s22], s20  }
0x9f: {  	s4 =	ssub.s32 $0x0, s20;
	[sflag:s22] =	ssyncset.done $0x0  }
0xa0: {  	[sflag:s22] =	ssyncadd.s32 s4;
	_ =	sdelay $0x1  }
0xa1: {  	s23 =	simm.s32 $0x1B8B  }
0xa2: {  	_ =	swait.ge [sflag:s23], $0x1  }
0xa3: {  	[sflag:s23] =	ssyncset.done $0x0  }
0xa4: {  	s25 =	simm.s32 $0x1B8E;
	s24 =	sld [smem:$0x3FFE];
	[sflag:s23] =	ssyncadd.s32 $0xFFFFFFFF  }
0xa5: {  	s26 =	simm.s32 $execute0_lowered;
	[smem:$0x3FD2] =	sst s25  }
0xa6: {  	s5 =	sshll.u32 s26, $0x1;
	_ =	strace $0x80000046;
	[dreg:$0x1] =	wrdreg $0xFFFFFFFF  }
0xa7: {  	s28 =	simm.s32 $_size_execute0_lowered;
	s3 =	sadd.s32 s3, s5;
	[dreg:$0x0] =	wrdreg $0x0  }
0xa8: {  	s5 =	sshll.u32 s28, $0x1;
	[dreg:$0x2] =	wrdreg s3  }
0xa9: {  	[dreg:$0x3] =	wrdreg s5  }
0xaa: {  	[dreg:$0x4] =	wrdreg $0xC0  }
0xab: {  	_ =	task [dreg:s7], $0x5FFFF  }
0xac: {  	[dreg:$0x1] =	wrdreg $0xFFFFFFFF  }
0xad: {  	[dreg:$0x0] =	wrdreg $0x60  }
0xae: {  	[dreg:$0x2] =	wrdreg s24  }
0xaf: {  	[dreg:$0x3] =	wrdreg s2  }
0xb0: {  	[dreg:$0x4] =	wrdreg $0x9  }
0xb1: {  	_ =	task.clear_ibuf [dreg:s7], $0x5FFFF;
	_ =	strace $0x90000046  }
0xb2: {  	s29 =	simm.s32 $0x9;
	_ =	strace $0x80000048  }
0xb3: {  	_ =	swait.ge [sflag:s29], $0x1  }
0xb4: {  	[sflag:s29] =	ssyncadd.s32 $0xFFFFFFFF  }
0xb5: {  	_ =	strace $0x90000048  }
0xb6: {  	_ =	sfence  }
0xb7: {  	s30 =	sld [smem:$0x0];
	_ =	sdelay $0x2  }
0xb8: {  	s31 =	sshll.u32 s1, $0xD;
	s1 =	sshrl.u32 s1, $0x2  }
0xb9: {  	s3 =	sand.u32 $0x4000, s31;
	s1 =	sadd.s32 s1, s30  }
0xba: {  	s0 =	sor.u32 s3, s0;
	s1 =	sshll.u32 s1, $0x11  }
0xbb: {  	s0 =	sor.u32 s1, s0  }
0xbc: {  	s0 =	sadd.s32 $0x8F2B, s0  }
0xbd: {  	[sflag:s0] =	ssyncadd.remote.s32 $0x1  }
0xbe: {  	_ =	sfence.sel $0xFFFF  }
0xbf: {  	[dreg:$0x0] =	wrdreg $0xFFFFFFFF;
	(pc) =	sbr.abs _section_cstart, $3  }
0xc0: {  	[dreg:$0x1] =	wrdreg $0xFFFFFFFF  }
0xc1: {  	_ =	task.clear_ibuf [dreg:s7], $0x2FFFF;
	_ =	strace $0x9FFFFFFF  }
0xc2: {  	(tm) =	ssettm $0x7FFFFFFF  }
0xc3: {  	_ =	shalt  }
tec
execute0_lowered:
.L_overlay_start_1:
0x0: {  	(tag) =	ssettag $0x1  }
0x1: {  	s0 =	rddreg [dreg:$0x0]  }
0x2: {  	s2 =	rddreg [dreg:$0x1];
	s1 =	simm.s32 $0x0  }
0x3: {  	s4 =	srdreg.scid;
	s9 =	stileid.u32;
	s13 =	simm.s32 $0x50  }
0x4: {  	s11 =	simm.s32 $0x4000;
	s12 =	simm.s32 $0x6800;
	s21 =	simm.s32 $0x9000  }
0x5: {  	s19 =	simm.s32 $0x13000;
	s15 =	simm.s32 $0xE;
	s17 =	simm.s32 $0xF  }
0x6: {  	s14 =	simm.s32 $0x10;
	s16 =	simm.s32 $0x0;
	s30 =	simm.s32 $0x15800  }
0x7: {  	[smem:$0x7FF] =	sst s1;
	s3 =	sadd.s32 $0xA00, s0;
	s5 =	sand.u32 $0x1, s4  }
0x8: {  	s4 =	sadd.s32 $0x8600, s0;
	s7 =	sshll.u32 s9, $0x1;
	s9 =	smul.u32 $0x60000, s9  }
0x9: {  	s28 =	sadd.s32 $0x8900, s0;
	_ =	strace $0x80000047;
	s6 =	ssub.s32 $0x2, s5  }
0xa: {  	s7 =	sor.u32 s5, s7;
	s10 =	smul.u32 $0x30000, s5;
	[dreg:$0x6] =	wrdreg s28  }
0xb: {  	s8 =	sshrl.u32 s6, $0x1;
	s25 =	sshll.u32 s7, $0xB;
	s5 =	sshll.u32 s7, $0x9  }
0xc: {  	s26 =	sadd.s32 s9, s4;
	s7 =	sadd.s32 $0x8780, s0;
	s0 =	sadd.s32 $0x8A80, s0  }
.Ltmp0:
0xd: {  	s9 =	simm.s32 $0x10800;
	s6 =	ssub.s32 s6, s8;
	(pc) =	sbr.rel .LBB2_1-.Ltmp0, $4  }
0xe: {  	s2 =	sadd.s32 s2, s25;
	[dreg:$0x7] =	wrdreg s0;
	s8 =	simm.s32 $0xE000  }
0xf: {  	[dreg:$0x3] =	wrdreg s2;
	s2 =	sadd.s32 s10, s26;
	s29 =	smax.u32 s6, $0x1  }
0x10: {  	s0 =	simm.s32 $0xC;
	[dreg:$0x4] =	wrdreg s29;
	s31 =	sadd.s32 $0x480, s2  }
0x11: {  	s6 =	simm.s32 $0xB800;
	s10 =	simm.s32 $0xD;
	[dreg:$0x5] =	wrdreg s31  }
.LBB2_6:
0x12: {  	s2 =	simm.s32 $0x9  }
0x13: {  	_ =	swait.ge [sflag:s2], $0xA00  }
0x14: {  	[sflag:s2] =	ssyncset.done $0x0  }
0x15: {  	[sflag:s2] =	ssyncadd.s32 $0xFFFFF600  }
0x16: {  	_ =	swait.ge [sflag:s2], $0xA00  }
0x17: {  	[sflag:s2] =	ssyncset.done $0x0  }
0x18: {  	[sflag:s2] =	ssyncadd.s32 $0xFFFFF600  }
0x19: {  	_ =	swait.ge [sflag:s2], $0xA00  }
0x1a: {  	[sflag:s2] =	ssyncset.done $0x0  }
0x1b: {  	[sflag:s2] =	ssyncadd.s32 $0xFFFFF600  }
0x1c: {  	_ =	swait.ge [sflag:s2], $0xA00  }
0x1d: {  	[sflag:s2] =	ssyncset.done $0x0  }
0x1e: {  	s28 =	simm.s32 $0xA;
	[sflag:s2] =	ssyncadd.s32 $0xFFFFF600  }
0x1f: {  	_ =	swait.ge [sflag:s28], $0xA00  }
0x20: {  	[sflag:s28] =	ssyncset.done $0x0  }
0x21: {  	[sflag:s28] =	ssyncadd.s32 $0xFFFFF600  }
0x22: {  	_ =	swait.ge [sflag:s28], $0xA00  }
0x23: {  	[sflag:s28] =	ssyncset.done $0x0  }
0x24: {  	[sflag:s28] =	ssyncadd.s32 $0xFFFFF600  }
0x25: {  	_ =	swait.ge [sflag:s28], $0xA00  }
0x26: {  	[sflag:s28] =	ssyncset.done $0x0  }
0x27: {  	[sflag:s28] =	ssyncadd.s32 $0xFFFFF600  }
0x28: {  	_ =	swait.ge [sflag:s28], $0xA00  }
0x29: {  	[sflag:s28] =	ssyncset.done $0x0  }
0x2a: {  	s29 =	simm.s32 $0xB;
	[sflag:s28] =	ssyncadd.s32 $0xFFFFF600  }
0x2b: {  	_ =	swait.ge [sflag:s29], $0xA00  }
0x2c: {  	[sflag:s29] =	ssyncset.done $0x0  }
0x2d: {  	[sflag:s29] =	ssyncadd.s32 $0xFFFFF600  }
0x2e: {  	_ =	swait.ge [sflag:s29], $0xA00  }
0x2f: {  	[sflag:s29] =	ssyncset.done $0x0  }
0x30: {  	[sflag:s29] =	ssyncadd.s32 $0xFFFFF600  }
0x31: {  	_ =	swait.ge [sflag:s29], $0xA00  }
0x32: {  	[sflag:s29] =	ssyncset.done $0x0  }
0x33: {  	[sflag:s29] =	ssyncadd.s32 $0xFFFFF600  }
0x34: {  	_ =	swait.ge [sflag:s29], $0xA00  }
0x35: {  	[sflag:s29] =	ssyncset.done $0x0  }
0x36: {  	[sflag:s29] =	ssyncadd.s32 $0xFFFFF600  }
0x37: {  	_ =	swait.ge [sflag:s0], $0xA00  }
0x38: {  	[sflag:s0] =	ssyncset.done $0x0  }
0x39: {  	[sflag:s0] =	ssyncadd.s32 $0xFFFFF600  }
0x3a: {  	_ =	swait.ge [sflag:s0], $0xA00  }
0x3b: {  	[sflag:s0] =	ssyncset.done $0x0  }
0x3c: {  	[sflag:s0] =	ssyncadd.s32 $0xFFFFF600  }
0x3d: {  	_ =	swait.ge [sflag:s0], $0xA00  }
0x3e: {  	[sflag:s0] =	ssyncset.done $0x0  }
0x3f: {  	[sflag:s0] =	ssyncadd.s32 $0xFFFFF600  }
0x40: {  	_ =	swait.ge [sflag:s0], $0xA00  }
0x41: {  	[sflag:s0] =	ssyncset.done $0x0  }
0x42: {  	[sflag:s0] =	ssyncadd.s32 $0xFFFFF600  }
0x43: {  	_ =	swait.ge [sflag:s10], $0xA00  }
0x44: {  	[sflag:s10] =	ssyncset.done $0x0  }
0x45: {  	[sflag:s10] =	ssyncadd.s32 $0xFFFFF600  }
0x46: {  	_ =	swait.ge [sflag:s10], $0xA00  }
0x47: {  	[sflag:s10] =	ssyncset.done $0x0  }
0x48: {  	[sflag:s10] =	ssyncadd.s32 $0xFFFFF600  }
0x49: {  	_ =	swait.ge [sflag:s10], $0xA00  }
0x4a: {  	[sflag:s10] =	ssyncset.done $0x0  }
0x4b: {  	[sflag:s10] =	ssyncadd.s32 $0xFFFFF600  }
0x4c: {  	_ =	swait.ge [sflag:s10], $0xA00  }
0x4d: {  	[sflag:s10] =	ssyncset.done $0x0  }
0x4e: {  	[sflag:s10] =	ssyncadd.s32 $0xFFFFF600  }
0x4f: {  	_ =	swait.ge [sflag:s15], $0xA00  }
0x50: {  	[sflag:s15] =	ssyncset.done $0x0  }
0x51: {  	[sflag:s15] =	ssyncadd.s32 $0xFFFFF600  }
0x52: {  	_ =	swait.ge [sflag:s15], $0xA00  }
0x53: {  	[sflag:s15] =	ssyncset.done $0x0  }
0x54: {  	[sflag:s15] =	ssyncadd.s32 $0xFFFFF600  }
0x55: {  	_ =	swait.ge [sflag:s15], $0xA00  }
0x56: {  	[sflag:s15] =	ssyncset.done $0x0  }
0x57: {  	[sflag:s15] =	ssyncadd.s32 $0xFFFFF600  }
0x58: {  	_ =	swait.ge [sflag:s15], $0xA00  }
0x59: {  	[sflag:s15] =	ssyncset.done $0x0  }
0x5a: {  	[sflag:s15] =	ssyncadd.s32 $0xFFFFF600  }
0x5b: {  	_ =	swait.ge [sflag:s17], $0xA00  }
0x5c: {  	[sflag:s17] =	ssyncset.done $0x0  }
0x5d: {  	[sflag:s17] =	ssyncadd.s32 $0xFFFFF600  }
0x5e: {  	_ =	swait.ge [sflag:s17], $0xA00  }
0x5f: {  	[sflag:s17] =	ssyncset.done $0x0  }
0x60: {  	[sflag:s17] =	ssyncadd.s32 $0xFFFFF600  }
0x61: {  	_ =	swait.ge [sflag:s17], $0xA00  }
0x62: {  	[sflag:s17] =	ssyncset.done $0x0  }
0x63: {  	[sflag:s17] =	ssyncadd.s32 $0xFFFFF600  }
0x64: {  	_ =	swait.ge [sflag:s17], $0xA00  }
0x65: {  	[sflag:s17] =	ssyncset.done $0x0  }
0x66: {  	[sflag:s17] =	ssyncadd.s32 $0xFFFFF600  }
0x67: {  	_ =	swait.ge [sflag:s14], $0xA00  }
0x68: {  	[sflag:s14] =	ssyncset.done $0x0  }
0x69: {  	[sflag:s14] =	ssyncadd.s32 $0xFFFFF600  }
0x6a: {  	_ =	swait.ge [sflag:s14], $0xA00  }
0x6b: {  	[sflag:s14] =	ssyncset.done $0x0  }
0x6c: {  	[sflag:s14] =	ssyncadd.s32 $0xFFFFF600  }
0x6d: {  	_ =	swait.ge [sflag:s14], $0xA00  }
0x6e: {  	[sflag:s14] =	ssyncset.done $0x0  }
0x6f: {  	[sflag:s14] =	ssyncadd.s32 $0xFFFFF600  }
0x70: {  	_ =	swait.ge [sflag:s14], $0xA00  }
0x71: {  	s16 =	rddreg [dreg:$0x8]  }
0x72: {  	s31 =	rddreg [dreg:$0x4];
	s16 =	sadd.s32 $0x1, s16  }
0x73: {  	p0 =	sne.s32 s16, s31  }
.Ltmp1:
0x74: {  	_ = 	snop;
	(pc) =	sbr.rel @!p0 .LBB2_7-.Ltmp1, $3  }
0x75: {  	_ =	sdelay $0x1  }
0x76: {  	[sflag:s14] =	ssyncset.done $0x0  }
0x77: {  	[sflag:s14] =	ssyncadd.s32 $0xFFFFF600  }
.LBB2_1:
0x78: {  	[dreg:$0x8] =	wrdreg s16  }
.Ltmp2:
0x79: {  	s2 =	rddreg [dreg:$0x3];
	s31 =	simm.s32 $0x11;
	(pc) =	sbr.rel .LBB2_2-.Ltmp2, $4  }
0x7a: {  	[tilespmem:s1], [sflag:$0x11] =	stream.linear.gather [hbm4b:s2+s1], $0x4000, $0x38;
	[tilespmem:$0x18000] =	vst v63  }
0x7b: {  	_ =	swait.ge [sflag:s31], $0x4000  }
0x7c: {  	s16 =	simm.s32 $0x18;
	s20 =	simm.s32 $0x0;
	[sflag:s31] =	ssyncset.done $0x0  }
0x7d: {  	s22 =	simm.s32 $0x7;
	s18 =	rddreg [dreg:$0x5];
	[sflag:s31] =	ssyncadd.s32 $0xFFFFC000  }
.LBB2_4:
0x7e: {  	s2 =	simm.s32 $0x9  }
0x7f: {  	_ =	swait.ge [sflag:s2], $0xA00  }
0x80: {  	[sflag:s2] =	ssyncset.done $0x0  }
0x81: {  	[sflag:s2] =	ssyncadd.s32 $0xFFFFF600  }
0x82: {  	_ =	swait.ge [sflag:s2], $0xA00  }
0x83: {  	[sflag:s2] =	ssyncset.done $0x0  }
0x84: {  	[sflag:s2] =	ssyncadd.s32 $0xFFFFF600  }
0x85: {  	_ =	swait.ge [sflag:s2], $0xA00  }
0x86: {  	[sflag:s2] =	ssyncset.done $0x0  }
0x87: {  	[sflag:s2] =	ssyncadd.s32 $0xFFFFF600  }
0x88: {  	_ =	swait.ge [sflag:s2], $0xA00  }
0x89: {  	[sflag:s2] =	ssyncset.done $0x0  }
0x8a: {  	s24 =	sshra.s32 s20, $0x2;
	s25 =	simm.s32 $0xA;
	[sflag:s2] =	ssyncadd.s32 $0xFFFFF600  }
0x8b: {  	[tilespmem:s11], [sflag:$0x1] =	stream.indirect.gather [hbm4b:s3+s13], $0x80, s24, s13, $0xb8;
	[tilespmem:$0x18000] =	vst v63  }
0x8c: {  	_ =	swait.ge [sflag:s25], $0xA00  }
0x8d: {  	[sflag:s25] =	ssyncset.done $0x0  }
0x8e: {  	[sflag:s25] =	ssyncadd.s32 $0xFFFFF600  }
0x8f: {  	_ =	swait.ge [sflag:s25], $0xA00  }
0x90: {  	[sflag:s25] =	ssyncset.done $0x0  }
0x91: {  	[sflag:s25] =	ssyncadd.s32 $0xFFFFF600  }
0x92: {  	_ =	swait.ge [sflag:s25], $0xA00  }
0x93: {  	[sflag:s25] =	ssyncset.done $0x0  }
0x94: {  	[sflag:s25] =	ssyncadd.s32 $0xFFFFF600  }
0x95: {  	_ =	swait.ge [sflag:s25], $0xA00  }
0x96: {  	[sflag:s25] =	ssyncset.done $0x0  }
0x97: {  	s31 =	simm.s32 $0xB;
	s26 =	sadd.s32 $0x80, s24;
	[sflag:s25] =	ssyncadd.s32 $0xFFFFF600  }
0x98: {  	[tilespmem:s12], [sflag:$0x2] =	stream.indirect.gather [hbm4b:s3+s13], $0x80, s26, s13, $0xb8;
	[tilespmem:$0x18000] =	vst v63  }
0x99: {  	_ =	swait.ge [sflag:s31], $0xA00  }
0x9a: {  	[sflag:s31] =	ssyncset.done $0x0  }
0x9b: {  	[sflag:s31] =	ssyncadd.s32 $0xFFFFF600  }
0x9c: {  	_ =	swait.ge [sflag:s31], $0xA00  }
0x9d: {  	[sflag:s31] =	ssyncset.done $0x0  }
0x9e: {  	[sflag:s31] =	ssyncadd.s32 $0xFFFFF600  }
0x9f: {  	_ =	swait.ge [sflag:s31], $0xA00  }
0xa0: {  	[sflag:s31] =	ssyncset.done $0x0  }
0xa1: {  	[sflag:s31] =	ssyncadd.s32 $0xFFFFF600  }
0xa2: {  	_ =	swait.ge [sflag:s31], $0xA00  }
0xa3: {  	[sflag:s31] =	ssyncset.done $0x0  }
0xa4: {  	s12 =	sadd.s32 $0x100, s24;
	[sflag:s31] =	ssyncadd.s32 $0xFFFFF600  }
0xa5: {  	[tilespmem:s21], [sflag:$0x3] =	stream.indirect.gather [hbm4b:s3+s13], $0x80, s12, s13, $0xb8;
	[tilespmem:$0x18000] =	vst v63  }
0xa6: {  	_ =	swait.ge [sflag:s0], $0xA00  }
0xa7: {  	[sflag:s0] =	ssyncset.done $0x0  }
0xa8: {  	[sflag:s0] =	ssyncadd.s32 $0xFFFFF600  }
0xa9: {  	_ =	swait.ge [sflag:s0], $0xA00  }
0xaa: {  	[sflag:s0] =	ssyncset.done $0x0  }
0xab: {  	[sflag:s0] =	ssyncadd.s32 $0xFFFFF600  }
0xac: {  	_ =	swait.ge [sflag:s0], $0xA00  }
0xad: {  	[sflag:s0] =	ssyncset.done $0x0  }
0xae: {  	[sflag:s0] =	ssyncadd.s32 $0xFFFFF600  }
0xaf: {  	_ =	swait.ge [sflag:s0], $0xA00  }
0xb0: {  	[sflag:s0] =	ssyncset.done $0x0  }
0xb1: {  	s23 =	sadd.s32 $0x180, s24;
	[sflag:s0] =	ssyncadd.s32 $0xFFFFF600  }
0xb2: {  	[tilespmem:s6], [sflag:$0x4] =	stream.indirect.gather [hbm4b:s3+s13], $0x80, s23, s13, $0xb8;
	[tilespmem:$0x18000] =	vst v63  }
0xb3: {  	_ =	swait.ge [sflag:s10], $0xA00  }
0xb4: {  	[sflag:s10] =	ssyncset.done $0x0  }
0xb5: {  	[sflag:s10] =	ssyncadd.s32 $0xFFFFF600  }
0xb6: {  	_ =	swait.ge [sflag:s10], $0xA00  }
0xb7: {  	[sflag:s10] =	ssyncset.done $0x0  }
0xb8: {  	[sflag:s10] =	ssyncadd.s32 $0xFFFFF600  }
0xb9: {  	_ =	swait.ge [sflag:s10], $0xA00  }
0xba: {  	[sflag:s10] =	ssyncset.done $0x0  }
0xbb: {  	[sflag:s10] =	ssyncadd.s32 $0xFFFFF600  }
0xbc: {  	_ =	swait.ge [sflag:s10], $0xA00  }
0xbd: {  	[sflag:s10] =	ssyncset.done $0x0  }
0xbe: {  	s25 =	sadd.s32 $0x200, s24;
	[sflag:s10] =	ssyncadd.s32 $0xFFFFF600  }
0xbf: {  	[tilespmem:s8], [sflag:$0x5] =	stream.indirect.gather [hbm4b:s3+s13], $0x80, s25, s13, $0xb8;
	[tilespmem:$0x18000] =	vst v63  }
0xc0: {  	_ =	swait.ge [sflag:s15], $0xA00  }
0xc1: {  	[sflag:s15] =	ssyncset.done $0x0  }
0xc2: {  	[sflag:s15] =	ssyncadd.s32 $0xFFFFF600  }
0xc3: {  	_ =	swait.ge [sflag:s15], $0xA00  }
0xc4: {  	[sflag:s15] =	ssyncset.done $0x0  }
0xc5: {  	[sflag:s15] =	ssyncadd.s32 $0xFFFFF600  }
0xc6: {  	_ =	swait.ge [sflag:s15], $0xA00  }
0xc7: {  	[sflag:s15] =	ssyncset.done $0x0  }
0xc8: {  	[sflag:s15] =	ssyncadd.s32 $0xFFFFF600  }
0xc9: {  	_ =	swait.ge [sflag:s15], $0xA00  }
0xca: {  	[sflag:s15] =	ssyncset.done $0x0  }
0xcb: {  	s26 =	sadd.s32 $0x280, s24;
	[sflag:s15] =	ssyncadd.s32 $0xFFFFF600  }
0xcc: {  	[tilespmem:s9], [sflag:$0x6] =	stream.indirect.gather [hbm4b:s3+s13], $0x80, s26, s13, $0xb8;
	[tilespmem:$0x18000] =	vst v63  }
0xcd: {  	_ =	swait.ge [sflag:s17], $0xA00  }
0xce: {  	[sflag:s17] =	ssyncset.done $0x0  }
0xcf: {  	[sflag:s17] =	ssyncadd.s32 $0xFFFFF600  }
0xd0: {  	_ =	swait.ge [sflag:s17], $0xA00  }
0xd1: {  	[sflag:s17] =	ssyncset.done $0x0  }
0xd2: {  	[sflag:s17] =	ssyncadd.s32 $0xFFFFF600  }
0xd3: {  	_ =	swait.ge [sflag:s17], $0xA00  }
0xd4: {  	[sflag:s17] =	ssyncset.done $0x0  }
0xd5: {  	[sflag:s17] =	ssyncadd.s32 $0xFFFFF600  }
0xd6: {  	_ =	swait.ge [sflag:s17], $0xA00  }
0xd7: {  	[sflag:s17] =	ssyncset.done $0x0  }
0xd8: {  	s31 =	sadd.s32 $0x300, s24;
	[sflag:s17] =	ssyncadd.s32 $0xFFFFF600  }
0xd9: {  	[tilespmem:s19], [sflag:$0x7] =	stream.indirect.gather [hbm4b:s3+s13], $0x80, s31, s13, $0xb8;
	[tilespmem:$0x18000] =	vst v63  }
0xda: {  	_ =	swait.ge [sflag:s14], $0xA00  }
0xdb: {  	[sflag:s14] =	ssyncset.done $0x0  }
0xdc: {  	[sflag:s14] =	ssyncadd.s32 $0xFFFFF600  }
0xdd: {  	_ =	swait.ge [sflag:s14], $0xA00  }
0xde: {  	[sflag:s14] =	ssyncset.done $0x0  }
0xdf: {  	s29 =	sadd.s32 $0xFFFFFFF8, s16;
	s28 =	sadd.s32 $0xFFFFFFFC, s16;
	[sflag:s14] =	ssyncadd.s32 $0xFFFFF600  }
0xe0: {  	s2 =	sadd.s32 $0xFFFFFFF4, s16;
	s24 =	smov.u32 s22;
	_ =	swait.ge [sflag:s14], $0xA00  }
0xe1: {  	s21 =	sadd.s32 $0xFFFFFFEC, s16;
	s12 =	sadd.s32 $0xFFFFFFF0, s16;
	[sflag:s14] =	ssyncset.done $0x0  }
0xe2: {  	s6 =	simm.s32 $0x9000;
	s23 =	simm.s32 $0x6800;
	[sflag:s14] =	ssyncadd.s32 $0xFFFFF600  }
0xe3: {  	s25 =	simm.s32 $0x13000;
	s8 =	simm.s32 $0xB800;
	_ =	swait.ge [sflag:s14], $0xA00  }
0xe4: {  	s9 =	simm.s32 $0xE000;
	s26 =	smov.u32 s16;
	[sflag:s14] =	ssyncset.done $0x0  }
0xe5: {  	s19 =	simm.s32 $0x50;
	s13 =	simm.s32 $0x10800;
	[sflag:s14] =	ssyncadd.s32 $0xFFFFF600  }
.LBB2_5:
0xe6: {  	s31 =	sshll.u32 s24, $0x7  }
0xe7: {  	s31 =	sand.u32 $0x3FFFFF80, s31  }
0xe8: {  	[tilespmem:s30], [sflag:$0x8] =	stream.indirect.gather [hbm4b:s3+s19], $0x80, s31, s19, $0xb8;
	[tilespmem:$0x18000] =	vst v63  }
0xe9: {  	s31 =	simm.s32 $0x1  }
0xea: {  	_ =	swait.ge [sflag:s31], $0x2800  }
0xeb: {  	[sflag:s31] =	ssyncset.done $0x0  }
0xec: {  	s19 =	sadd.s32 $0xFFFFFB80, s18;
	[sflag:s31] =	ssyncadd.s32 $0xFFFFD800  }
0xed: {  	[hbm4b:s19+s1] =	stream.linear.scatter [tilespmem:s11], [sflag:$0x9], $0xA00, $0x38;
	[tilespmem:$0x18000] =	vst v63  }
0xee: {  	s11 =	sadd.s32 $0xFFFFFD00, s18;
	s19 =	simm.s32 $0x4A00  }
0xef: {  	[hbm4b:s11+s1] =	stream.linear.scatter [tilespmem:s19], [sflag:$0x9], $0xA00, $0x38;
	[tilespmem:$0x18000] =	vst v63  }
0xf0: {  	s11 =	sadd.s32 $0xFFFFFE80, s18;
	s19 =	simm.s32 $0x5400  }
0xf1: {  	[hbm4b:s11+s1] =	stream.linear.scatter [tilespmem:s19], [sflag:$0x9], $0xA00, $0x38;
	[tilespmem:$0x18000] =	vst v63  }
0xf2: {  	s21 =	sor.u32 s5, s21;
	s31 =	simm.s32 $0x5E00  }
0xf3: {  	[hbm4b:s18+s1] =	stream.linear.scatter [tilespmem:s31], [sflag:$0x9], $0xA00, $0x38;
	[tilespmem:$0x18000] =	vst v63  }
0xf4: {  	s19 =	simm.s32 $0x2;
	s31 =	smul.u32 $0x180, s21  }
0xf5: {  	s21 =	smul.u32 $0xC00, s21;
	_ =	swait.ge [sflag:s19], $0x2800  }
0xf6: {  	[sflag:s19] =	ssyncset.done $0x0  }
0xf7: {  	s21 =	sshrl.u32 s21, $0x3;
	[sflag:s19] =	ssyncadd.s32 $0xFFFFD800;
	s19 =	sadd.s32 s4, s31  }
0xf8: {  	[hbm4b:s19+s1] =	stream.linear.scatter [tilespmem:s23], [sflag:$0xA], $0xA00, $0x38;
	[tilespmem:$0x18000] =	vst v63  }
0xf9: {  	s11 =	sadd.s32 s4, s21;
	s23 =	sadd.s32 s31, s7;
	s31 =	simm.s32 $0x7200  }
0xfa: {  	[hbm4b:s23+s1] =	stream.linear.scatter [tilespmem:s31], [sflag:$0xA], $0xA00, $0x38;
	[tilespmem:$0x18000] =	vst v63  }
0xfb: {  	s23 =	sadd.s32 $0x300, s11;
	s31 =	simm.s32 $0x7C00  }
0xfc: {  	[hbm4b:s23+s1] =	stream.linear.scatter [tilespmem:s31], [sflag:$0xA], $0xA00, $0x38;
	[tilespmem:$0x18000] =	vst v63  }
0xfd: {  	s21 =	simm.s32 $0x8600;
	s11 =	sadd.s32 $0x480, s11  }
0xfe: {  	[hbm4b:s11+s1] =	stream.linear.scatter [tilespmem:s21], [sflag:$0xA], $0xA00, $0x38;
	[tilespmem:$0x18000] =	vst v63  }
0xff: {  	s23 =	simm.s32 $0x3;
	s11 =	sor.u32 s5, s12  }
0x100: {  	_ =	swait.ge [sflag:s23], $0x2800;
	s12 =	smul.u32 $0x180, s11  }
0x101: {  	[sflag:s23] =	ssyncset.done $0x0  }
0x102: {  	[sflag:s23] =	ssyncadd.s32 $0xFFFFD800;
	s31 =	sadd.s32 s4, s12  }
0x103: {  	[hbm4b:s31+s1] =	stream.linear.scatter [tilespmem:s6], [sflag:$0xB], $0xA00, $0x38;
	[tilespmem:$0x18000] =	vst v63  }
0x104: {  	s19 =	simm.s32 $0x9A00;
	s11 =	smul.u32 $0xC00, s11;
	s6 =	sadd.s32 s12, s7  }
0x105: {  	[hbm4b:s6+s1] =	stream.linear.scatter [tilespmem:s19], [sflag:$0xB], $0xA00, $0x38;
	[tilespmem:$0x18000] =	vst v63  }
0x106: {  	s11 =	sshrl.u32 s11, $0x3;
	s6 =	rddreg [dreg:$0x6]  }
0x107: {  	s21 =	simm.s32 $0xA400;
	s11 =	sadd.s32 s4, s11;
	s12 =	sadd.s32 s12, s6  }
0x108: {  	[hbm4b:s12+s1] =	stream.linear.scatter [tilespmem:s21], [sflag:$0xB], $0xA00, $0x38;
	[tilespmem:$0x18000] =	vst v63  }
0x109: {  	s2 =	sor.u32 s5, s2;
	s23 =	simm.s32 $0xAE00;
	s11 =	sadd.s32 $0x480, s11  }
0x10a: {  	[hbm4b:s11+s1] =	stream.linear.scatter [tilespmem:s23], [sflag:$0xB], $0xA00, $0x38;
	[tilespmem:$0x18000] =	vst v63  }
0x10b: {  	s31 =	simm.s32 $0x4;
	s11 =	smul.u32 $0x180, s2  }
0x10c: {  	s2 =	smul.u32 $0xC00, s2;
	_ =	swait.ge [sflag:s31], $0x2800  }
0x10d: {  	s12 =	simm.s32 $0xD600;
	[sflag:s31] =	ssyncset.done $0x0  }
0x10e: {  	s19 =	sadd.s32 s4, s11;
	s2 =	sshrl.u32 s2, $0x3;
	[sflag:s31] =	ssyncadd.s32 $0xFFFFD800  }
0x10f: {  	[hbm4b:s19+s1] =	stream.linear.scatter [tilespmem:s8], [sflag:$0xC], $0xA00, $0x38;
	[tilespmem:$0x18000] =	vst v63  }
0x110: {  	s23 =	simm.s32 $0xC200;
	s21 =	sadd.s32 s11, s7;
	s2 =	sadd.s32 s4, s2  }
0x111: {  	[hbm4b:s21+s1] =	stream.linear.scatter [tilespmem:s23], [sflag:$0xC], $0xA00, $0x38;
	[tilespmem:$0x18000] =	vst v63  }
0x112: {  	s31 =	simm.s32 $0xCC00;
	s2 =	sadd.s32 $0x300, s2;
	s8 =	rddreg [dreg:$0x7]  }
0x113: {  	[hbm4b:s2+s1] =	stream.linear.scatter [tilespmem:s31], [sflag:$0xC], $0xA00, $0x38;
	[tilespmem:$0x18000] =	vst v63  }
0x114: {  	s19 =	sor.u32 s5, s29;
	s11 =	sadd.s32 s11, s8;
	s21 =	simm.s32 $0x5  }
0x115: {  	[hbm4b:s11+s1] =	stream.linear.scatter [tilespmem:s12], [sflag:$0xC], $0xA00, $0x38;
	[tilespmem:$0x18000] =	vst v63  }
0x116: {  	s2 =	smul.u32 $0x180, s19;
	_ =	swait.ge [sflag:s21], $0x2800  }
0x117: {  	[sflag:s21] =	ssyncset.done $0x0  }
0x118: {  	s23 =	sadd.s32 s4, s2;
	[sflag:s21] =	ssyncadd.s32 $0xFFFFD800  }
0x119: {  	[hbm4b:s23+s1] =	stream.linear.scatter [tilespmem:s9], [sflag:$0xD], $0xA00, $0x38;
	[tilespmem:$0x18000] =	vst v63  }
0x11a: {  	s31 =	simm.s32 $0xEA00;
	s19 =	simm.s32 $0xFE00;
	s29 =	sadd.s32 s2, s7  }
0x11b: {  	[hbm4b:s29+s1] =	stream.linear.scatter [tilespmem:s31], [sflag:$0xD], $0xA00, $0x38;
	[tilespmem:$0x18000] =	vst v63  }
0x11c: {  	s12 =	simm.s32 $0xF400;
	s21 =	sor.u32 s5, s28;
	s9 =	sadd.s32 s2, s6  }
0x11d: {  	[hbm4b:s9+s1] =	stream.linear.scatter [tilespmem:s12], [sflag:$0xD], $0xA00, $0x38;
	[tilespmem:$0x18000] =	vst v63  }
0x11e: {  	s2 =	sadd.s32 s2, s8;
	s23 =	simm.s32 $0x6;
	s28 =	smul.u32 $0x180, s21  }
0x11f: {  	[hbm4b:s2+s1] =	stream.linear.scatter [tilespmem:s19], [sflag:$0xD], $0xA00, $0x38;
	[tilespmem:$0x18000] =	vst v63  }
0x120: {  	s20 =	sadd.s32 $0x1000, s20;
	s2 =	smul.u32 $0xC00, s21;
	_ =	swait.ge [sflag:s23], $0x2800  }
0x121: {  	s22 =	sadd.s32 $0x8, s22;
	s16 =	sadd.s32 $0x20, s16;
	[sflag:s23] =	ssyncset.done $0x0  }
0x122: {  	s29 =	sadd.s32 s4, s28;
	s2 =	sshrl.u32 s2, $0x3;
	[sflag:s23] =	ssyncadd.s32 $0xFFFFD800  }
0x123: {  	[hbm4b:s29+s1] =	stream.linear.scatter [tilespmem:s13], [sflag:$0xE], $0xA00, $0x38;
	[tilespmem:$0x18000] =	vst v63  }
0x124: {  	s11 =	sadd.s32 s28, s7;
	s31 =	simm.s32 $0x11200;
	s2 =	sadd.s32 s4, s2  }
0x125: {  	[hbm4b:s11+s1] =	stream.linear.scatter [tilespmem:s31], [sflag:$0xE], $0xA00, $0x38;
	[tilespmem:$0x18000] =	vst v63  }
0x126: {  	s19 =	simm.s32 $0x12600;
	s12 =	sadd.s32 $0x300, s2;
	s13 =	simm.s32 $0x11C00  }
0x127: {  	[hbm4b:s12+s1] =	stream.linear.scatter [tilespmem:s13], [sflag:$0xE], $0xA00, $0x38;
	[tilespmem:$0x18000] =	vst v63  }
0x128: {  	s21 =	sor.u32 s5, s26;
	s23 =	simm.s32 $0x7;
	s2 =	sadd.s32 $0x480, s2  }
0x129: {  	[hbm4b:s2+s1] =	stream.linear.scatter [tilespmem:s19], [sflag:$0xE], $0xA00, $0x38;
	[tilespmem:$0x18000] =	vst v63  }
0x12a: {  	p0 =	sne.s32 s20, $0x10000;
	s26 =	smul.u32 $0x180, s21;
	_ =	swait.ge [sflag:s23], $0x2800  }
0x12b: {  	s18 =	sadd.s32 $0x3000, s18;
	s9 =	simm.s32 $0x10800;
	[sflag:s23] =	ssyncset.done $0x0  }
0x12c: {  	s28 =	sadd.s32 s4, s26;
	s2 =	smul.u32 $0xC00, s21;
	[sflag:s23] =	ssyncadd.s32 $0xFFFFD800  }
0x12d: {  	[hbm4b:s28+s1] =	stream.linear.scatter [tilespmem:s25], [sflag:$0xF], $0xA00, $0x38;
	[tilespmem:$0x18000] =	vst v63  }
0x12e: {  	s29 =	sadd.s32 s26, s7;
	s31 =	simm.s32 $0x13A00;
	s2 =	sshrl.u32 s2, $0x3  }
0x12f: {  	[hbm4b:s29+s1] =	stream.linear.scatter [tilespmem:s31], [sflag:$0xF], $0xA00, $0x38;
	[tilespmem:$0x18000] =	vst v63  }
0x130: {  	s11 =	sadd.s32 s26, s6;
	s12 =	simm.s32 $0x14400;
	s2 =	sadd.s32 s4, s2  }
0x131: {  	[hbm4b:s11+s1] =	stream.linear.scatter [tilespmem:s12], [sflag:$0xF], $0xA00, $0x38;
	[tilespmem:$0x18000] =	vst v63  }
0x132: {  	s13 =	simm.s32 $0x14E00;
	s19 =	sshll.u32 s24, $0x2;
	s2 =	sadd.s32 $0x480, s2  }
0x133: {  	[hbm4b:s2+s1] =	stream.linear.scatter [tilespmem:s13], [sflag:$0xF], $0xA00, $0x38;
	[tilespmem:$0x18000] =	vst v63  }
0x134: {  	s26 =	simm.s32 $0x16200;
	s21 =	simm.s32 $0x8;
	s2 =	sadd.s32 s5, s19  }
0x135: {  	s6 =	simm.s32 $0xB800;
	_ =	swait.ge [sflag:s21], $0x2800;
	s23 =	smul.u32 $0x180, s2  }
0x136: {  	s28 =	simm.s32 $0x16C00;
	s31 =	simm.s32 $0x17600;
	[sflag:s21] =	ssyncset.done $0x0  }
0x137: {  	s2 =	smul.u32 $0xC00, s2;
	[sflag:s21] =	ssyncadd.s32 $0xFFFFD800;
	s24 =	sadd.s32 s4, s23  }
0x138: {  	[hbm4b:s24+s1] =	stream.linear.scatter [tilespmem:s30], [sflag:$0x10], $0xA00, $0x38;
	[tilespmem:$0x18000] =	vst v63  }
0x139: {  	s11 =	simm.s32 $0x4000;
	s25 =	sadd.s32 s23, s7;
	s2 =	sshrl.u32 s2, $0x3  }
0x13a: {  	[hbm4b:s25+s1] =	stream.linear.scatter [tilespmem:s26], [sflag:$0x10], $0xA00, $0x38;
	[tilespmem:$0x18000] =	vst v63  }
.Ltmp3:
0x13b: {  	s12 =	simm.s32 $0x6800;
	s2 =	sadd.s32 s4, s2;
	(pc) =	sbr.rel @!p0 .LBB2_6-.Ltmp3, $4  }
0x13c: {  	s13 =	simm.s32 $0x50;
	s19 =	simm.s32 $0x13000;
	s2 =	sadd.s32 $0x300, s2  }
0x13d: {  	[hbm4b:s2+s1] =	stream.linear.scatter [tilespmem:s28], [sflag:$0x10], $0xA00, $0x38;
	[tilespmem:$0x18000] =	vst v63  }
0x13e: {  	s29 =	sadd.s32 s23, s8;
	s21 =	simm.s32 $0x9000;
	s8 =	simm.s32 $0xE000  }
0x13f: {  	[hbm4b:s29+s1] =	stream.linear.scatter [tilespmem:s31], [sflag:$0x10], $0xA00, $0x38;
	[tilespmem:$0x18000] =	vst v63  }
.LBB2_2:
0x140: {  	p0 =	sne.s32 s20, $0x0  }
.Ltmp4:
0x141: {  	_ = 	snop;
	(pc) =	sbr.rel @p0 .LBB2_4-.Ltmp4, $1  }
0x142: {  	_ =	sdelay $0x3  }
0x143: {  	[tilespmem:s11], [sflag:$0x1] =	stream.indirect.gather [hbm4b:s3+s13], $0x80, s1, s13, $0xb8;
	[tilespmem:$0x18000] =	vst v63  }
0x144: {  	s2 =	simm.s32 $0x80;
	s23 =	simm.s32 $0x100;
	s24 =	simm.s32 $0x180  }
0x145: {  	[tilespmem:s12], [sflag:$0x2] =	stream.indirect.gather [hbm4b:s3+s13], $0x80, s2, s13, $0xb8;
	[tilespmem:$0x18000] =	vst v63  }
0x146: {  	s25 =	simm.s32 $0x200;
	s26 =	simm.s32 $0x280;
	s31 =	simm.s32 $0x300  }
0x147: {  	[tilespmem:s21], [sflag:$0x3] =	stream.indirect.gather [hbm4b:s3+s13], $0x80, s23, s13, $0xb8;
	[tilespmem:$0x18000] =	vst v63  }
0x148: {  	s29 =	simm.s32 $0x10;
	s28 =	simm.s32 $0x14;
	s12 =	simm.s32 $0x8  }
0x149: {  	[tilespmem:s6], [sflag:$0x4] =	stream.indirect.gather [hbm4b:s3+s13], $0x80, s24, s13, $0xb8;
	[tilespmem:$0x18000] =	vst v63  }
0x14a: {  	s2 =	simm.s32 $0xC;
	s23 =	simm.s32 $0x6800;
	s21 =	simm.s32 $0x4  }
0x14b: {  	[tilespmem:s8], [sflag:$0x5] =	stream.indirect.gather [hbm4b:s3+s13], $0x80, s25, s13, $0xb8;
	[tilespmem:$0x18000] =	vst v63  }
.Ltmp5:
0x14c: {  	s6 =	simm.s32 $0x9000;
	s24 =	simm.s32 $0x7;
	(pc) =	sbr.rel .LBB2_5-.Ltmp5, $4  }
0x14d: {  	[tilespmem:s9], [sflag:$0x6] =	stream.indirect.gather [hbm4b:s3+s13], $0x80, s26, s13, $0xb8;
	[tilespmem:$0x18000] =	vst v63  }
0x14e: {  	s25 =	simm.s32 $0x13000;
	s8 =	simm.s32 $0xB800;
	s26 =	simm.s32 $0x18  }
0x14f: {  	[tilespmem:s19], [sflag:$0x7] =	stream.indirect.gather [hbm4b:s3+s13], $0x80, s31, s13, $0xb8;
	[tilespmem:$0x18000] =	vst v63  }
0x150: {  	s9 =	simm.s32 $0xE000;
	s19 =	simm.s32 $0x50;
	s13 =	simm.s32 $0x10800  }
.LBB2_7:
0x151: {  	_ =	sfence.sel $0x180000  }
0x152: {  	[bflag:$0x0] =	sbarrier.arrive $0xFFFF  }
0x153: {  	_ =	strace $0x90000047  }
0x154: {  	s0 =	stileid.u32;
	[bflag:$0x2] =	sbarrier.arrive $0xFFFF  }
0x155: {  	p0 =	sne.s32 s0, $0x0;
	s0 =	rddreg [dreg:$0x2]  }
0x156: {  	s0 =	sadd.s32 @!p0 $0x100000, s0  }
0x157: {  	[sflag:s0] =	ssyncadd.tile.s32 @!p0 $0x1;
	_ =	shalt  }
.Lfunc_end2:
_tile_overlayer_lowered:
.L_overlay_start_2:
0x158: {  	(tag) =	ssettag $0x2  }
0x159: {  	s0 =	rddreg [dreg:$0x0];
	s2 =	stileid.u32  }
0x15a: {  	s1 =	rddreg [dreg:$0x1];
	p0 =	sne.s32 s2, $0x0  }
0x15b: {  	s3 =	rddreg [dreg:$0x2];
	[bflag:$0x3] =	sbarrier.arrive $0xFFFF;
	s2 =	simm.s32 @!p0 $0x1C11  }
0x15c: {  	[timem:s3], [sflag:s2] =	dma.local @!p0 [hbm:s0], s1  }
0x15d: {  	s0 =	simm.s32 @!p0 $0x11  }
0x15e: {  	_ =	swait.ge @!p0 [sflag:s0], s1  }
0x15f: {  	s1 =	ssub.s32 @!p0 $0x0, s1;
	[sflag:s0] =	ssyncset.done @!p0 $0x0  }
0x160: {  	[sflag:s0] =	ssyncadd.s32 @!p0 s1  }
0x161: {  	[bflag:$0x3] =	sbarrier.arrive $0xFFFF  }
0x162: {  	_ =	shalt  }

</sc_bundles>
